<compile_context>
chip_gen: v7x
topology: tpu7x:2x2x1
jax: 0.10.2.dev20260603
libtpu: 0.0.44.dev20260713+nightly
codegen_flags: <defaults>
</compile_context>

<pallas_src>
import functools

import jax
import jax.numpy as jnp
from jax import lax
from jax.experimental import pallas as pl
from jax.experimental.pallas import tpu as pltpu
from jax.experimental.pallas import tpu_sc as plsc

BATCH = 16384
PEPTIDE = 31
VOCAB = 27
EMB = 64
PPAD = PEPTIDE + 1
ROWW = 2 * EMB

NUM_CORES = 2
NUM_SUBCORES = 16
NUM_WORKERS = NUM_CORES * NUM_SUBCORES
LANES = 16

TROWS = VOCAB * PEPTIDE
BCHUNK = 128
NBCHUNKS = (TROWS + BCHUNK - 1) // BCHUNK
TPAD = NBCHUNKS * BCHUNK
TOKENS = BATCH * PEPTIDE
TOK_PER_W = TOKENS // NUM_WORKERS
ROWS_PER_W = BATCH // NUM_WORKERS
GROUP = 4
NGROUPS = ROWS_PER_W // GROUP
NBUF = 4
EVECS = EMB // LANES


def _make_sc_kernel():
  mesh = plsc.VectorSubcoreMesh(core_axis_name="c", subcore_axis_name="s")

  return functools.partial(
      pl.kernel,
      mesh=mesh,
      out_type=jax.ShapeDtypeStruct((BATCH, PPAD, ROWW), jnp.float32),
      compiler_params=pltpu.CompilerParams(use_tc_tiling_on_sc=False),
      scratch_types=[
          pltpu.HBM((NUM_WORKERS * TPAD, ROWW), jnp.float32),
          pltpu.VMEM((BCHUNK, ROWW), jnp.float32),
          pltpu.VMEM((VOCAB, EMB), jnp.float32),
          pltpu.VMEM((PEPTIDE, EMB), jnp.float32),
          pltpu.VMEM((TOK_PER_W + LANES,), jnp.int32),
          pltpu.VMEM((ROWS_PER_W, PPAD), jnp.int32),
      ]
      + [pltpu.VMEM((GROUP, PPAD, ROWW), jnp.float32) for _ in range(NBUF)]
      + [pltpu.SemaphoreType.DMA for _ in range(2 * NBUF)],
  )


def _sc_body(aa_hbm, pos_hbm, x_hbm, out_hbm,
             ctab_hbm, bldv, aav, posv, xv, idxv,
             buf0, buf1, buf2, buf3,
             gsem0, gsem1, gsem2, gsem3,
             wsem0, wsem1, wsem2, wsem3):
  bufs = (buf0, buf1, buf2, buf3)
  gsems = (gsem0, gsem1, gsem2, gsem3)
  wsems = (wsem0, wsem1, wsem2, wsem3)

  wid = lax.axis_index("s") * NUM_CORES + lax.axis_index("c")
  row0 = wid * ROWS_PER_W
  tbase = wid * TPAD

  pltpu.sync_copy(x_hbm.at[wid], xv.at[pl.ds(0, TOK_PER_W)])
  pltpu.sync_copy(aa_hbm, aav)
  pltpu.sync_copy(pos_hbm, posv)

  def build_row(r01, c, carry):
    rr = jnp.minimum(c * BCHUNK + r01, TROWS - 1)
    v = lax.div(rr, PEPTIDE)
    p = lax.rem(rr, PEPTIDE)
    for e in range(EVECS):
      col = e * LANES
      bldv[r01, pl.ds(col, LANES)] = (
          aav[v, pl.ds(col, LANES)] + posv[p, pl.ds(col, LANES)])
    return carry

  for c in range(NBCHUNKS):
    lax.fori_loop(0, BCHUNK, lambda r01, cr: build_row(r01, c, cr), 0)
    pltpu.sync_copy(bldv, ctab_hbm.at[pl.ds(tbase + c * BCHUNK, BCHUNK)])

  iota = lax.iota(jnp.int32, LANES)
  base_lo = iota + tbase
  base_hi = iota + (LANES + tbase)

  def build_idx(g, carry):
    x_lo = xv[pl.ds(g * PEPTIDE, LANES)]
    x_hi = xv[pl.ds(g * PEPTIDE + LANES, LANES)]
    idxv[g, pl.ds(0, LANES)] = x_lo * PEPTIDE + base_lo
    idxv[g, pl.ds(LANES, LANES)] = jnp.where(
        iota < LANES - 1, x_hi * PEPTIDE + base_hi, tbase)
    return carry

  lax.fori_loop(0, ROWS_PER_W, build_idx, 0)

  def start_gathers(gg, b):
    for bb in range(GROUP):
      pltpu.async_copy(ctab_hbm.at[idxv.at[gg * GROUP + bb]],
                       bufs[b].at[bb], gsems[b])

  def wait_gathers(gg, b):
    for bb in range(GROUP):
      pltpu.make_async_copy(ctab_hbm.at[idxv.at[gg * GROUP + bb]],
                            bufs[b].at[bb], gsems[b]).wait()

  def start_write(gg, b):
    pltpu.async_copy(bufs[b], out_hbm.at[pl.ds(row0 + gg * GROUP, GROUP)],
                     wsems[b])

  def drain_write(b):
    pltpu.make_async_copy(bufs[b], out_hbm.at[pl.ds(row0, GROUP)],
                          wsems[b]).wait()

  start_gathers(0, 0)
  start_gathers(1, 1)

  def group_step(i, carry):
    for b in range(NBUF):
      gg = i * NBUF + b
      bn = (b + 2) % NBUF

      @pl.when(jnp.logical_and(gg >= 2, gg + 2 < NGROUPS))
      def _():
        drain_write(bn)

      @pl.when(gg + 2 < NGROUPS)
      def _():
        start_gathers(gg + 2, bn)

      wait_gathers(gg, b)
      start_write(gg, b)
    return carry

  lax.fori_loop(0, NGROUPS // NBUF, group_step, 0)

  for b in range(NBUF):
    drain_write(b)


def kernel(x, aa_table, pos_table):
  x2 = x.astype(jnp.int32).reshape(NUM_WORKERS, TOK_PER_W)
  out = _make_sc_kernel()(_sc_body)(aa_table, pos_table, x2)
  return out[:, :PEPTIDE, :EMB]

# --- scband reference (transcript-rebuilt; emitter-appended) ---
"""Pipeline reference for scband-first-layer-38414187495487 (READ-ONLY COPY).

The authoritative reference and input builder live on the scoring server;
editing this copy changes nothing except your own understanding.
"""

import jax, jax.numpy as jnp
import numpy as np

BATCH = 16384
PEPTIDE = 31
VOCAB = 27
EMB = 64

def setup_inputs(seed: int = 0) -> dict:
    key = jax.random.key(seed)
    k1, k2, k3 = jax.random.split(key, 3)
    x = jax.random.randint(k1, (BATCH, PEPTIDE), 0, VOCAB, dtype=jnp.int64 if jax.config.read('jax_enable_x64') else jnp.int32)
    aa_table = jax.random.normal(k2, (VOCAB, EMB), dtype=jnp.float32)
    pos_table = jax.random.normal(k3, (PEPTIDE, EMB), dtype=jnp.float32)
    return {"x": x, "aa_table": aa_table, "pos_table": pos_table}

def reference(x, aa_table, pos_table):
    # firstLayer with embeddingType='adaptiveEmbedding':
    # positionIndex = arange(31) expanded to x's shape [B, 31]
    position_index = jnp.broadcast_to(jnp.arange(PEPTIDE, dtype=x.dtype)[None, :], x.shape)
    # embedding = AAEmbedding(x) + positionEmbedding(positionIndex)
    embedding = jnp.take(aa_table, x, axis=0) + jnp.take(pos_table, position_index, axis=0)
    return embedding

if __name__ == "__main__":
    import jax
    _d = setup_inputs()
    print(jax.jit(kernel)(*tuple(_d.values())))

</pallas_src>

<mosaic_0001>
#map = affine_map<(d0, d1) -> (0, 0)>
#map1 = affine_map<(d0, d1) -> (0, 0, 0)>
module attributes {stable_mosaic.version = 14 : i64} {
  func.func @_sc_body(%arg0: i32, %arg1: i32, %arg2: memref<27x64xf32, #tpu.memory_space<hbm>>, %arg3: memref<31x64xf32, #tpu.memory_space<hbm>>, %arg4: memref<32x15872xi32, #tpu.memory_space<hbm>>, %arg5: memref<16384x32x128xf32, #tpu.memory_space<hbm>>, %arg6: memref<28672x128xf32, #tpu.memory_space<hbm>>, %arg7: memref<128x128xf32, #tpu.memory_space<vmem>>, %arg8: memref<27x64xf32, #tpu.memory_space<vmem>>, %arg9: memref<31x64xf32, #tpu.memory_space<vmem>>, %arg10: memref<15888xi32, #tpu.memory_space<vmem>>, %arg11: memref<512x32xi32, #tpu.memory_space<vmem>>, %arg12: memref<4x32x128xf32, #tpu.memory_space<vmem>>, %arg13: memref<4x32x128xf32, #tpu.memory_space<vmem>>, %arg14: memref<4x32x128xf32, #tpu.memory_space<vmem>>, %arg15: memref<4x32x128xf32, #tpu.memory_space<vmem>>, %arg16: memref<!tpu.dma_semaphore, #tpu.memory_space<semaphore_mem>>, %arg17: memref<!tpu.dma_semaphore, #tpu.memory_space<semaphore_mem>>, %arg18: memref<!tpu.dma_semaphore, #tpu.memory_space<semaphore_mem>>, %arg19: memref<!tpu.dma_semaphore, #tpu.memory_space<semaphore_mem>>, %arg20: memref<!tpu.dma_semaphore, #tpu.memory_space<semaphore_mem>>, %arg21: memref<!tpu.dma_semaphore, #tpu.memory_space<semaphore_mem>>, %arg22: memref<!tpu.dma_semaphore, #tpu.memory_space<semaphore_mem>>, %arg23: memref<!tpu.dma_semaphore, #tpu.memory_space<semaphore_mem>>) attributes {dimension_semantics = [#tpu.dimension_semantics<core_parallel>, #tpu.dimension_semantics<subcore_parallel>], iteration_bounds = array<i64: 2, 16>, scalar_prefetch = 0 : i64, scratch_operands = 18 : i64, tpu.core_type = #tpu.core_type<sc_vector_subcore>, window_params = [{transform_indices = #map}, {transform_indices = #map}, {transform_indices = #map}, {transform_indices = #map1}]} {
    %mul3A = arith.constant 2 : i32
    %mul3A_0 = arith.muli %arg1, %mul3A : i32
    %add3A = arith.addi %mul3A_0, %arg0 : i32
    %mul3A_1 = arith.constant 512 : i32
    %mul3A_2 = arith.muli %add3A, %mul3A_1 : i32
    %mul3A_3 = arith.constant 896 : i32
    %mul3A_4 = arith.muli %add3A, %mul3A_3 : i32
    "tpu.region"() ({
      %run_scoped3A = tpu.sem_alloc : memref<!tpu.dma_semaphore, #tpu.memory_space<semaphore_mem>>
      %dma_start3A_196 = arith.constant 0 : i32
      %dma_start3A_197 = tpu.memref_slice %arg10[%dma_start3A_196] : memref<15888xi32, #tpu.memory_space<vmem>> -> memref<15872xi32, #tpu.memory_space<vmem>>
      %dma_start3A_198 = arith.constant 0 : i32
      %dma_start3A_199 = tpu.memref_slice %arg4[%add3A, %dma_start3A_198] : memref<32x15872xi32, #tpu.memory_space<hbm>> -> memref<1x15872xi32, #tpu.memory_space<hbm>>
      %dma_start3A_200 = tpu.memref_squeeze %dma_start3A_199 : memref<1x15872xi32, #tpu.memory_space<hbm>> -> memref<15872xi32, #tpu.memory_space<hbm>>
      %dma_start3A_201 = arith.constant 0 : i32
      %dma_start3A_202 = tpu.memref_slice %arg10[%dma_start3A_201] : memref<15888xi32, #tpu.memory_space<vmem>> -> memref<15872xi32, #tpu.memory_space<vmem>>
      %dma_start3A_203 = arith.constant 0 : i32
      %dma_start3A_204 = tpu.memref_slice %arg4[%add3A, %dma_start3A_203] : memref<32x15872xi32, #tpu.memory_space<hbm>> -> memref<1x15872xi32, #tpu.memory_space<hbm>>
      %dma_start3A_205 = tpu.memref_squeeze %dma_start3A_204 : memref<1x15872xi32, #tpu.memory_space<hbm>> -> memref<15872xi32, #tpu.memory_space<hbm>>
      tpu.enqueue_dma source(%dma_start3A_205 : memref<15872xi32, #tpu.memory_space<hbm>>) target(%dma_start3A_202 : memref<15872xi32, #tpu.memory_space<vmem>>) target_semaphore(%run_scoped3A : memref<!tpu.dma_semaphore, #tpu.memory_space<semaphore_mem>>)
      %dma_wait3A_206 = arith.constant 0 : i32
      %dma_wait3A_207 = tpu.memref_slice %arg10[%dma_wait3A_206] : memref<15888xi32, #tpu.memory_space<vmem>> -> memref<15872xi32, #tpu.memory_space<vmem>>
      %dma_wait3A_208 = arith.constant 0 : i32
      %dma_wait3A_209 = tpu.memref_slice %arg4[%add3A, %dma_wait3A_208] : memref<32x15872xi32, #tpu.memory_space<hbm>> -> memref<1x15872xi32, #tpu.memory_space<hbm>>
      %dma_wait3A_210 = tpu.memref_squeeze %dma_wait3A_209 : memref<1x15872xi32, #tpu.memory_space<hbm>> -> memref<15872xi32, #tpu.memory_space<hbm>>
      %dma_wait3A_211 = arith.constant 0 : i32
      %dma_wait3A_212 = tpu.memref_slice %arg10[%dma_wait3A_211] : memref<15888xi32, #tpu.memory_space<vmem>> -> memref<15872xi32, #tpu.memory_space<vmem>>
      %dma_wait3A_213 = arith.constant 0 : i32
      %dma_wait3A_214 = tpu.memref_slice %arg4[%add3A, %dma_wait3A_213] : memref<32x15872xi32, #tpu.memory_space<hbm>> -> memref<1x15872xi32, #tpu.memory_space<hbm>>
      %dma_wait3A_215 = tpu.memref_squeeze %dma_wait3A_214 : memref<1x15872xi32, #tpu.memory_space<hbm>> -> memref<15872xi32, #tpu.memory_space<hbm>>
      tpu.wait_dma2 semaphore(%run_scoped3A : memref<!tpu.dma_semaphore, #tpu.memory_space<semaphore_mem>>) src(%dma_wait3A_215 : memref<15872xi32, #tpu.memory_space<hbm>>) dst(%dma_wait3A_212 : memref<15872xi32, #tpu.memory_space<vmem>>)
      tpu.yield
    }) : () -> ()
    "tpu.region"() ({
      %run_scoped3A = tpu.sem_alloc : memref<!tpu.dma_semaphore, #tpu.memory_space<semaphore_mem>>
      tpu.enqueue_dma source(%arg2 : memref<27x64xf32, #tpu.memory_space<hbm>>) target(%arg8 : memref<27x64xf32, #tpu.memory_space<vmem>>) target_semaphore(%run_scoped3A : memref<!tpu.dma_semaphore, #tpu.memory_space<semaphore_mem>>)
      tpu.wait_dma2 semaphore(%run_scoped3A : memref<!tpu.dma_semaphore, #tpu.memory_space<semaphore_mem>>) src(%arg2 : memref<27x64xf32, #tpu.memory_space<hbm>>) dst(%arg8 : memref<27x64xf32, #tpu.memory_space<vmem>>)
      tpu.yield
    }) : () -> ()
    "tpu.region"() ({
      %run_scoped3A = tpu.sem_alloc : memref<!tpu.dma_semaphore, #tpu.memory_space<semaphore_mem>>
      tpu.enqueue_dma source(%arg3 : memref<31x64xf32, #tpu.memory_space<hbm>>) target(%arg9 : memref<31x64xf32, #tpu.memory_space<vmem>>) target_semaphore(%run_scoped3A : memref<!tpu.dma_semaphore, #tpu.memory_space<semaphore_mem>>)
      tpu.wait_dma2 semaphore(%run_scoped3A : memref<!tpu.dma_semaphore, #tpu.memory_space<semaphore_mem>>) src(%arg3 : memref<31x64xf32, #tpu.memory_space<hbm>>) dst(%arg9 : memref<31x64xf32, #tpu.memory_space<vmem>>)
      tpu.yield
    }) : () -> ()
    %scan3A = arith.constant 0 : i32
    %scan3A_5 = arith.constant 0 : i32
    %scan3A_6 = arith.constant 128 : i32
    %scan3A_7 = arith.addi %scan3A_5, %scan3A_6 : i32
    %scan3A_8 = arith.constant 1 : i32
    scf.for %scan3A_196 = %scan3A_5 to %scan3A_7 step %scan3A_8  : i32 {
      %add3A_197 = arith.constant 0 : i32
      %add3A_198 = arith.addi %add3A_197, %scan3A_196 : i32
      %min3A = arith.constant 836 : i32
      %min3A_199 = arith.minsi %add3A_198, %min3A : i32
      %div3A = arith.constant 31 : i32
      %div3A_200 = arith.divsi %min3A_199, %div3A : i32
      %rem3A = arith.constant 31 : i32
      %rem3A_201 = arith.remsi %min3A_199, %rem3A : i32
      %get3A = arith.index_cast %div3A_200 : i32 to index
      %get3A_202 = arith.constant 0 : index
      %get3A_203 = tpu.vector_load %arg8[%get3A, %get3A_202] {strides = array<i32>} : memref<27x64xf32, #tpu.memory_space<vmem>>, vector<1x16xf32>,
      %get3A_204 = vector.shape_cast %get3A_203 : vector<1x16xf32> to vector<16xf32>
      %get3A_205 = arith.index_cast %rem3A_201 : i32 to index
      %get3A_206 = arith.constant 0 : index
      %get3A_207 = tpu.vector_load %arg9[%get3A_205, %get3A_206] {strides = array<i32>} : memref<31x64xf32, #tpu.memory_space<vmem>>, vector<1x16xf32>,
      %get3A_208 = vector.shape_cast %get3A_207 : vector<1x16xf32> to vector<16xf32>
      %add3A_209 = arith.addf %get3A_204, %get3A_208 : vector<16xf32>
      %swap3A = arith.index_cast %scan3A_196 : i32 to index
      %swap3A_210 = arith.constant 0 : index
      %swap3A_211 = tpu.vector_load %arg7[%swap3A, %swap3A_210] {strides = array<i32>} : memref<128x128xf32, #tpu.memory_space<vmem>>, vector<1x16xf32>,
      %swap3A_212 = vector.shape_cast %swap3A_211 : vector<1x16xf32> to vector<16xf32>
      %swap3A_213 = vector.shape_cast %add3A_209 : vector<16xf32> to vector<1x16xf32>
      tpu.vector_store %arg7[%swap3A, %swap3A_210], %swap3A_213 {strides = array<i32>} : memref<128x128xf32, #tpu.memory_space<vmem>>, vector<1x16xf32>,
      %get3A_214 = arith.index_cast %div3A_200 : i32 to index
      %get3A_215 = arith.constant 16 : index
      %get3A_216 = tpu.vector_load %arg8[%get3A_214, %get3A_215] {strides = array<i32>} : memref<27x64xf32, #tpu.memory_space<vmem>>, vector<1x16xf32>,
      %get3A_217 = vector.shape_cast %get3A_216 : vector<1x16xf32> to vector<16xf32>
      %get3A_218 = arith.index_cast %rem3A_201 : i32 to index
      %get3A_219 = arith.constant 16 : index
      %get3A_220 = tpu.vector_load %arg9[%get3A_218, %get3A_219] {strides = array<i32>} : memref<31x64xf32, #tpu.memory_space<vmem>>, vector<1x16xf32>,
      %get3A_221 = vector.shape_cast %get3A_220 : vector<1x16xf32> to vector<16xf32>
      %add3A_222 = arith.addf %get3A_217, %get3A_221 : vector<16xf32>
      %swap3A_223 = arith.index_cast %scan3A_196 : i32 to index
      %swap3A_224 = arith.constant 16 : index
      %swap3A_225 = tpu.vector_load %arg7[%swap3A_223, %swap3A_224] {strides = array<i32>} : memref<128x128xf32, #tpu.memory_space<vmem>>, vector<1x16xf32>,
      %swap3A_226 = vector.shape_cast %swap3A_225 : vector<1x16xf32> to vector<16xf32>
      %swap3A_227 = vector.shape_cast %add3A_222 : vector<16xf32> to vector<1x16xf32>
      tpu.vector_store %arg7[%swap3A_223, %swap3A_224], %swap3A_227 {strides = array<i32>} : memref<128x128xf32, #tpu.memory_space<vmem>>, vector<1x16xf32>,
      %get3A_228 = arith.index_cast %div3A_200 : i32 to index
      %get3A_229 = arith.constant 32 : index
      %get3A_230 = tpu.vector_load %arg8[%get3A_228, %get3A_229] {strides = array<i32>} : memref<27x64xf32, #tpu.memory_space<vmem>>, vector<1x16xf32>,
      %get3A_231 = vector.shape_cast %get3A_230 : vector<1x16xf32> to vector<16xf32>
      %get3A_232 = arith.index_cast %rem3A_201 : i32 to index
      %get3A_233 = arith.constant 32 : index
      %get3A_234 = tpu.vector_load %arg9[%get3A_232, %get3A_233] {strides = array<i32>} : memref<31x64xf32, #tpu.memory_space<vmem>>, vector<1x16xf32>,
      %get3A_235 = vector.shape_cast %get3A_234 : vector<1x16xf32> to vector<16xf32>
      %add3A_236 = arith.addf %get3A_231, %get3A_235 : vector<16xf32>
      %swap3A_237 = arith.index_cast %scan3A_196 : i32 to index
      %swap3A_238 = arith.constant 32 : index
      %swap3A_239 = tpu.vector_load %arg7[%swap3A_237, %swap3A_238] {strides = array<i32>} : memref<128x128xf32, #tpu.memory_space<vmem>>, vector<1x16xf32>,
      %swap3A_240 = vector.shape_cast %swap3A_239 : vector<1x16xf32> to vector<16xf32>
      %swap3A_241 = vector.shape_cast %add3A_236 : vector<16xf32> to vector<1x16xf32>
      tpu.vector_store %arg7[%swap3A_237, %swap3A_238], %swap3A_241 {strides = array<i32>} : memref<128x128xf32, #tpu.memory_space<vmem>>, vector<1x16xf32>,
      %get3A_242 = arith.index_cast %div3A_200 : i32 to index
      %get3A_243 = arith.constant 48 : index
      %get3A_244 = tpu.vector_load %arg8[%get3A_242, %get3A_243] {strides = array<i32>} : memref<27x64xf32, #tpu.memory_space<vmem>>, vector<1x16xf32>,
      %get3A_245 = vector.shape_cast %get3A_244 : vector<1x16xf32> to vector<16xf32>
      %get3A_246 = arith.index_cast %rem3A_201 : i32 to index
      %get3A_247 = arith.constant 48 : index
      %get3A_248 = tpu.vector_load %arg9[%get3A_246, %get3A_247] {strides = array<i32>} : memref<31x64xf32, #tpu.memory_space<vmem>>, vector<1x16xf32>,
      %get3A_249 = vector.shape_cast %get3A_248 : vector<1x16xf32> to vector<16xf32>
      %add3A_250 = arith.addf %get3A_245, %get3A_249 : vector<16xf32>
      %swap3A_251 = arith.index_cast %scan3A_196 : i32 to index
      %swap3A_252 = arith.constant 48 : index
      %swap3A_253 = tpu.vector_load %arg7[%swap3A_251, %swap3A_252] {strides = array<i32>} : memref<128x128xf32, #tpu.memory_space<vmem>>, vector<1x16xf32>,
      %swap3A_254 = vector.shape_cast %swap3A_253 : vector<1x16xf32> to vector<16xf32>
      %swap3A_255 = vector.shape_cast %add3A_250 : vector<16xf32> to vector<1x16xf32>
      tpu.vector_store %arg7[%swap3A_251, %swap3A_252], %swap3A_255 {strides = array<i32>} : memref<128x128xf32, #tpu.memory_space<vmem>>, vector<1x16xf32>,
    }
    %scan3A_9 = arith.constant 128 : i32
    %add3A_10 = arith.constant 0 : i32
    %add3A_11 = arith.addi %mul3A_4, %add3A_10 : i32
    "tpu.region"() ({
      %run_scoped3A = tpu.sem_alloc : memref<!tpu.dma_semaphore, #tpu.memory_space<semaphore_mem>>
      %dma_start3A_196 = arith.constant 0 : i32
      %dma_start3A_197 = tpu.memref_slice %arg6[%add3A_11, %dma_start3A_196] : memref<28672x128xf32, #tpu.memory_space<hbm>> -> memref<128x128xf32, #tpu.memory_space<hbm>>
      %dma_start3A_198 = arith.constant 0 : i32
      %dma_start3A_199 = tpu.memref_slice %arg6[%add3A_11, %dma_start3A_198] : memref<28672x128xf32, #tpu.memory_space<hbm>> -> memref<128x128xf32, #tpu.memory_space<hbm>>
      tpu.enqueue_dma source(%arg7 : memref<128x128xf32, #tpu.memory_space<vmem>>) target(%dma_start3A_199 : memref<128x128xf32, #tpu.memory_space<hbm>>) target_semaphore(%run_scoped3A : memref<!tpu.dma_semaphore, #tpu.memory_space<semaphore_mem>>)
      %dma_wait3A_200 = arith.constant 0 : i32
      %dma_wait3A_201 = tpu.memref_slice %arg6[%add3A_11, %dma_wait3A_200] : memref<28672x128xf32, #tpu.memory_space<hbm>> -> memref<128x128xf32, #tpu.memory_space<hbm>>
      %dma_wait3A_202 = arith.constant 0 : i32
      %dma_wait3A_203 = tpu.memref_slice %arg6[%add3A_11, %dma_wait3A_202] : memref<28672x128xf32, #tpu.memory_space<hbm>> -> memref<128x128xf32, #tpu.memory_space<hbm>>
      tpu.wait_dma2 semaphore(%run_scoped3A : memref<!tpu.dma_semaphore, #tpu.memory_space<semaphore_mem>>) src(%arg7 : memref<128x128xf32, #tpu.memory_space<vmem>>) dst(%dma_wait3A_203 : memref<128x128xf32, #tpu.memory_space<hbm>>)
      tpu.yield
    }) : () -> ()
    %scan3A_12 = arith.constant 0 : i32
    %scan3A_13 = arith.constant 0 : i32
    %scan3A_14 = arith.constant 128 : i32
    %scan3A_15 = arith.addi %scan3A_13, %scan3A_14 : i32
    %scan3A_16 = arith.constant 1 : i32
    scf.for %scan3A_196 = %scan3A_13 to %scan3A_15 step %scan3A_16  : i32 {
      %add3A_197 = arith.constant 128 : i32
      %add3A_198 = arith.addi %add3A_197, %scan3A_196 : i32
      %min3A = arith.constant 836 : i32
      %min3A_199 = arith.minsi %add3A_198, %min3A : i32
      %div3A = arith.constant 31 : i32
      %div3A_200 = arith.divsi %min3A_199, %div3A : i32
      %rem3A = arith.constant 31 : i32
      %rem3A_201 = arith.remsi %min3A_199, %rem3A : i32
      %get3A = arith.index_cast %div3A_200 : i32 to index
      %get3A_202 = arith.constant 0 : index
      %get3A_203 = tpu.vector_load %arg8[%get3A, %get3A_202] {strides = array<i32>} : memref<27x64xf32, #tpu.memory_space<vmem>>, vector<1x16xf32>,
      %get3A_204 = vector.shape_cast %get3A_203 : vector<1x16xf32> to vector<16xf32>
      %get3A_205 = arith.index_cast %rem3A_201 : i32 to index
      %get3A_206 = arith.constant 0 : index
      %get3A_207 = tpu.vector_load %arg9[%get3A_205, %get3A_206] {strides = array<i32>} : memref<31x64xf32, #tpu.memory_space<vmem>>, vector<1x16xf32>,
      %get3A_208 = vector.shape_cast %get3A_207 : vector<1x16xf32> to vector<16xf32>
      %add3A_209 = arith.addf %get3A_204, %get3A_208 : vector<16xf32>
      %swap3A = arith.index_cast %scan3A_196 : i32 to index
      %swap3A_210 = arith.constant 0 : index
      %swap3A_211 = tpu.vector_load %arg7[%swap3A, %swap3A_210] {strides = array<i32>} : memref<128x128xf32, #tpu.memory_space<vmem>>, vector<1x16xf32>,
      %swap3A_212 = vector.shape_cast %swap3A_211 : vector<1x16xf32> to vector<16xf32>
      %swap3A_213 = vector.shape_cast %add3A_209 : vector<16xf32> to vector<1x16xf32>
      tpu.vector_store %arg7[%swap3A, %swap3A_210], %swap3A_213 {strides = array<i32>} : memref<128x128xf32, #tpu.memory_space<vmem>>, vector<1x16xf32>,
      %get3A_214 = arith.index_cast %div3A_200 : i32 to index
      %get3A_215 = arith.constant 16 : index
      %get3A_216 = tpu.vector_load %arg8[%get3A_214, %get3A_215] {strides = array<i32>} : memref<27x64xf32, #tpu.memory_space<vmem>>, vector<1x16xf32>,
      %get3A_217 = vector.shape_cast %get3A_216 : vector<1x16xf32> to vector<16xf32>
      %get3A_218 = arith.index_cast %rem3A_201 : i32 to index
      %get3A_219 = arith.constant 16 : index
      %get3A_220 = tpu.vector_load %arg9[%get3A_218, %get3A_219] {strides = array<i32>} : memref<31x64xf32, #tpu.memory_space<vmem>>, vector<1x16xf32>,
      %get3A_221 = vector.shape_cast %get3A_220 : vector<1x16xf32> to vector<16xf32>
      %add3A_222 = arith.addf %get3A_217, %get3A_221 : vector<16xf32>
      %swap3A_223 = arith.index_cast %scan3A_196 : i32 to index
      %swap3A_224 = arith.constant 16 : index
      %swap3A_225 = tpu.vector_load %arg7[%swap3A_223, %swap3A_224] {strides = array<i32>} : memref<128x128xf32, #tpu.memory_space<vmem>>, vector<1x16xf32>,
      %swap3A_226 = vector.shape_cast %swap3A_225 : vector<1x16xf32> to vector<16xf32>
      %swap3A_227 = vector.shape_cast %add3A_222 : vector<16xf32> to vector<1x16xf32>
      tpu.vector_store %arg7[%swap3A_223, %swap3A_224], %swap3A_227 {strides = array<i32>} : memref<128x128xf32, #tpu.memory_space<vmem>>, vector<1x16xf32>,
      %get3A_228 = arith.index_cast %div3A_200 : i32 to index
      %get3A_229 = arith.constant 32 : index
      %get3A_230 = tpu.vector_load %arg8[%get3A_228, %get3A_229] {strides = array<i32>} : memref<27x64xf32, #tpu.memory_space<vmem>>, vector<1x16xf32>,
      %get3A_231 = vector.shape_cast %get3A_230 : vector<1x16xf32> to vector<16xf32>
      %get3A_232 = arith.index_cast %rem3A_201 : i32 to index
      %get3A_233 = arith.constant 32 : index
      %get3A_234 = tpu.vector_load %arg9[%get3A_232, %get3A_233] {strides = array<i32>} : memref<31x64xf32, #tpu.memory_space<vmem>>, vector<1x16xf32>,
      %get3A_235 = vector.shape_cast %get3A_234 : vector<1x16xf32> to vector<16xf32>
      %add3A_236 = arith.addf %get3A_231, %get3A_235 : vector<16xf32>
      %swap3A_237 = arith.index_cast %scan3A_196 : i32 to index
      %swap3A_238 = arith.constant 32 : index
      %swap3A_239 = tpu.vector_load %arg7[%swap3A_237, %swap3A_238] {strides = array<i32>} : memref<128x128xf32, #tpu.memory_space<vmem>>, vector<1x16xf32>,
      %swap3A_240 = vector.shape_cast %swap3A_239 : vector<1x16xf32> to vector<16xf32>
      %swap3A_241 = vector.shape_cast %add3A_236 : vector<16xf32> to vector<1x16xf32>
      tpu.vector_store %arg7[%swap3A_237, %swap3A_238], %swap3A_241 {strides = array<i32>} : memref<128x128xf32, #tpu.memory_space<vmem>>, vector<1x16xf32>,
      %get3A_242 = arith.index_cast %div3A_200 : i32 to index
      %get3A_243 = arith.constant 48 : index
      %get3A_244 = tpu.vector_load %arg8[%get3A_242, %get3A_243] {strides = array<i32>} : memref<27x64xf32, #tpu.memory_space<vmem>>, vector<1x16xf32>,
      %get3A_245 = vector.shape_cast %get3A_244 : vector<1x16xf32> to vector<16xf32>
      %get3A_246 = arith.index_cast %rem3A_201 : i32 to index
      %get3A_247 = arith.constant 48 : index
      %get3A_248 = tpu.vector_load %arg9[%get3A_246, %get3A_247] {strides = array<i32>} : memref<31x64xf32, #tpu.memory_space<vmem>>, vector<1x16xf32>,
      %get3A_249 = vector.shape_cast %get3A_248 : vector<1x16xf32> to vector<16xf32>
      %add3A_250 = arith.addf %get3A_245, %get3A_249 : vector<16xf32>
      %swap3A_251 = arith.index_cast %scan3A_196 : i32 to index
      %swap3A_252 = arith.constant 48 : index
      %swap3A_253 = tpu.vector_load %arg7[%swap3A_251, %swap3A_252] {strides = array<i32>} : memref<128x128xf32, #tpu.memory_space<vmem>>, vector<1x16xf32>,
      %swap3A_254 = vector.shape_cast %swap3A_253 : vector<1x16xf32> to vector<16xf32>
      %swap3A_255 = vector.shape_cast %add3A_250 : vector<16xf32> to vector<1x16xf32>
      tpu.vector_store %arg7[%swap3A_251, %swap3A_252], %swap3A_255 {strides = array<i32>} : memref<128x128xf32, #tpu.memory_space<vmem>>, vector<1x16xf32>,
    }
    %scan3A_17 = arith.constant 128 : i32
    %add3A_18 = arith.constant 128 : i32
    %add3A_19 = arith.addi %mul3A_4, %add3A_18 : i32
    "tpu.region"() ({
      %run_scoped3A = tpu.sem_alloc : memref<!tpu.dma_semaphore, #tpu.memory_space<semaphore_mem>>
      %dma_start3A_196 = arith.constant 0 : i32
      %dma_start3A_197 = tpu.memref_slice %arg6[%add3A_19, %dma_start3A_196] : memref<28672x128xf32, #tpu.memory_space<hbm>> -> memref<128x128xf32, #tpu.memory_space<hbm>>
      %dma_start3A_198 = arith.constant 0 : i32
      %dma_start3A_199 = tpu.memref_slice %arg6[%add3A_19, %dma_start3A_198] : memref<28672x128xf32, #tpu.memory_space<hbm>> -> memref<128x128xf32, #tpu.memory_space<hbm>>
      tpu.enqueue_dma source(%arg7 : memref<128x128xf32, #tpu.memory_space<vmem>>) target(%dma_start3A_199 : memref<128x128xf32, #tpu.memory_space<hbm>>) target_semaphore(%run_scoped3A : memref<!tpu.dma_semaphore, #tpu.memory_space<semaphore_mem>>)
      %dma_wait3A_200 = arith.constant 0 : i32
      %dma_wait3A_201 = tpu.memref_slice %arg6[%add3A_19, %dma_wait3A_200] : memref<28672x128xf32, #tpu.memory_space<hbm>> -> memref<128x128xf32, #tpu.memory_space<hbm>>
      %dma_wait3A_202 = arith.constant 0 : i32
      %dma_wait3A_203 = tpu.memref_slice %arg6[%add3A_19, %dma_wait3A_202] : memref<28672x128xf32, #tpu.memory_space<hbm>> -> memref<128x128xf32, #tpu.memory_space<hbm>>
      tpu.wait_dma2 semaphore(%run_scoped3A : memref<!tpu.dma_semaphore, #tpu.memory_space<semaphore_mem>>) src(%arg7 : memref<128x128xf32, #tpu.memory_space<vmem>>) dst(%dma_wait3A_203 : memref<128x128xf32, #tpu.memory_space<hbm>>)
      tpu.yield
    }) : () -> ()
    %scan3A_20 = arith.constant 0 : i32
    %scan3A_21 = arith.constant 0 : i32
    %scan3A_22 = arith.constant 128 : i32
    %scan3A_23 = arith.addi %scan3A_21, %scan3A_22 : i32
    %scan3A_24 = arith.constant 1 : i32
    scf.for %scan3A_196 = %scan3A_21 to %scan3A_23 step %scan3A_24  : i32 {
      %add3A_197 = arith.constant 256 : i32
      %add3A_198 = arith.addi %add3A_197, %scan3A_196 : i32
      %min3A = arith.constant 836 : i32
      %min3A_199 = arith.minsi %add3A_198, %min3A : i32
      %div3A = arith.constant 31 : i32
      %div3A_200 = arith.divsi %min3A_199, %div3A : i32
      %rem3A = arith.constant 31 : i32
      %rem3A_201 = arith.remsi %min3A_199, %rem3A : i32
      %get3A = arith.index_cast %div3A_200 : i32 to index
      %get3A_202 = arith.constant 0 : index
      %get3A_203 = tpu.vector_load %arg8[%get3A, %get3A_202] {strides = array<i32>} : memref<27x64xf32, #tpu.memory_space<vmem>>, vector<1x16xf32>,
      %get3A_204 = vector.shape_cast %get3A_203 : vector<1x16xf32> to vector<16xf32>
      %get3A_205 = arith.index_cast %rem3A_201 : i32 to index
      %get3A_206 = arith.constant 0 : index
      %get3A_207 = tpu.vector_load %arg9[%get3A_205, %get3A_206] {strides = array<i32>} : memref<31x64xf32, #tpu.memory_space<vmem>>, vector<1x16xf32>,
      %get3A_208 = vector.shape_cast %get3A_207 : vector<1x16xf32> to vector<16xf32>
      %add3A_209 = arith.addf %get3A_204, %get3A_208 : vector<16xf32>
      %swap3A = arith.index_cast %scan3A_196 : i32 to index
      %swap3A_210 = arith.constant 0 : index
      %swap3A_211 = tpu.vector_load %arg7[%swap3A, %swap3A_210] {strides = array<i32>} : memref<128x128xf32, #tpu.memory_space<vmem>>, vector<1x16xf32>,
      %swap3A_212 = vector.shape_cast %swap3A_211 : vector<1x16xf32> to vector<16xf32>
      %swap3A_213 = vector.shape_cast %add3A_209 : vector<16xf32> to vector<1x16xf32>
      tpu.vector_store %arg7[%swap3A, %swap3A_210], %swap3A_213 {strides = array<i32>} : memref<128x128xf32, #tpu.memory_space<vmem>>, vector<1x16xf32>,
      %get3A_214 = arith.index_cast %div3A_200 : i32 to index
      %get3A_215 = arith.constant 16 : index
      %get3A_216 = tpu.vector_load %arg8[%get3A_214, %get3A_215] {strides = array<i32>} : memref<27x64xf32, #tpu.memory_space<vmem>>, vector<1x16xf32>,
      %get3A_217 = vector.shape_cast %get3A_216 : vector<1x16xf32> to vector<16xf32>
      %get3A_218 = arith.index_cast %rem3A_201 : i32 to index
      %get3A_219 = arith.constant 16 : index
      %get3A_220 = tpu.vector_load %arg9[%get3A_218, %get3A_219] {strides = array<i32>} : memref<31x64xf32, #tpu.memory_space<vmem>>, vector<1x16xf32>,
      %get3A_221 = vector.shape_cast %get3A_220 : vector<1x16xf32> to vector<16xf32>
      %add3A_222 = arith.addf %get3A_217, %get3A_221 : vector<16xf32>
      %swap3A_223 = arith.index_cast %scan3A_196 : i32 to index
      %swap3A_224 = arith.constant 16 : index
      %swap3A_225 = tpu.vector_load %arg7[%swap3A_223, %swap3A_224] {strides = array<i32>} : memref<128x128xf32, #tpu.memory_space<vmem>>, vector<1x16xf32>,
      %swap3A_226 = vector.shape_cast %swap3A_225 : vector<1x16xf32> to vector<16xf32>
      %swap3A_227 = vector.shape_cast %add3A_222 : vector<16xf32> to vector<1x16xf32>
      tpu.vector_store %arg7[%swap3A_223, %swap3A_224], %swap3A_227 {strides = array<i32>} : memref<128x128xf32, #tpu.memory_space<vmem>>, vector<1x16xf32>,
      %get3A_228 = arith.index_cast %div3A_200 : i32 to index
      %get3A_229 = arith.constant 32 : index
      %get3A_230 = tpu.vector_load %arg8[%get3A_228, %get3A_229] {strides = array<i32>} : memref<27x64xf32, #tpu.memory_space<vmem>>, vector<1x16xf32>,
      %get3A_231 = vector.shape_cast %get3A_230 : vector<1x16xf32> to vector<16xf32>
      %get3A_232 = arith.index_cast %rem3A_201 : i32 to index
      %get3A_233 = arith.constant 32 : index
      %get3A_234 = tpu.vector_load %arg9[%get3A_232, %get3A_233] {strides = array<i32>} : memref<31x64xf32, #tpu.memory_space<vmem>>, vector<1x16xf32>,
      %get3A_235 = vector.shape_cast %get3A_234 : vector<1x16xf32> to vector<16xf32>
      %add3A_236 = arith.addf %get3A_231, %get3A_235 : vector<16xf32>
      %swap3A_237 = arith.index_cast %scan3A_196 : i32 to index
      %swap3A_238 = arith.constant 32 : index
      %swap3A_239 = tpu.vector_load %arg7[%swap3A_237, %swap3A_238] {strides = array<i32>} : memref<128x128xf32, #tpu.memory_space<vmem>>, vector<1x16xf32>,
      %swap3A_240 = vector.shape_cast %swap3A_239 : vector<1x16xf32> to vector<16xf32>
      %swap3A_241 = vector.shape_cast %add3A_236 : vector<16xf32> to vector<1x16xf32>
      tpu.vector_store %arg7[%swap3A_237, %swap3A_238], %swap3A_241 {strides = array<i32>} : memref<128x128xf32, #tpu.memory_space<vmem>>, vector<1x16xf32>,
      %get3A_242 = arith.index_cast %div3A_200 : i32 to index
      %get3A_243 = arith.constant 48 : index
      %get3A_244 = tpu.vector_load %arg8[%get3A_242, %get3A_243] {strides = array<i32>} : memref<27x64xf32, #tpu.memory_space<vmem>>, vector<1x16xf32>,
      %get3A_245 = vector.shape_cast %get3A_244 : vector<1x16xf32> to vector<16xf32>
      %get3A_246 = arith.index_cast %rem3A_201 : i32 to index
      %get3A_247 = arith.constant 48 : index
      %get3A_248 = tpu.vector_load %arg9[%get3A_246, %get3A_247] {strides = array<i32>} : memref<31x64xf32, #tpu.memory_space<vmem>>, vector<1x16xf32>,
      %get3A_249 = vector.shape_cast %get3A_248 : vector<1x16xf32> to vector<16xf32>
      %add3A_250 = arith.addf %get3A_245, %get3A_249 : vector<16xf32>
      %swap3A_251 = arith.index_cast %scan3A_196 : i32 to index
      %swap3A_252 = arith.constant 48 : index
      %swap3A_253 = tpu.vector_load %arg7[%swap3A_251, %swap3A_252] {strides = array<i32>} : memref<128x128xf32, #tpu.memory_space<vmem>>, vector<1x16xf32>,
      %swap3A_254 = vector.shape_cast %swap3A_253 : vector<1x16xf32> to vector<16xf32>
      %swap3A_255 = vector.shape_cast %add3A_250 : vector<16xf32> to vector<1x16xf32>
      tpu.vector_store %arg7[%swap3A_251, %swap3A_252], %swap3A_255 {strides = array<i32>} : memref<128x128xf32, #tpu.memory_space<vmem>>, vector<1x16xf32>,
    }
    %scan3A_25 = arith.constant 128 : i32
    %add3A_26 = arith.constant 256 : i32
    %add3A_27 = arith.addi %mul3A_4, %add3A_26 : i32
    "tpu.region"() ({
      %run_scoped3A = tpu.sem_alloc : memref<!tpu.dma_semaphore, #tpu.memory_space<semaphore_mem>>
      %dma_start3A_196 = arith.constant 0 : i32
      %dma_start3A_197 = tpu.memref_slice %arg6[%add3A_27, %dma_start3A_196] : memref<28672x128xf32, #tpu.memory_space<hbm>> -> memref<128x128xf32, #tpu.memory_space<hbm>>
      %dma_start3A_198 = arith.constant 0 : i32
      %dma_start3A_199 = tpu.memref_slice %arg6[%add3A_27, %dma_start3A_198] : memref<28672x128xf32, #tpu.memory_space<hbm>> -> memref<128x128xf32, #tpu.memory_space<hbm>>
      tpu.enqueue_dma source(%arg7 : memref<128x128xf32, #tpu.memory_space<vmem>>) target(%dma_start3A_199 : memref<128x128xf32, #tpu.memory_space<hbm>>) target_semaphore(%run_scoped3A : memref<!tpu.dma_semaphore, #tpu.memory_space<semaphore_mem>>)
      %dma_wait3A_200 = arith.constant 0 : i32
      %dma_wait3A_201 = tpu.memref_slice %arg6[%add3A_27, %dma_wait3A_200] : memref<28672x128xf32, #tpu.memory_space<hbm>> -> memref<128x128xf32, #tpu.memory_space<hbm>>
      %dma_wait3A_202 = arith.constant 0 : i32
      %dma_wait3A_203 = tpu.memref_slice %arg6[%add3A_27, %dma_wait3A_202] : memref<28672x128xf32, #tpu.memory_space<hbm>> -> memref<128x128xf32, #tpu.memory_space<hbm>>
      tpu.wait_dma2 semaphore(%run_scoped3A : memref<!tpu.dma_semaphore, #tpu.memory_space<semaphore_mem>>) src(%arg7 : memref<128x128xf32, #tpu.memory_space<vmem>>) dst(%dma_wait3A_203 : memref<128x128xf32, #tpu.memory_space<hbm>>)
      tpu.yield
    }) : () -> ()
    %scan3A_28 = arith.constant 0 : i32
    %scan3A_29 = arith.constant 0 : i32
    %scan3A_30 = arith.constant 128 : i32
    %scan3A_31 = arith.addi %scan3A_29, %scan3A_30 : i32
    %scan3A_32 = arith.constant 1 : i32
    scf.for %scan3A_196 = %scan3A_29 to %scan3A_31 step %scan3A_32  : i32 {
      %add3A_197 = arith.constant 384 : i32
      %add3A_198 = arith.addi %add3A_197, %scan3A_196 : i32
      %min3A = arith.constant 836 : i32
      %min3A_199 = arith.minsi %add3A_198, %min3A : i32
      %div3A = arith.constant 31 : i32
      %div3A_200 = arith.divsi %min3A_199, %div3A : i32
      %rem3A = arith.constant 31 : i32
      %rem3A_201 = arith.remsi %min3A_199, %rem3A : i32
      %get3A = arith.index_cast %div3A_200 : i32 to index
      %get3A_202 = arith.constant 0 : index
      %get3A_203 = tpu.vector_load %arg8[%get3A, %get3A_202] {strides = array<i32>} : memref<27x64xf32, #tpu.memory_space<vmem>>, vector<1x16xf32>,
      %get3A_204 = vector.shape_cast %get3A_203 : vector<1x16xf32> to vector<16xf32>
      %get3A_205 = arith.index_cast %rem3A_201 : i32 to index
      %get3A_206 = arith.constant 0 : index
      %get3A_207 = tpu.vector_load %arg9[%get3A_205, %get3A_206] {strides = array<i32>} : memref<31x64xf32, #tpu.memory_space<vmem>>, vector<1x16xf32>,
      %get3A_208 = vector.shape_cast %get3A_207 : vector<1x16xf32> to vector<16xf32>
      %add3A_209 = arith.addf %get3A_204, %get3A_208 : vector<16xf32>
      %swap3A = arith.index_cast %scan3A_196 : i32 to index
      %swap3A_210 = arith.constant 0 : index
      %swap3A_211 = tpu.vector_load %arg7[%swap3A, %swap3A_210] {strides = array<i32>} : memref<128x128xf32, #tpu.memory_space<vmem>>, vector<1x16xf32>,
      %swap3A_212 = vector.shape_cast %swap3A_211 : vector<1x16xf32> to vector<16xf32>
      %swap3A_213 = vector.shape_cast %add3A_209 : vector<16xf32> to vector<1x16xf32>
      tpu.vector_store %arg7[%swap3A, %swap3A_210], %swap3A_213 {strides = array<i32>} : memref<128x128xf32, #tpu.memory_space<vmem>>, vector<1x16xf32>,
      %get3A_214 = arith.index_cast %div3A_200 : i32 to index
      %get3A_215 = arith.constant 16 : index
      %get3A_216 = tpu.vector_load %arg8[%get3A_214, %get3A_215] {strides = array<i32>} : memref<27x64xf32, #tpu.memory_space<vmem>>, vector<1x16xf32>,
      %get3A_217 = vector.shape_cast %get3A_216 : vector<1x16xf32> to vector<16xf32>
      %get3A_218 = arith.index_cast %rem3A_201 : i32 to index
      %get3A_219 = arith.constant 16 : index
      %get3A_220 = tpu.vector_load %arg9[%get3A_218, %get3A_219] {strides = array<i32>} : memref<31x64xf32, #tpu.memory_space<vmem>>, vector<1x16xf32>,
      %get3A_221 = vector.shape_cast %get3A_220 : vector<1x16xf32> to vector<16xf32>
      %add3A_222 = arith.addf %get3A_217, %get3A_221 : vector<16xf32>
      %swap3A_223 = arith.index_cast %scan3A_196 : i32 to index
      %swap3A_224 = arith.constant 16 : index
      %swap3A_225 = tpu.vector_load %arg7[%swap3A_223, %swap3A_224] {strides = array<i32>} : memref<128x128xf32, #tpu.memory_space<vmem>>, vector<1x16xf32>,
      %swap3A_226 = vector.shape_cast %swap3A_225 : vector<1x16xf32> to vector<16xf32>
      %swap3A_227 = vector.shape_cast %add3A_222 : vector<16xf32> to vector<1x16xf32>
      tpu.vector_store %arg7[%swap3A_223, %swap3A_224], %swap3A_227 {strides = array<i32>} : memref<128x128xf32, #tpu.memory_space<vmem>>, vector<1x16xf32>,
      %get3A_228 = arith.index_cast %div3A_200 : i32 to index
      %get3A_229 = arith.constant 32 : index
      %get3A_230 = tpu.vector_load %arg8[%get3A_228, %get3A_229] {strides = array<i32>} : memref<27x64xf32, #tpu.memory_space<vmem>>, vector<1x16xf32>,
      %get3A_231 = vector.shape_cast %get3A_230 : vector<1x16xf32> to vector<16xf32>
      %get3A_232 = arith.index_cast %rem3A_201 : i32 to index
      %get3A_233 = arith.constant 32 : index
      %get3A_234 = tpu.vector_load %arg9[%get3A_232, %get3A_233] {strides = array<i32>} : memref<31x64xf32, #tpu.memory_space<vmem>>, vector<1x16xf32>,
      %get3A_235 = vector.shape_cast %get3A_234 : vector<1x16xf32> to vector<16xf32>
      %add3A_236 = arith.addf %get3A_231, %get3A_235 : vector<16xf32>
      %swap3A_237 = arith.index_cast %scan3A_196 : i32 to index
      %swap3A_238 = arith.constant 32 : index
      %swap3A_239 = tpu.vector_load %arg7[%swap3A_237, %swap3A_238] {strides = array<i32>} : memref<128x128xf32, #tpu.memory_space<vmem>>, vector<1x16xf32>,
      %swap3A_240 = vector.shape_cast %swap3A_239 : vector<1x16xf32> to vector<16xf32>
      %swap3A_241 = vector.shape_cast %add3A_236 : vector<16xf32> to vector<1x16xf32>
      tpu.vector_store %arg7[%swap3A_237, %swap3A_238], %swap3A_241 {strides = array<i32>} : memref<128x128xf32, #tpu.memory_space<vmem>>, vector<1x16xf32>,
      %get3A_242 = arith.index_cast %div3A_200 : i32 to index
      %get3A_243 = arith.constant 48 : index
      %get3A_244 = tpu.vector_load %arg8[%get3A_242, %get3A_243] {strides = array<i32>} : memref<27x64xf32, #tpu.memory_space<vmem>>, vector<1x16xf32>,
      %get3A_245 = vector.shape_cast %get3A_244 : vector<1x16xf32> to vector<16xf32>
      %get3A_246 = arith.index_cast %rem3A_201 : i32 to index
      %get3A_247 = arith.constant 48 : index
      %get3A_248 = tpu.vector_load %arg9[%get3A_246, %get3A_247] {strides = array<i32>} : memref<31x64xf32, #tpu.memory_space<vmem>>, vector<1x16xf32>,
      %get3A_249 = vector.shape_cast %get3A_248 : vector<1x16xf32> to vector<16xf32>
      %add3A_250 = arith.addf %get3A_245, %get3A_249 : vector<16xf32>
      %swap3A_251 = arith.index_cast %scan3A_196 : i32 to index
      %swap3A_252 = arith.constant 48 : index
      %swap3A_253 = tpu.vector_load %arg7[%swap3A_251, %swap3A_252] {strides = array<i32>} : memref<128x128xf32, #tpu.memory_space<vmem>>, vector<1x16xf32>,
      %swap3A_254 = vector.shape_cast %swap3A_253 : vector<1x16xf32> to vector<16xf32>
      %swap3A_255 = vector.shape_cast %add3A_250 : vector<16xf32> to vector<1x16xf32>
      tpu.vector_store %arg7[%swap3A_251, %swap3A_252], %swap3A_255 {strides = array<i32>} : memref<128x128xf32, #tpu.memory_space<vmem>>, vector<1x16xf32>,
    }
    %scan3A_33 = arith.constant 128 : i32
    %add3A_34 = arith.constant 384 : i32
    %add3A_35 = arith.addi %mul3A_4, %add3A_34 : i32
    "tpu.region"() ({
      %run_scoped3A = tpu.sem_alloc : memref<!tpu.dma_semaphore, #tpu.memory_space<semaphore_mem>>
      %dma_start3A_196 = arith.constant 0 : i32
      %dma_start3A_197 = tpu.memref_slice %arg6[%add3A_35, %dma_start3A_196] : memref<28672x128xf32, #tpu.memory_space<hbm>> -> memref<128x128xf32, #tpu.memory_space<hbm>>
      %dma_start3A_198 = arith.constant 0 : i32
      %dma_start3A_199 = tpu.memref_slice %arg6[%add3A_35, %dma_start3A_198] : memref<28672x128xf32, #tpu.memory_space<hbm>> -> memref<128x128xf32, #tpu.memory_space<hbm>>
      tpu.enqueue_dma source(%arg7 : memref<128x128xf32, #tpu.memory_space<vmem>>) target(%dma_start3A_199 : memref<128x128xf32, #tpu.memory_space<hbm>>) target_semaphore(%run_scoped3A : memref<!tpu.dma_semaphore, #tpu.memory_space<semaphore_mem>>)
      %dma_wait3A_200 = arith.constant 0 : i32
      %dma_wait3A_201 = tpu.memref_slice %arg6[%add3A_35, %dma_wait3A_200] : memref<28672x128xf32, #tpu.memory_space<hbm>> -> memref<128x128xf32, #tpu.memory_space<hbm>>
      %dma_wait3A_202 = arith.constant 0 : i32
      %dma_wait3A_203 = tpu.memref_slice %arg6[%add3A_35, %dma_wait3A_202] : memref<28672x128xf32, #tpu.memory_space<hbm>> -> memref<128x128xf32, #tpu.memory_space<hbm>>
      tpu.wait_dma2 semaphore(%run_scoped3A : memref<!tpu.dma_semaphore, #tpu.memory_space<semaphore_mem>>) src(%arg7 : memref<128x128xf32, #tpu.memory_space<vmem>>) dst(%dma_wait3A_203 : memref<128x128xf32, #tpu.memory_space<hbm>>)
      tpu.yield
    }) : () -> ()
    %scan3A_36 = arith.constant 0 : i32
    %scan3A_37 = arith.constant 0 : i32
    %scan3A_38 = arith.constant 128 : i32
    %scan3A_39 = arith.addi %scan3A_37, %scan3A_38 : i32
    %scan3A_40 = arith.constant 1 : i32
    scf.for %scan3A_196 = %scan3A_37 to %scan3A_39 step %scan3A_40  : i32 {
      %add3A_197 = arith.constant 512 : i32
      %add3A_198 = arith.addi %add3A_197, %scan3A_196 : i32
      %min3A = arith.constant 836 : i32
      %min3A_199 = arith.minsi %add3A_198, %min3A : i32
      %div3A = arith.constant 31 : i32
      %div3A_200 = arith.divsi %min3A_199, %div3A : i32
      %rem3A = arith.constant 31 : i32
      %rem3A_201 = arith.remsi %min3A_199, %rem3A : i32
      %get3A = arith.index_cast %div3A_200 : i32 to index
      %get3A_202 = arith.constant 0 : index
      %get3A_203 = tpu.vector_load %arg8[%get3A, %get3A_202] {strides = array<i32>} : memref<27x64xf32, #tpu.memory_space<vmem>>, vector<1x16xf32>,
      %get3A_204 = vector.shape_cast %get3A_203 : vector<1x16xf32> to vector<16xf32>
      %get3A_205 = arith.index_cast %rem3A_201 : i32 to index
      %get3A_206 = arith.constant 0 : index
      %get3A_207 = tpu.vector_load %arg9[%get3A_205, %get3A_206] {strides = array<i32>} : memref<31x64xf32, #tpu.memory_space<vmem>>, vector<1x16xf32>,
      %get3A_208 = vector.shape_cast %get3A_207 : vector<1x16xf32> to vector<16xf32>
      %add3A_209 = arith.addf %get3A_204, %get3A_208 : vector<16xf32>
      %swap3A = arith.index_cast %scan3A_196 : i32 to index
      %swap3A_210 = arith.constant 0 : index
      %swap3A_211 = tpu.vector_load %arg7[%swap3A, %swap3A_210] {strides = array<i32>} : memref<128x128xf32, #tpu.memory_space<vmem>>, vector<1x16xf32>,
      %swap3A_212 = vector.shape_cast %swap3A_211 : vector<1x16xf32> to vector<16xf32>
      %swap3A_213 = vector.shape_cast %add3A_209 : vector<16xf32> to vector<1x16xf32>
      tpu.vector_store %arg7[%swap3A, %swap3A_210], %swap3A_213 {strides = array<i32>} : memref<128x128xf32, #tpu.memory_space<vmem>>, vector<1x16xf32>,
      %get3A_214 = arith.index_cast %div3A_200 : i32 to index
      %get3A_215 = arith.constant 16 : index
      %get3A_216 = tpu.vector_load %arg8[%get3A_214, %get3A_215] {strides = array<i32>} : memref<27x64xf32, #tpu.memory_space<vmem>>, vector<1x16xf32>,
      %get3A_217 = vector.shape_cast %get3A_216 : vector<1x16xf32> to vector<16xf32>
      %get3A_218 = arith.index_cast %rem3A_201 : i32 to index
      %get3A_219 = arith.constant 16 : index
      %get3A_220 = tpu.vector_load %arg9[%get3A_218, %get3A_219] {strides = array<i32>} : memref<31x64xf32, #tpu.memory_space<vmem>>, vector<1x16xf32>,
      %get3A_221 = vector.shape_cast %get3A_220 : vector<1x16xf32> to vector<16xf32>
      %add3A_222 = arith.addf %get3A_217, %get3A_221 : vector<16xf32>
      %swap3A_223 = arith.index_cast %scan3A_196 : i32 to index
      %swap3A_224 = arith.constant 16 : index
      %swap3A_225 = tpu.vector_load %arg7[%swap3A_223, %swap3A_224] {strides = array<i32>} : memref<128x128xf32, #tpu.memory_space<vmem>>, vector<1x16xf32>,
      %swap3A_226 = vector.shape_cast %swap3A_225 : vector<1x16xf32> to vector<16xf32>
      %swap3A_227 = vector.shape_cast %add3A_222 : vector<16xf32> to vector<1x16xf32>
      tpu.vector_store %arg7[%swap3A_223, %swap3A_224], %swap3A_227 {strides = array<i32>} : memref<128x128xf32, #tpu.memory_space<vmem>>, vector<1x16xf32>,
      %get3A_228 = arith.index_cast %div3A_200 : i32 to index
      %get3A_229 = arith.constant 32 : index
      %get3A_230 = tpu.vector_load %arg8[%get3A_228, %get3A_229] {strides = array<i32>} : memref<27x64xf32, #tpu.memory_space<vmem>>, vector<1x16xf32>,
      %get3A_231 = vector.shape_cast %get3A_230 : vector<1x16xf32> to vector<16xf32>
      %get3A_232 = arith.index_cast %rem3A_201 : i32 to index
      %get3A_233 = arith.constant 32 : index
      %get3A_234 = tpu.vector_load %arg9[%get3A_232, %get3A_233] {strides = array<i32>} : memref<31x64xf32, #tpu.memory_space<vmem>>, vector<1x16xf32>,
      %get3A_235 = vector.shape_cast %get3A_234 : vector<1x16xf32> to vector<16xf32>
      %add3A_236 = arith.addf %get3A_231, %get3A_235 : vector<16xf32>
      %swap3A_237 = arith.index_cast %scan3A_196 : i32 to index
      %swap3A_238 = arith.constant 32 : index
      %swap3A_239 = tpu.vector_load %arg7[%swap3A_237, %swap3A_238] {strides = array<i32>} : memref<128x128xf32, #tpu.memory_space<vmem>>, vector<1x16xf32>,
      %swap3A_240 = vector.shape_cast %swap3A_239 : vector<1x16xf32> to vector<16xf32>
      %swap3A_241 = vector.shape_cast %add3A_236 : vector<16xf32> to vector<1x16xf32>
      tpu.vector_store %arg7[%swap3A_237, %swap3A_238], %swap3A_241 {strides = array<i32>} : memref<128x128xf32, #tpu.memory_space<vmem>>, vector<1x16xf32>,
      %get3A_242 = arith.index_cast %div3A_200 : i32 to index
      %get3A_243 = arith.constant 48 : index
      %get3A_244 = tpu.vector_load %arg8[%get3A_242, %get3A_243] {strides = array<i32>} : memref<27x64xf32, #tpu.memory_space<vmem>>, vector<1x16xf32>,
      %get3A_245 = vector.shape_cast %get3A_244 : vector<1x16xf32> to vector<16xf32>
      %get3A_246 = arith.index_cast %rem3A_201 : i32 to index
      %get3A_247 = arith.constant 48 : index
      %get3A_248 = tpu.vector_load %arg9[%get3A_246, %get3A_247] {strides = array<i32>} : memref<31x64xf32, #tpu.memory_space<vmem>>, vector<1x16xf32>,
      %get3A_249 = vector.shape_cast %get3A_248 : vector<1x16xf32> to vector<16xf32>
      %add3A_250 = arith.addf %get3A_245, %get3A_249 : vector<16xf32>
      %swap3A_251 = arith.index_cast %scan3A_196 : i32 to index
      %swap3A_252 = arith.constant 48 : index
      %swap3A_253 = tpu.vector_load %arg7[%swap3A_251, %swap3A_252] {strides = array<i32>} : memref<128x128xf32, #tpu.memory_space<vmem>>, vector<1x16xf32>,
      %swap3A_254 = vector.shape_cast %swap3A_253 : vector<1x16xf32> to vector<16xf32>
      %swap3A_255 = vector.shape_cast %add3A_250 : vector<16xf32> to vector<1x16xf32>
      tpu.vector_store %arg7[%swap3A_251, %swap3A_252], %swap3A_255 {strides = array<i32>} : memref<128x128xf32, #tpu.memory_space<vmem>>, vector<1x16xf32>,
    }
    %scan3A_41 = arith.constant 128 : i32
    %add3A_42 = arith.constant 512 : i32
    %add3A_43 = arith.addi %mul3A_4, %add3A_42 : i32
    "tpu.region"() ({
      %run_scoped3A = tpu.sem_alloc : memref<!tpu.dma_semaphore, #tpu.memory_space<semaphore_mem>>
      %dma_start3A_196 = arith.constant 0 : i32
      %dma_start3A_197 = tpu.memref_slice %arg6[%add3A_43, %dma_start3A_196] : memref<28672x128xf32, #tpu.memory_space<hbm>> -> memref<128x128xf32, #tpu.memory_space<hbm>>
      %dma_start3A_198 = arith.constant 0 : i32
      %dma_start3A_199 = tpu.memref_slice %arg6[%add3A_43, %dma_start3A_198] : memref<28672x128xf32, #tpu.memory_space<hbm>> -> memref<128x128xf32, #tpu.memory_space<hbm>>
      tpu.enqueue_dma source(%arg7 : memref<128x128xf32, #tpu.memory_space<vmem>>) target(%dma_start3A_199 : memref<128x128xf32, #tpu.memory_space<hbm>>) target_semaphore(%run_scoped3A : memref<!tpu.dma_semaphore, #tpu.memory_space<semaphore_mem>>)
      %dma_wait3A_200 = arith.constant 0 : i32
      %dma_wait3A_201 = tpu.memref_slice %arg6[%add3A_43, %dma_wait3A_200] : memref<28672x128xf32, #tpu.memory_space<hbm>> -> memref<128x128xf32, #tpu.memory_space<hbm>>
      %dma_wait3A_202 = arith.constant 0 : i32
      %dma_wait3A_203 = tpu.memref_slice %arg6[%add3A_43, %dma_wait3A_202] : memref<28672x128xf32, #tpu.memory_space<hbm>> -> memref<128x128xf32, #tpu.memory_space<hbm>>
      tpu.wait_dma2 semaphore(%run_scoped3A : memref<!tpu.dma_semaphore, #tpu.memory_space<semaphore_mem>>) src(%arg7 : memref<128x128xf32, #tpu.memory_space<vmem>>) dst(%dma_wait3A_203 : memref<128x128xf32, #tpu.memory_space<hbm>>)
      tpu.yield
    }) : () -> ()
    %scan3A_44 = arith.constant 0 : i32
    %scan3A_45 = arith.constant 0 : i32
    %scan3A_46 = arith.constant 128 : i32
    %scan3A_47 = arith.addi %scan3A_45, %scan3A_46 : i32
    %scan3A_48 = arith.constant 1 : i32
    scf.for %scan3A_196 = %scan3A_45 to %scan3A_47 step %scan3A_48  : i32 {
      %add3A_197 = arith.constant 640 : i32
      %add3A_198 = arith.addi %add3A_197, %scan3A_196 : i32
      %min3A = arith.constant 836 : i32
      %min3A_199 = arith.minsi %add3A_198, %min3A : i32
      %div3A = arith.constant 31 : i32
      %div3A_200 = arith.divsi %min3A_199, %div3A : i32
      %rem3A = arith.constant 31 : i32
      %rem3A_201 = arith.remsi %min3A_199, %rem3A : i32
      %get3A = arith.index_cast %div3A_200 : i32 to index
      %get3A_202 = arith.constant 0 : index
      %get3A_203 = tpu.vector_load %arg8[%get3A, %get3A_202] {strides = array<i32>} : memref<27x64xf32, #tpu.memory_space<vmem>>, vector<1x16xf32>,
      %get3A_204 = vector.shape_cast %get3A_203 : vector<1x16xf32> to vector<16xf32>
      %get3A_205 = arith.index_cast %rem3A_201 : i32 to index
      %get3A_206 = arith.constant 0 : index
      %get3A_207 = tpu.vector_load %arg9[%get3A_205, %get3A_206] {strides = array<i32>} : memref<31x64xf32, #tpu.memory_space<vmem>>, vector<1x16xf32>,
      %get3A_208 = vector.shape_cast %get3A_207 : vector<1x16xf32> to vector<16xf32>
      %add3A_209 = arith.addf %get3A_204, %get3A_208 : vector<16xf32>
      %swap3A = arith.index_cast %scan3A_196 : i32 to index
      %swap3A_210 = arith.constant 0 : index
      %swap3A_211 = tpu.vector_load %arg7[%swap3A, %swap3A_210] {strides = array<i32>} : memref<128x128xf32, #tpu.memory_space<vmem>>, vector<1x16xf32>,
      %swap3A_212 = vector.shape_cast %swap3A_211 : vector<1x16xf32> to vector<16xf32>
      %swap3A_213 = vector.shape_cast %add3A_209 : vector<16xf32> to vector<1x16xf32>
      tpu.vector_store %arg7[%swap3A, %swap3A_210], %swap3A_213 {strides = array<i32>} : memref<128x128xf32, #tpu.memory_space<vmem>>, vector<1x16xf32>,
      %get3A_214 = arith.index_cast %div3A_200 : i32 to index
      %get3A_215 = arith.constant 16 : index
      %get3A_216 = tpu.vector_load %arg8[%get3A_214, %get3A_215] {strides = array<i32>} : memref<27x64xf32, #tpu.memory_space<vmem>>, vector<1x16xf32>,
      %get3A_217 = vector.shape_cast %get3A_216 : vector<1x16xf32> to vector<16xf32>
      %get3A_218 = arith.index_cast %rem3A_201 : i32 to index
      %get3A_219 = arith.constant 16 : index
      %get3A_220 = tpu.vector_load %arg9[%get3A_218, %get3A_219] {strides = array<i32>} : memref<31x64xf32, #tpu.memory_space<vmem>>, vector<1x16xf32>,
      %get3A_221 = vector.shape_cast %get3A_220 : vector<1x16xf32> to vector<16xf32>
      %add3A_222 = arith.addf %get3A_217, %get3A_221 : vector<16xf32>
      %swap3A_223 = arith.index_cast %scan3A_196 : i32 to index
      %swap3A_224 = arith.constant 16 : index
      %swap3A_225 = tpu.vector_load %arg7[%swap3A_223, %swap3A_224] {strides = array<i32>} : memref<128x128xf32, #tpu.memory_space<vmem>>, vector<1x16xf32>,
      %swap3A_226 = vector.shape_cast %swap3A_225 : vector<1x16xf32> to vector<16xf32>
      %swap3A_227 = vector.shape_cast %add3A_222 : vector<16xf32> to vector<1x16xf32>
      tpu.vector_store %arg7[%swap3A_223, %swap3A_224], %swap3A_227 {strides = array<i32>} : memref<128x128xf32, #tpu.memory_space<vmem>>, vector<1x16xf32>,
      %get3A_228 = arith.index_cast %div3A_200 : i32 to index
      %get3A_229 = arith.constant 32 : index
      %get3A_230 = tpu.vector_load %arg8[%get3A_228, %get3A_229] {strides = array<i32>} : memref<27x64xf32, #tpu.memory_space<vmem>>, vector<1x16xf32>,
      %get3A_231 = vector.shape_cast %get3A_230 : vector<1x16xf32> to vector<16xf32>
      %get3A_232 = arith.index_cast %rem3A_201 : i32 to index
      %get3A_233 = arith.constant 32 : index
      %get3A_234 = tpu.vector_load %arg9[%get3A_232, %get3A_233] {strides = array<i32>} : memref<31x64xf32, #tpu.memory_space<vmem>>, vector<1x16xf32>,
      %get3A_235 = vector.shape_cast %get3A_234 : vector<1x16xf32> to vector<16xf32>
      %add3A_236 = arith.addf %get3A_231, %get3A_235 : vector<16xf32>
      %swap3A_237 = arith.index_cast %scan3A_196 : i32 to index
      %swap3A_238 = arith.constant 32 : index
      %swap3A_239 = tpu.vector_load %arg7[%swap3A_237, %swap3A_238] {strides = array<i32>} : memref<128x128xf32, #tpu.memory_space<vmem>>, vector<1x16xf32>,
      %swap3A_240 = vector.shape_cast %swap3A_239 : vector<1x16xf32> to vector<16xf32>
      %swap3A_241 = vector.shape_cast %add3A_236 : vector<16xf32> to vector<1x16xf32>
      tpu.vector_store %arg7[%swap3A_237, %swap3A_238], %swap3A_241 {strides = array<i32>} : memref<128x128xf32, #tpu.memory_space<vmem>>, vector<1x16xf32>,
      %get3A_242 = arith.index_cast %div3A_200 : i32 to index
      %get3A_243 = arith.constant 48 : index
      %get3A_244 = tpu.vector_load %arg8[%get3A_242, %get3A_243] {strides = array<i32>} : memref<27x64xf32, #tpu.memory_space<vmem>>, vector<1x16xf32>,
      %get3A_245 = vector.shape_cast %get3A_244 : vector<1x16xf32> to vector<16xf32>
      %get3A_246 = arith.index_cast %rem3A_201 : i32 to index
      %get3A_247 = arith.constant 48 : index
      %get3A_248 = tpu.vector_load %arg9[%get3A_246, %get3A_247] {strides = array<i32>} : memref<31x64xf32, #tpu.memory_space<vmem>>, vector<1x16xf32>,
      %get3A_249 = vector.shape_cast %get3A_248 : vector<1x16xf32> to vector<16xf32>
      %add3A_250 = arith.addf %get3A_245, %get3A_249 : vector<16xf32>
      %swap3A_251 = arith.index_cast %scan3A_196 : i32 to index
      %swap3A_252 = arith.constant 48 : index
      %swap3A_253 = tpu.vector_load %arg7[%swap3A_251, %swap3A_252] {strides = array<i32>} : memref<128x128xf32, #tpu.memory_space<vmem>>, vector<1x16xf32>,
      %swap3A_254 = vector.shape_cast %swap3A_253 : vector<1x16xf32> to vector<16xf32>
      %swap3A_255 = vector.shape_cast %add3A_250 : vector<16xf32> to vector<1x16xf32>
      tpu.vector_store %arg7[%swap3A_251, %swap3A_252], %swap3A_255 {strides = array<i32>} : memref<128x128xf32, #tpu.memory_space<vmem>>, vector<1x16xf32>,
    }
    %scan3A_49 = arith.constant 128 : i32
    %add3A_50 = arith.constant 640 : i32
    %add3A_51 = arith.addi %mul3A_4, %add3A_50 : i32
    "tpu.region"() ({
      %run_scoped3A = tpu.sem_alloc : memref<!tpu.dma_semaphore, #tpu.memory_space<semaphore_mem>>
      %dma_start3A_196 = arith.constant 0 : i32
      %dma_start3A_197 = tpu.memref_slice %arg6[%add3A_51, %dma_start3A_196] : memref<28672x128xf32, #tpu.memory_space<hbm>> -> memref<128x128xf32, #tpu.memory_space<hbm>>
      %dma_start3A_198 = arith.constant 0 : i32
      %dma_start3A_199 = tpu.memref_slice %arg6[%add3A_51, %dma_start3A_198] : memref<28672x128xf32, #tpu.memory_space<hbm>> -> memref<128x128xf32, #tpu.memory_space<hbm>>
      tpu.enqueue_dma source(%arg7 : memref<128x128xf32, #tpu.memory_space<vmem>>) target(%dma_start3A_199 : memref<128x128xf32, #tpu.memory_space<hbm>>) target_semaphore(%run_scoped3A : memref<!tpu.dma_semaphore, #tpu.memory_space<semaphore_mem>>)
      %dma_wait3A_200 = arith.constant 0 : i32
      %dma_wait3A_201 = tpu.memref_slice %arg6[%add3A_51, %dma_wait3A_200] : memref<28672x128xf32, #tpu.memory_space<hbm>> -> memref<128x128xf32, #tpu.memory_space<hbm>>
      %dma_wait3A_202 = arith.constant 0 : i32
      %dma_wait3A_203 = tpu.memref_slice %arg6[%add3A_51, %dma_wait3A_202] : memref<28672x128xf32, #tpu.memory_space<hbm>> -> memref<128x128xf32, #tpu.memory_space<hbm>>
      tpu.wait_dma2 semaphore(%run_scoped3A : memref<!tpu.dma_semaphore, #tpu.memory_space<semaphore_mem>>) src(%arg7 : memref<128x128xf32, #tpu.memory_space<vmem>>) dst(%dma_wait3A_203 : memref<128x128xf32, #tpu.memory_space<hbm>>)
      tpu.yield
    }) : () -> ()
    %scan3A_52 = arith.constant 0 : i32
    %scan3A_53 = arith.constant 0 : i32
    %scan3A_54 = arith.constant 128 : i32
    %scan3A_55 = arith.addi %scan3A_53, %scan3A_54 : i32
    %scan3A_56 = arith.constant 1 : i32
    scf.for %scan3A_196 = %scan3A_53 to %scan3A_55 step %scan3A_56  : i32 {
      %add3A_197 = arith.constant 768 : i32
      %add3A_198 = arith.addi %add3A_197, %scan3A_196 : i32
      %min3A = arith.constant 836 : i32
      %min3A_199 = arith.minsi %add3A_198, %min3A : i32
      %div3A = arith.constant 31 : i32
      %div3A_200 = arith.divsi %min3A_199, %div3A : i32
      %rem3A = arith.constant 31 : i32
      %rem3A_201 = arith.remsi %min3A_199, %rem3A : i32
      %get3A = arith.index_cast %div3A_200 : i32 to index
      %get3A_202 = arith.constant 0 : index
      %get3A_203 = tpu.vector_load %arg8[%get3A, %get3A_202] {strides = array<i32>} : memref<27x64xf32, #tpu.memory_space<vmem>>, vector<1x16xf32>,
      %get3A_204 = vector.shape_cast %get3A_203 : vector<1x16xf32> to vector<16xf32>
      %get3A_205 = arith.index_cast %rem3A_201 : i32 to index
      %get3A_206 = arith.constant 0 : index
      %get3A_207 = tpu.vector_load %arg9[%get3A_205, %get3A_206] {strides = array<i32>} : memref<31x64xf32, #tpu.memory_space<vmem>>, vector<1x16xf32>,
      %get3A_208 = vector.shape_cast %get3A_207 : vector<1x16xf32> to vector<16xf32>
      %add3A_209 = arith.addf %get3A_204, %get3A_208 : vector<16xf32>
      %swap3A = arith.index_cast %scan3A_196 : i32 to index
      %swap3A_210 = arith.constant 0 : index
      %swap3A_211 = tpu.vector_load %arg7[%swap3A, %swap3A_210] {strides = array<i32>} : memref<128x128xf32, #tpu.memory_space<vmem>>, vector<1x16xf32>,
      %swap3A_212 = vector.shape_cast %swap3A_211 : vector<1x16xf32> to vector<16xf32>
      %swap3A_213 = vector.shape_cast %add3A_209 : vector<16xf32> to vector<1x16xf32>
      tpu.vector_store %arg7[%swap3A, %swap3A_210], %swap3A_213 {strides = array<i32>} : memref<128x128xf32, #tpu.memory_space<vmem>>, vector<1x16xf32>,
      %get3A_214 = arith.index_cast %div3A_200 : i32 to index
      %get3A_215 = arith.constant 16 : index
      %get3A_216 = tpu.vector_load %arg8[%get3A_214, %get3A_215] {strides = array<i32>} : memref<27x64xf32, #tpu.memory_space<vmem>>, vector<1x16xf32>,
      %get3A_217 = vector.shape_cast %get3A_216 : vector<1x16xf32> to vector<16xf32>
      %get3A_218 = arith.index_cast %rem3A_201 : i32 to index
      %get3A_219 = arith.constant 16 : index
      %get3A_220 = tpu.vector_load %arg9[%get3A_218, %get3A_219] {strides = array<i32>} : memref<31x64xf32, #tpu.memory_space<vmem>>, vector<1x16xf32>,
      %get3A_221 = vector.shape_cast %get3A_220 : vector<1x16xf32> to vector<16xf32>
      %add3A_222 = arith.addf %get3A_217, %get3A_221 : vector<16xf32>
      %swap3A_223 = arith.index_cast %scan3A_196 : i32 to index
      %swap3A_224 = arith.constant 16 : index
      %swap3A_225 = tpu.vector_load %arg7[%swap3A_223, %swap3A_224] {strides = array<i32>} : memref<128x128xf32, #tpu.memory_space<vmem>>, vector<1x16xf32>,
      %swap3A_226 = vector.shape_cast %swap3A_225 : vector<1x16xf32> to vector<16xf32>
      %swap3A_227 = vector.shape_cast %add3A_222 : vector<16xf32> to vector<1x16xf32>
      tpu.vector_store %arg7[%swap3A_223, %swap3A_224], %swap3A_227 {strides = array<i32>} : memref<128x128xf32, #tpu.memory_space<vmem>>, vector<1x16xf32>,
      %get3A_228 = arith.index_cast %div3A_200 : i32 to index
      %get3A_229 = arith.constant 32 : index
      %get3A_230 = tpu.vector_load %arg8[%get3A_228, %get3A_229] {strides = array<i32>} : memref<27x64xf32, #tpu.memory_space<vmem>>, vector<1x16xf32>,
      %get3A_231 = vector.shape_cast %get3A_230 : vector<1x16xf32> to vector<16xf32>
      %get3A_232 = arith.index_cast %rem3A_201 : i32 to index
      %get3A_233 = arith.constant 32 : index
      %get3A_234 = tpu.vector_load %arg9[%get3A_232, %get3A_233] {strides = array<i32>} : memref<31x64xf32, #tpu.memory_space<vmem>>, vector<1x16xf32>,
      %get3A_235 = vector.shape_cast %get3A_234 : vector<1x16xf32> to vector<16xf32>
      %add3A_236 = arith.addf %get3A_231, %get3A_235 : vector<16xf32>
      %swap3A_237 = arith.index_cast %scan3A_196 : i32 to index
      %swap3A_238 = arith.constant 32 : index
      %swap3A_239 = tpu.vector_load %arg7[%swap3A_237, %swap3A_238] {strides = array<i32>} : memref<128x128xf32, #tpu.memory_space<vmem>>, vector<1x16xf32>,
      %swap3A_240 = vector.shape_cast %swap3A_239 : vector<1x16xf32> to vector<16xf32>
      %swap3A_241 = vector.shape_cast %add3A_236 : vector<16xf32> to vector<1x16xf32>
      tpu.vector_store %arg7[%swap3A_237, %swap3A_238], %swap3A_241 {strides = array<i32>} : memref<128x128xf32, #tpu.memory_space<vmem>>, vector<1x16xf32>,
      %get3A_242 = arith.index_cast %div3A_200 : i32 to index
      %get3A_243 = arith.constant 48 : index
      %get3A_244 = tpu.vector_load %arg8[%get3A_242, %get3A_243] {strides = array<i32>} : memref<27x64xf32, #tpu.memory_space<vmem>>, vector<1x16xf32>,
      %get3A_245 = vector.shape_cast %get3A_244 : vector<1x16xf32> to vector<16xf32>
      %get3A_246 = arith.index_cast %rem3A_201 : i32 to index
      %get3A_247 = arith.constant 48 : index
      %get3A_248 = tpu.vector_load %arg9[%get3A_246, %get3A_247] {strides = array<i32>} : memref<31x64xf32, #tpu.memory_space<vmem>>, vector<1x16xf32>,
      %get3A_249 = vector.shape_cast %get3A_248 : vector<1x16xf32> to vector<16xf32>
      %add3A_250 = arith.addf %get3A_245, %get3A_249 : vector<16xf32>
      %swap3A_251 = arith.index_cast %scan3A_196 : i32 to index
      %swap3A_252 = arith.constant 48 : index
      %swap3A_253 = tpu.vector_load %arg7[%swap3A_251, %swap3A_252] {strides = array<i32>} : memref<128x128xf32, #tpu.memory_space<vmem>>, vector<1x16xf32>,
      %swap3A_254 = vector.shape_cast %swap3A_253 : vector<1x16xf32> to vector<16xf32>
      %swap3A_255 = vector.shape_cast %add3A_250 : vector<16xf32> to vector<1x16xf32>
      tpu.vector_store %arg7[%swap3A_251, %swap3A_252], %swap3A_255 {strides = array<i32>} : memref<128x128xf32, #tpu.memory_space<vmem>>, vector<1x16xf32>,
    }
    %scan3A_57 = arith.constant 128 : i32
    %add3A_58 = arith.constant 768 : i32
    %add3A_59 = arith.addi %mul3A_4, %add3A_58 : i32
    "tpu.region"() ({
      %run_scoped3A = tpu.sem_alloc : memref<!tpu.dma_semaphore, #tpu.memory_space<semaphore_mem>>
      %dma_start3A_196 = arith.constant 0 : i32
      %dma_start3A_197 = tpu.memref_slice %arg6[%add3A_59, %dma_start3A_196] : memref<28672x128xf32, #tpu.memory_space<hbm>> -> memref<128x128xf32, #tpu.memory_space<hbm>>
      %dma_start3A_198 = arith.constant 0 : i32
      %dma_start3A_199 = tpu.memref_slice %arg6[%add3A_59, %dma_start3A_198] : memref<28672x128xf32, #tpu.memory_space<hbm>> -> memref<128x128xf32, #tpu.memory_space<hbm>>
      tpu.enqueue_dma source(%arg7 : memref<128x128xf32, #tpu.memory_space<vmem>>) target(%dma_start3A_199 : memref<128x128xf32, #tpu.memory_space<hbm>>) target_semaphore(%run_scoped3A : memref<!tpu.dma_semaphore, #tpu.memory_space<semaphore_mem>>)
      %dma_wait3A_200 = arith.constant 0 : i32
      %dma_wait3A_201 = tpu.memref_slice %arg6[%add3A_59, %dma_wait3A_200] : memref<28672x128xf32, #tpu.memory_space<hbm>> -> memref<128x128xf32, #tpu.memory_space<hbm>>
      %dma_wait3A_202 = arith.constant 0 : i32
      %dma_wait3A_203 = tpu.memref_slice %arg6[%add3A_59, %dma_wait3A_202] : memref<28672x128xf32, #tpu.memory_space<hbm>> -> memref<128x128xf32, #tpu.memory_space<hbm>>
      tpu.wait_dma2 semaphore(%run_scoped3A : memref<!tpu.dma_semaphore, #tpu.memory_space<semaphore_mem>>) src(%arg7 : memref<128x128xf32, #tpu.memory_space<vmem>>) dst(%dma_wait3A_203 : memref<128x128xf32, #tpu.memory_space<hbm>>)
      tpu.yield
    }) : () -> ()
    %iota3A = tpu.iota {dimensions = array<i32: 0>} : vector<16xi32>
    %add3A_60 = vector.broadcast %mul3A_4 : i32 to vector<16xi32>
    %add3A_61 = arith.addi %iota3A, %add3A_60 : vector<16xi32>
    %add3A_62 = arith.constant 16 : i32
    %add3A_63 = arith.addi %add3A_62, %mul3A_4 : i32
    %add3A_64 = vector.broadcast %add3A_63 : i32 to vector<16xi32>
    %add3A_65 = arith.addi %iota3A, %add3A_64 : vector<16xi32>
    %scan3A_66 = arith.constant 0 : i32
    %scan3A_67 = arith.constant 0 : i32
    %scan3A_68 = arith.constant 512 : i32
    %scan3A_69 = arith.addi %scan3A_67, %scan3A_68 : i32
    %scan3A_70 = arith.constant 1 : i32
    scf.for %scan3A_196 = %scan3A_67 to %scan3A_69 step %scan3A_70  : i32 {
      %mul3A_197 = arith.constant 31 : i32
      %mul3A_198 = arith.muli %scan3A_196, %mul3A_197 : i32
      %get3A = arith.index_cast %mul3A_198 : i32 to index
      %get3A_199 = tpu.vector_load %arg10[%get3A] {strides = array<i32>} : memref<15888xi32, #tpu.memory_space<vmem>>, vector<16xi32>,
      %get3A_200 = vector.shape_cast %get3A_199 : vector<16xi32> to vector<16xi32>
      %mul3A_201 = arith.constant 31 : i32
      %mul3A_202 = arith.muli %scan3A_196, %mul3A_201 : i32
      %add3A_203 = arith.constant 16 : i32
      %add3A_204 = arith.addi %mul3A_202, %add3A_203 : i32
      %get3A_205 = arith.index_cast %add3A_204 : i32 to index
      %get3A_206 = tpu.vector_load %arg10[%get3A_205] {strides = array<i32>} : memref<15888xi32, #tpu.memory_space<vmem>>, vector<16xi32>,
      %get3A_207 = vector.shape_cast %get3A_206 : vector<16xi32> to vector<16xi32>
      %mul3A_208 = arith.constant 31 : i32
      %mul3A_209 = vector.broadcast %mul3A_208 : i32 to vector<16xi32>
      %mul3A_210 = arith.muli %get3A_200, %mul3A_209 : vector<16xi32>
      %add3A_211 = arith.addi %mul3A_210, %add3A_61 : vector<16xi32>
      %swap3A = arith.index_cast %scan3A_196 : i32 to index
      %swap3A_212 = arith.constant 0 : index
      %swap3A_213 = tpu.vector_load %arg11[%swap3A, %swap3A_212] {strides = array<i32>} : memref<512x32xi32, #tpu.memory_space<vmem>>, vector<1x16xi32>,
      %swap3A_214 = vector.shape_cast %swap3A_213 : vector<1x16xi32> to vector<16xi32>
      %swap3A_215 = vector.shape_cast %add3A_211 : vector<16xi32> to vector<1x16xi32>
      tpu.vector_store %arg11[%swap3A, %swap3A_212], %swap3A_215 {strides = array<i32>} : memref<512x32xi32, #tpu.memory_space<vmem>>, vector<1x16xi32>,
      %lt3A = arith.constant 15 : i32
      %lt3A_216 = vector.broadcast %lt3A : i32 to vector<16xi32>
      %lt3A_217 = arith.cmpi slt, %iota3A, %lt3A_216 : vector<16xi32>
      %mul3A_218 = arith.constant 31 : i32
      %mul3A_219 = vector.broadcast %mul3A_218 : i32 to vector<16xi32>
      %mul3A_220 = arith.muli %get3A_207, %mul3A_219 : vector<16xi32>
      %add3A_221 = arith.addi %mul3A_220, %add3A_65 : vector<16xi32>
      %broadcast_in_dim3A = vector.broadcast %mul3A_4 : i32 to vector<16xi32>
      %select_n3A = arith.select %lt3A_217, %add3A_221, %broadcast_in_dim3A : vector<16xi1>, vector<16xi32>
      %swap3A_222 = arith.index_cast %scan3A_196 : i32 to index
      %swap3A_223 = arith.constant 16 : index
      %swap3A_224 = tpu.vector_load %arg11[%swap3A_222, %swap3A_223] {strides = array<i32>} : memref<512x32xi32, #tpu.memory_space<vmem>>, vector<1x16xi32>,
      %swap3A_225 = vector.shape_cast %swap3A_224 : vector<1x16xi32> to vector<16xi32>
      %swap3A_226 = vector.shape_cast %select_n3A : vector<16xi32> to vector<1x16xi32>
      tpu.vector_store %arg11[%swap3A_222, %swap3A_223], %swap3A_226 {strides = array<i32>} : memref<512x32xi32, #tpu.memory_space<vmem>>, vector<1x16xi32>,
    }
    %scan3A_71 = arith.constant 512 : i32
    %dma_start3A = arith.constant 0 : i32
    %dma_start3A_72 = arith.constant 0 : i32
    %dma_start3A_73 = arith.constant 0 : i32
    %dma_start3A_74 = arith.constant 0 : i32
    %dma_start3A_75 = tpu.memref_slice %arg12[%dma_start3A_72, %dma_start3A_73, %dma_start3A_74] : memref<4x32x128xf32, #tpu.memory_space<vmem>> -> memref<1x32x128xf32, #tpu.memory_space<vmem>>
    %dma_start3A_76 = tpu.memref_squeeze %dma_start3A_75 : memref<1x32x128xf32, #tpu.memory_space<vmem>> -> memref<32x128xf32, #tpu.memory_space<vmem>>
    %dma_start3A_77 = arith.constant 0 : i32
    %dma_start3A_78 = tpu.memref_slice %arg11[%dma_start3A, %dma_start3A_77] : memref<512x32xi32, #tpu.memory_space<vmem>> -> memref<1x32xi32, #tpu.memory_space<vmem>>
    %dma_start3A_79 = tpu.memref_squeeze %dma_start3A_78 : memref<1x32xi32, #tpu.memory_space<vmem>> -> memref<32xi32, #tpu.memory_space<vmem>>
    %dma_start3A_80 = arith.constant 0 : i32
    %dma_start3A_81 = arith.constant 0 : i32
    %dma_start3A_82 = tpu.memref_slice %arg6[%dma_start3A_80, %dma_start3A_81] : memref<28672x128xf32, #tpu.memory_space<hbm>> -> memref<28672x128xf32, #tpu.memory_space<hbm>>
    tpu.enqueue_indirect_dma source(%dma_start3A_82 : memref<28672x128xf32, #tpu.memory_space<hbm>>) target(%dma_start3A_76 : memref<32x128xf32, #tpu.memory_space<vmem>>) offsets(%dma_start3A_79 : memref<32xi32, #tpu.memory_space<vmem>>) semaphore(%arg16 : memref<!tpu.dma_semaphore, #tpu.memory_space<semaphore_mem>>)
    %dma_start3A_83 = arith.constant 1 : i32
    %dma_start3A_84 = arith.constant 1 : i32
    %dma_start3A_85 = arith.constant 0 : i32
    %dma_start3A_86 = arith.constant 0 : i32
    %dma_start3A_87 = tpu.memref_slice %arg12[%dma_start3A_84, %dma_start3A_85, %dma_start3A_86] : memref<4x32x128xf32, #tpu.memory_space<vmem>> -> memref<1x32x128xf32, #tpu.memory_space<vmem>>
    %dma_start3A_88 = tpu.memref_squeeze %dma_start3A_87 : memref<1x32x128xf32, #tpu.memory_space<vmem>> -> memref<32x128xf32, #tpu.memory_space<vmem>>
    %dma_start3A_89 = arith.constant 0 : i32
    %dma_start3A_90 = tpu.memref_slice %arg11[%dma_start3A_83, %dma_start3A_89] : memref<512x32xi32, #tpu.memory_space<vmem>> -> memref<1x32xi32, #tpu.memory_space<vmem>>
    %dma_start3A_91 = tpu.memref_squeeze %dma_start3A_90 : memref<1x32xi32, #tpu.memory_space<vmem>> -> memref<32xi32, #tpu.memory_space<vmem>>
    %dma_start3A_92 = arith.constant 0 : i32
    %dma_start3A_93 = arith.constant 0 : i32
    %dma_start3A_94 = tpu.memref_slice %arg6[%dma_start3A_92, %dma_start3A_93] : memref<28672x128xf32, #tpu.memory_space<hbm>> -> memref<28672x128xf32, #tpu.memory_space<hbm>>
    tpu.enqueue_indirect_dma source(%dma_start3A_94 : memref<28672x128xf32, #tpu.memory_space<hbm>>) target(%dma_start3A_88 : memref<32x128xf32, #tpu.memory_space<vmem>>) offsets(%dma_start3A_91 : memref<32xi32, #tpu.memory_space<vmem>>) semaphore(%arg16 : memref<!tpu.dma_semaphore, #tpu.memory_space<semaphore_mem>>)
    %dma_start3A_95 = arith.constant 2 : i32
    %dma_start3A_96 = arith.constant 2 : i32
    %dma_start3A_97 = arith.constant 0 : i32
    %dma_start3A_98 = arith.constant 0 : i32
    %dma_start3A_99 = tpu.memref_slice %arg12[%dma_start3A_96, %dma_start3A_97, %dma_start3A_98] : memref<4x32x128xf32, #tpu.memory_space<vmem>> -> memref<1x32x128xf32, #tpu.memory_space<vmem>>
    %dma_start3A_100 = tpu.memref_squeeze %dma_start3A_99 : memref<1x32x128xf32, #tpu.memory_space<vmem>> -> memref<32x128xf32, #tpu.memory_space<vmem>>
    %dma_start3A_101 = arith.constant 0 : i32
    %dma_start3A_102 = tpu.memref_slice %arg11[%dma_start3A_95, %dma_start3A_101] : memref<512x32xi32, #tpu.memory_space<vmem>> -> memref<1x32xi32, #tpu.memory_space<vmem>>
    %dma_start3A_103 = tpu.memref_squeeze %dma_start3A_102 : memref<1x32xi32, #tpu.memory_space<vmem>> -> memref<32xi32, #tpu.memory_space<vmem>>
    %dma_start3A_104 = arith.constant 0 : i32
    %dma_start3A_105 = arith.constant 0 : i32
    %dma_start3A_106 = tpu.memref_slice %arg6[%dma_start3A_104, %dma_start3A_105] : memref<28672x128xf32, #tpu.memory_space<hbm>> -> memref<28672x128xf32, #tpu.memory_space<hbm>>
    tpu.enqueue_indirect_dma source(%dma_start3A_106 : memref<28672x128xf32, #tpu.memory_space<hbm>>) target(%dma_start3A_100 : memref<32x128xf32, #tpu.memory_space<vmem>>) offsets(%dma_start3A_103 : memref<32xi32, #tpu.memory_space<vmem>>) semaphore(%arg16 : memref<!tpu.dma_semaphore, #tpu.memory_space<semaphore_mem>>)
    %dma_start3A_107 = arith.constant 3 : i32
    %dma_start3A_108 = arith.constant 3 : i32
    %dma_start3A_109 = arith.constant 0 : i32
    %dma_start3A_110 = arith.constant 0 : i32
    %dma_start3A_111 = tpu.memref_slice %arg12[%dma_start3A_108, %dma_start3A_109, %dma_start3A_110] : memref<4x32x128xf32, #tpu.memory_space<vmem>> -> memref<1x32x128xf32, #tpu.memory_space<vmem>>
    %dma_start3A_112 = tpu.memref_squeeze %dma_start3A_111 : memref<1x32x128xf32, #tpu.memory_space<vmem>> -> memref<32x128xf32, #tpu.memory_space<vmem>>
    %dma_start3A_113 = arith.constant 0 : i32
    %dma_start3A_114 = tpu.memref_slice %arg11[%dma_start3A_107, %dma_start3A_113] : memref<512x32xi32, #tpu.memory_space<vmem>> -> memref<1x32xi32, #tpu.memory_space<vmem>>
    %dma_start3A_115 = tpu.memref_squeeze %dma_start3A_114 : memref<1x32xi32, #tpu.memory_space<vmem>> -> memref<32xi32, #tpu.memory_space<vmem>>
    %dma_start3A_116 = arith.constant 0 : i32
    %dma_start3A_117 = arith.constant 0 : i32
    %dma_start3A_118 = tpu.memref_slice %arg6[%dma_start3A_116, %dma_start3A_117] : memref<28672x128xf32, #tpu.memory_space<hbm>> -> memref<28672x128xf32, #tpu.memory_space<hbm>>
    tpu.enqueue_indirect_dma source(%dma_start3A_118 : memref<28672x128xf32, #tpu.memory_space<hbm>>) target(%dma_start3A_112 : memref<32x128xf32, #tpu.memory_space<vmem>>) offsets(%dma_start3A_115 : memref<32xi32, #tpu.memory_space<vmem>>) semaphore(%arg16 : memref<!tpu.dma_semaphore, #tpu.memory_space<semaphore_mem>>)
    %dma_start3A_119 = arith.constant 4 : i32
    %dma_start3A_120 = arith.constant 0 : i32
    %dma_start3A_121 = arith.constant 0 : i32
    %dma_start3A_122 = arith.constant 0 : i32
    %dma_start3A_123 = tpu.memref_slice %arg13[%dma_start3A_120, %dma_start3A_121, %dma_start3A_122] : memref<4x32x128xf32, #tpu.memory_space<vmem>> -> memref<1x32x128xf32, #tpu.memory_space<vmem>>
    %dma_start3A_124 = tpu.memref_squeeze %dma_start3A_123 : memref<1x32x128xf32, #tpu.memory_space<vmem>> -> memref<32x128xf32, #tpu.memory_space<vmem>>
    %dma_start3A_125 = arith.constant 0 : i32
    %dma_start3A_126 = tpu.memref_slice %arg11[%dma_start3A_119, %dma_start3A_125] : memref<512x32xi32, #tpu.memory_space<vmem>> -> memref<1x32xi32, #tpu.memory_space<vmem>>
    %dma_start3A_127 = tpu.memref_squeeze %dma_start3A_126 : memref<1x32xi32, #tpu.memory_space<vmem>> -> memref<32xi32, #tpu.memory_space<vmem>>
    %dma_start3A_128 = arith.constant 0 : i32
    %dma_start3A_129 = arith.constant 0 : i32
    %dma_start3A_130 = tpu.memref_slice %arg6[%dma_start3A_128, %dma_start3A_129] : memref<28672x128xf32, #tpu.memory_space<hbm>> -> memref<28672x128xf32, #tpu.memory_space<hbm>>
    tpu.enqueue_indirect_dma source(%dma_start3A_130 : memref<28672x128xf32, #tpu.memory_space<hbm>>) target(%dma_start3A_124 : memref<32x128xf32, #tpu.memory_space<vmem>>) offsets(%dma_start3A_127 : memref<32xi32, #tpu.memory_space<vmem>>) semaphore(%arg17 : memref<!tpu.dma_semaphore, #tpu.memory_space<semaphore_mem>>)
    %dma_start3A_131 = arith.constant 5 : i32
    %dma_start3A_132 = arith.constant 1 : i32
    %dma_start3A_133 = arith.constant 0 : i32
    %dma_start3A_134 = arith.constant 0 : i32
    %dma_start3A_135 = tpu.memref_slice %arg13[%dma_start3A_132, %dma_start3A_133, %dma_start3A_134] : memref<4x32x128xf32, #tpu.memory_space<vmem>> -> memref<1x32x128xf32, #tpu.memory_space<vmem>>
    %dma_start3A_136 = tpu.memref_squeeze %dma_start3A_135 : memref<1x32x128xf32, #tpu.memory_space<vmem>> -> memref<32x128xf32, #tpu.memory_space<vmem>>
    %dma_start3A_137 = arith.constant 0 : i32
    %dma_start3A_138 = tpu.memref_slice %arg11[%dma_start3A_131, %dma_start3A_137] : memref<512x32xi32, #tpu.memory_space<vmem>> -> memref<1x32xi32, #tpu.memory_space<vmem>>
    %dma_start3A_139 = tpu.memref_squeeze %dma_start3A_138 : memref<1x32xi32, #tpu.memory_space<vmem>> -> memref<32xi32, #tpu.memory_space<vmem>>
    %dma_start3A_140 = arith.constant 0 : i32
    %dma_start3A_141 = arith.constant 0 : i32
    %dma_start3A_142 = tpu.memref_slice %arg6[%dma_start3A_140, %dma_start3A_141] : memref<28672x128xf32, #tpu.memory_space<hbm>> -> memref<28672x128xf32, #tpu.memory_space<hbm>>
    tpu.enqueue_indirect_dma source(%dma_start3A_142 : memref<28672x128xf32, #tpu.memory_space<hbm>>) target(%dma_start3A_136 : memref<32x128xf32, #tpu.memory_space<vmem>>) offsets(%dma_start3A_139 : memref<32xi32, #tpu.memory_space<vmem>>) semaphore(%arg17 : memref<!tpu.dma_semaphore, #tpu.memory_space<semaphore_mem>>)
    %dma_start3A_143 = arith.constant 6 : i32
    %dma_start3A_144 = arith.constant 2 : i32
    %dma_start3A_145 = arith.constant 0 : i32
    %dma_start3A_146 = arith.constant 0 : i32
    %dma_start3A_147 = tpu.memref_slice %arg13[%dma_start3A_144, %dma_start3A_145, %dma_start3A_146] : memref<4x32x128xf32, #tpu.memory_space<vmem>> -> memref<1x32x128xf32, #tpu.memory_space<vmem>>
    %dma_start3A_148 = tpu.memref_squeeze %dma_start3A_147 : memref<1x32x128xf32, #tpu.memory_space<vmem>> -> memref<32x128xf32, #tpu.memory_space<vmem>>
    %dma_start3A_149 = arith.constant 0 : i32
    %dma_start3A_150 = tpu.memref_slice %arg11[%dma_start3A_143, %dma_start3A_149] : memref<512x32xi32, #tpu.memory_space<vmem>> -> memref<1x32xi32, #tpu.memory_space<vmem>>
    %dma_start3A_151 = tpu.memref_squeeze %dma_start3A_150 : memref<1x32xi32, #tpu.memory_space<vmem>> -> memref<32xi32, #tpu.memory_space<vmem>>
    %dma_start3A_152 = arith.constant 0 : i32
    %dma_start3A_153 = arith.constant 0 : i32
    %dma_start3A_154 = tpu.memref_slice %arg6[%dma_start3A_152, %dma_start3A_153] : memref<28672x128xf32, #tpu.memory_space<hbm>> -> memref<28672x128xf32, #tpu.memory_space<hbm>>
    tpu.enqueue_indirect_dma source(%dma_start3A_154 : memref<28672x128xf32, #tpu.memory_space<hbm>>) target(%dma_start3A_148 : memref<32x128xf32, #tpu.memory_space<vmem>>) offsets(%dma_start3A_151 : memref<32xi32, #tpu.memory_space<vmem>>) semaphore(%arg17 : memref<!tpu.dma_semaphore, #tpu.memory_space<semaphore_mem>>)
    %dma_start3A_155 = arith.constant 7 : i32
    %dma_start3A_156 = arith.constant 3 : i32
    %dma_start3A_157 = arith.constant 0 : i32
    %dma_start3A_158 = arith.constant 0 : i32
    %dma_start3A_159 = tpu.memref_slice %arg13[%dma_start3A_156, %dma_start3A_157, %dma_start3A_158] : memref<4x32x128xf32, #tpu.memory_space<vmem>> -> memref<1x32x128xf32, #tpu.memory_space<vmem>>
    %dma_start3A_160 = tpu.memref_squeeze %dma_start3A_159 : memref<1x32x128xf32, #tpu.memory_space<vmem>> -> memref<32x128xf32, #tpu.memory_space<vmem>>
    %dma_start3A_161 = arith.constant 0 : i32
    %dma_start3A_162 = tpu.memref_slice %arg11[%dma_start3A_155, %dma_start3A_161] : memref<512x32xi32, #tpu.memory_space<vmem>> -> memref<1x32xi32, #tpu.memory_space<vmem>>
    %dma_start3A_163 = tpu.memref_squeeze %dma_start3A_162 : memref<1x32xi32, #tpu.memory_space<vmem>> -> memref<32xi32, #tpu.memory_space<vmem>>
    %dma_start3A_164 = arith.constant 0 : i32
    %dma_start3A_165 = arith.constant 0 : i32
    %dma_start3A_166 = tpu.memref_slice %arg6[%dma_start3A_164, %dma_start3A_165] : memref<28672x128xf32, #tpu.memory_space<hbm>> -> memref<28672x128xf32, #tpu.memory_space<hbm>>
    tpu.enqueue_indirect_dma source(%dma_start3A_166 : memref<28672x128xf32, #tpu.memory_space<hbm>>) target(%dma_start3A_160 : memref<32x128xf32, #tpu.memory_space<vmem>>) offsets(%dma_start3A_163 : memref<32xi32, #tpu.memory_space<vmem>>) semaphore(%arg17 : memref<!tpu.dma_semaphore, #tpu.memory_space<semaphore_mem>>)
    %scan3A_167 = arith.constant 0 : i32
    %scan3A_168 = arith.constant 0 : i32
    %scan3A_169 = arith.constant 32 : i32
    %scan3A_170 = arith.addi %scan3A_168, %scan3A_169 : i32
    %scan3A_171 = arith.constant 1 : i32
    scf.for %scan3A_196 = %scan3A_168 to %scan3A_170 step %scan3A_171  : i32 {
      %mul3A_197 = arith.constant 4 : i32
      %mul3A_198 = arith.muli %scan3A_196, %mul3A_197 : i32
      %add3A_199 = arith.constant 0 : i32
      %add3A_200 = arith.addi %mul3A_198, %add3A_199 : i32
      %ge3A = arith.constant 2 : i32
      %ge3A_201 = arith.cmpi sge, %add3A_200, %ge3A : i32
      %add3A_202 = arith.constant 2 : i32
      %add3A_203 = arith.addi %add3A_200, %add3A_202 : i32
      %lt3A = arith.constant 128 : i32
      %lt3A_204 = arith.cmpi slt, %add3A_203, %lt3A : i32
      %and3A = arith.andi %ge3A_201, %lt3A_204 : i1
      %convert_element_type3A = arith.extui %and3A : i1 to i32
      %cond3A = arith.constant 0 : i32
      %cond3A_205 = arith.cmpi ne, %convert_element_type3A, %cond3A : i32
      scf.if %cond3A_205 {
        %dma_wait3A_552 = arith.constant 0 : i32
        %dma_wait3A_553 = arith.constant 0 : i32
        %dma_wait3A_554 = tpu.memref_slice %arg5[%mul3A_2, %dma_wait3A_552, %dma_wait3A_553] : memref<16384x32x128xf32, #tpu.memory_space<hbm>> -> memref<4x32x128xf32, #tpu.memory_space<hbm>>
        %dma_wait3A_555 = arith.constant 0 : i32
        %dma_wait3A_556 = arith.constant 0 : i32
        %dma_wait3A_557 = tpu.memref_slice %arg5[%mul3A_2, %dma_wait3A_555, %dma_wait3A_556] : memref<16384x32x128xf32, #tpu.memory_space<hbm>> -> memref<4x32x128xf32, #tpu.memory_space<hbm>>
        tpu.wait_dma2 semaphore(%arg22 : memref<!tpu.dma_semaphore, #tpu.memory_space<semaphore_mem>>) src(%arg14 : memref<4x32x128xf32, #tpu.memory_space<vmem>>) dst(%dma_wait3A_557 : memref<4x32x128xf32, #tpu.memory_space<hbm>>)
      } else {
      }
      %add3A_206 = arith.constant 2 : i32
      %add3A_207 = arith.addi %add3A_200, %add3A_206 : i32
      %lt3A_208 = arith.constant 128 : i32
      %lt3A_209 = arith.cmpi slt, %add3A_207, %lt3A_208 : i32
      %convert_element_type3A_210 = arith.extui %lt3A_209 : i1 to i32
      %cond3A_211 = arith.constant 0 : i32
      %cond3A_212 = arith.cmpi ne, %convert_element_type3A_210, %cond3A_211 : i32
      scf.if %cond3A_212 {
        %add3A_552 = arith.constant 2 : i32
        %add3A_553 = arith.addi %add3A_200, %add3A_552 : i32
        %mul3A_554 = arith.constant 4 : i32
        %mul3A_555 = arith.muli %add3A_553, %mul3A_554 : i32
        %add3A_556 = arith.constant 0 : i32
        %add3A_557 = arith.addi %mul3A_555, %add3A_556 : i32
        %dma_start3A_558 = arith.constant 0 : i32
        %dma_start3A_559 = arith.constant 0 : i32
        %dma_start3A_560 = arith.constant 0 : i32
        %dma_start3A_561 = tpu.memref_slice %arg14[%dma_start3A_558, %dma_start3A_559, %dma_start3A_560] : memref<4x32x128xf32, #tpu.memory_space<vmem>> -> memref<1x32x128xf32, #tpu.memory_space<vmem>>
        %dma_start3A_562 = tpu.memref_squeeze %dma_start3A_561 : memref<1x32x128xf32, #tpu.memory_space<vmem>> -> memref<32x128xf32, #tpu.memory_space<vmem>>
        %dma_start3A_563 = arith.constant 0 : i32
        %dma_start3A_564 = tpu.memref_slice %arg11[%add3A_557, %dma_start3A_563] : memref<512x32xi32, #tpu.memory_space<vmem>> -> memref<1x32xi32, #tpu.memory_space<vmem>>
        %dma_start3A_565 = tpu.memref_squeeze %dma_start3A_564 : memref<1x32xi32, #tpu.memory_space<vmem>> -> memref<32xi32, #tpu.memory_space<vmem>>
        %dma_start3A_566 = arith.constant 0 : i32
        %dma_start3A_567 = arith.constant 0 : i32
        %dma_start3A_568 = tpu.memref_slice %arg6[%dma_start3A_566, %dma_start3A_567] : memref<28672x128xf32, #tpu.memory_space<hbm>> -> memref<28672x128xf32, #tpu.memory_space<hbm>>
        tpu.enqueue_indirect_dma source(%dma_start3A_568 : memref<28672x128xf32, #tpu.memory_space<hbm>>) target(%dma_start3A_562 : memref<32x128xf32, #tpu.memory_space<vmem>>) offsets(%dma_start3A_565 : memref<32xi32, #tpu.memory_space<vmem>>) semaphore(%arg18 : memref<!tpu.dma_semaphore, #tpu.memory_space<semaphore_mem>>)
        %mul3A_569 = arith.constant 4 : i32
        %mul3A_570 = arith.muli %add3A_553, %mul3A_569 : i32
        %add3A_571 = arith.constant 1 : i32
        %add3A_572 = arith.addi %mul3A_570, %add3A_571 : i32
        %dma_start3A_573 = arith.constant 1 : i32
        %dma_start3A_574 = arith.constant 0 : i32
        %dma_start3A_575 = arith.constant 0 : i32
        %dma_start3A_576 = tpu.memref_slice %arg14[%dma_start3A_573, %dma_start3A_574, %dma_start3A_575] : memref<4x32x128xf32, #tpu.memory_space<vmem>> -> memref<1x32x128xf32, #tpu.memory_space<vmem>>
        %dma_start3A_577 = tpu.memref_squeeze %dma_start3A_576 : memref<1x32x128xf32, #tpu.memory_space<vmem>> -> memref<32x128xf32, #tpu.memory_space<vmem>>
        %dma_start3A_578 = arith.constant 0 : i32
        %dma_start3A_579 = tpu.memref_slice %arg11[%add3A_572, %dma_start3A_578] : memref<512x32xi32, #tpu.memory_space<vmem>> -> memref<1x32xi32, #tpu.memory_space<vmem>>
        %dma_start3A_580 = tpu.memref_squeeze %dma_start3A_579 : memref<1x32xi32, #tpu.memory_space<vmem>> -> memref<32xi32, #tpu.memory_space<vmem>>
        %dma_start3A_581 = arith.constant 0 : i32
        %dma_start3A_582 = arith.constant 0 : i32
        %dma_start3A_583 = tpu.memref_slice %arg6[%dma_start3A_581, %dma_start3A_582] : memref<28672x128xf32, #tpu.memory_space<hbm>> -> memref<28672x128xf32, #tpu.memory_space<hbm>>
        tpu.enqueue_indirect_dma source(%dma_start3A_583 : memref<28672x128xf32, #tpu.memory_space<hbm>>) target(%dma_start3A_577 : memref<32x128xf32, #tpu.memory_space<vmem>>) offsets(%dma_start3A_580 : memref<32xi32, #tpu.memory_space<vmem>>) semaphore(%arg18 : memref<!tpu.dma_semaphore, #tpu.memory_space<semaphore_mem>>)
        %mul3A_584 = arith.constant 4 : i32
        %mul3A_585 = arith.muli %add3A_553, %mul3A_584 : i32
        %add3A_586 = arith.constant 2 : i32
        %add3A_587 = arith.addi %mul3A_585, %add3A_586 : i32
        %dma_start3A_588 = arith.constant 2 : i32
        %dma_start3A_589 = arith.constant 0 : i32
        %dma_start3A_590 = arith.constant 0 : i32
        %dma_start3A_591 = tpu.memref_slice %arg14[%dma_start3A_588, %dma_start3A_589, %dma_start3A_590] : memref<4x32x128xf32, #tpu.memory_space<vmem>> -> memref<1x32x128xf32, #tpu.memory_space<vmem>>
        %dma_start3A_592 = tpu.memref_squeeze %dma_start3A_591 : memref<1x32x128xf32, #tpu.memory_space<vmem>> -> memref<32x128xf32, #tpu.memory_space<vmem>>
        %dma_start3A_593 = arith.constant 0 : i32
        %dma_start3A_594 = tpu.memref_slice %arg11[%add3A_587, %dma_start3A_593] : memref<512x32xi32, #tpu.memory_space<vmem>> -> memref<1x32xi32, #tpu.memory_space<vmem>>
        %dma_start3A_595 = tpu.memref_squeeze %dma_start3A_594 : memref<1x32xi32, #tpu.memory_space<vmem>> -> memref<32xi32, #tpu.memory_space<vmem>>
        %dma_start3A_596 = arith.constant 0 : i32
        %dma_start3A_597 = arith.constant 0 : i32
        %dma_start3A_598 = tpu.memref_slice %arg6[%dma_start3A_596, %dma_start3A_597] : memref<28672x128xf32, #tpu.memory_space<hbm>> -> memref<28672x128xf32, #tpu.memory_space<hbm>>
        tpu.enqueue_indirect_dma source(%dma_start3A_598 : memref<28672x128xf32, #tpu.memory_space<hbm>>) target(%dma_start3A_592 : memref<32x128xf32, #tpu.memory_space<vmem>>) offsets(%dma_start3A_595 : memref<32xi32, #tpu.memory_space<vmem>>) semaphore(%arg18 : memref<!tpu.dma_semaphore, #tpu.memory_space<semaphore_mem>>)
        %mul3A_599 = arith.constant 4 : i32
        %mul3A_600 = arith.muli %add3A_553, %mul3A_599 : i32
        %add3A_601 = arith.constant 3 : i32
        %add3A_602 = arith.addi %mul3A_600, %add3A_601 : i32
        %dma_start3A_603 = arith.constant 3 : i32
        %dma_start3A_604 = arith.constant 0 : i32
        %dma_start3A_605 = arith.constant 0 : i32
        %dma_start3A_606 = tpu.memref_slice %arg14[%dma_start3A_603, %dma_start3A_604, %dma_start3A_605] : memref<4x32x128xf32, #tpu.memory_space<vmem>> -> memref<1x32x128xf32, #tpu.memory_space<vmem>>
        %dma_start3A_607 = tpu.memref_squeeze %dma_start3A_606 : memref<1x32x128xf32, #tpu.memory_space<vmem>> -> memref<32x128xf32, #tpu.memory_space<vmem>>
        %dma_start3A_608 = arith.constant 0 : i32
        %dma_start3A_609 = tpu.memref_slice %arg11[%add3A_602, %dma_start3A_608] : memref<512x32xi32, #tpu.memory_space<vmem>> -> memref<1x32xi32, #tpu.memory_space<vmem>>
        %dma_start3A_610 = tpu.memref_squeeze %dma_start3A_609 : memref<1x32xi32, #tpu.memory_space<vmem>> -> memref<32xi32, #tpu.memory_space<vmem>>
        %dma_start3A_611 = arith.constant 0 : i32
        %dma_start3A_612 = arith.constant 0 : i32
        %dma_start3A_613 = tpu.memref_slice %arg6[%dma_start3A_611, %dma_start3A_612] : memref<28672x128xf32, #tpu.memory_space<hbm>> -> memref<28672x128xf32, #tpu.memory_space<hbm>>
        tpu.enqueue_indirect_dma source(%dma_start3A_613 : memref<28672x128xf32, #tpu.memory_space<hbm>>) target(%dma_start3A_607 : memref<32x128xf32, #tpu.memory_space<vmem>>) offsets(%dma_start3A_610 : memref<32xi32, #tpu.memory_space<vmem>>) semaphore(%arg18 : memref<!tpu.dma_semaphore, #tpu.memory_space<semaphore_mem>>)
      } else {
      }
      %mul3A_213 = arith.constant 4 : i32
      %mul3A_214 = arith.muli %add3A_200, %mul3A_213 : i32
      %add3A_215 = arith.constant 0 : i32
      %add3A_216 = arith.addi %mul3A_214, %add3A_215 : i32
      %dma_wait3A_217 = arith.constant 0 : i32
      %dma_wait3A_218 = arith.constant 0 : i32
      %dma_wait3A_219 = arith.constant 0 : i32
      %dma_wait3A_220 = tpu.memref_slice %arg12[%dma_wait3A_217, %dma_wait3A_218, %dma_wait3A_219] : memref<4x32x128xf32, #tpu.memory_space<vmem>> -> memref<1x32x128xf32, #tpu.memory_space<vmem>>
      %dma_wait3A_221 = tpu.memref_squeeze %dma_wait3A_220 : memref<1x32x128xf32, #tpu.memory_space<vmem>> -> memref<32x128xf32, #tpu.memory_space<vmem>>
      %dma_wait3A_222 = arith.constant 0 : i32
      %dma_wait3A_223 = tpu.memref_slice %arg11[%add3A_216, %dma_wait3A_222] : memref<512x32xi32, #tpu.memory_space<vmem>> -> memref<1x32xi32, #tpu.memory_space<vmem>>
      %dma_wait3A_224 = tpu.memref_squeeze %dma_wait3A_223 : memref<1x32xi32, #tpu.memory_space<vmem>> -> memref<32xi32, #tpu.memory_space<vmem>>
      %dma_wait3A_225 = arith.constant 0 : i32
      %dma_wait3A_226 = arith.constant 0 : i32
      %dma_wait3A_227 = tpu.memref_slice %arg6[%dma_wait3A_225, %dma_wait3A_226] : memref<28672x128xf32, #tpu.memory_space<hbm>> -> memref<28672x128xf32, #tpu.memory_space<hbm>>
      tpu.wait_indirect_dma semaphore(%arg16 : memref<!tpu.dma_semaphore, #tpu.memory_space<semaphore_mem>>) src(%dma_wait3A_227 : memref<28672x128xf32, #tpu.memory_space<hbm>>) dst(%dma_wait3A_221 : memref<32x128xf32, #tpu.memory_space<vmem>>)
      %mul3A_228 = arith.constant 4 : i32
      %mul3A_229 = arith.muli %add3A_200, %mul3A_228 : i32
      %add3A_230 = arith.constant 1 : i32
      %add3A_231 = arith.addi %mul3A_229, %add3A_230 : i32
      %dma_wait3A_232 = arith.constant 1 : i32
      %dma_wait3A_233 = arith.constant 0 : i32
      %dma_wait3A_234 = arith.constant 0 : i32
      %dma_wait3A_235 = tpu.memref_slice %arg12[%dma_wait3A_232, %dma_wait3A_233, %dma_wait3A_234] : memref<4x32x128xf32, #tpu.memory_space<vmem>> -> memref<1x32x128xf32, #tpu.memory_space<vmem>>
      %dma_wait3A_236 = tpu.memref_squeeze %dma_wait3A_235 : memref<1x32x128xf32, #tpu.memory_space<vmem>> -> memref<32x128xf32, #tpu.memory_space<vmem>>
      %dma_wait3A_237 = arith.constant 0 : i32
      %dma_wait3A_238 = tpu.memref_slice %arg11[%add3A_231, %dma_wait3A_237] : memref<512x32xi32, #tpu.memory_space<vmem>> -> memref<1x32xi32, #tpu.memory_space<vmem>>
      %dma_wait3A_239 = tpu.memref_squeeze %dma_wait3A_238 : memref<1x32xi32, #tpu.memory_space<vmem>> -> memref<32xi32, #tpu.memory_space<vmem>>
      %dma_wait3A_240 = arith.constant 0 : i32
      %dma_wait3A_241 = arith.constant 0 : i32
      %dma_wait3A_242 = tpu.memref_slice %arg6[%dma_wait3A_240, %dma_wait3A_241] : memref<28672x128xf32, #tpu.memory_space<hbm>> -> memref<28672x128xf32, #tpu.memory_space<hbm>>
      tpu.wait_indirect_dma semaphore(%arg16 : memref<!tpu.dma_semaphore, #tpu.memory_space<semaphore_mem>>) src(%dma_wait3A_242 : memref<28672x128xf32, #tpu.memory_space<hbm>>) dst(%dma_wait3A_236 : memref<32x128xf32, #tpu.memory_space<vmem>>)
      %mul3A_243 = arith.constant 4 : i32
      %mul3A_244 = arith.muli %add3A_200, %mul3A_243 : i32
      %add3A_245 = arith.constant 2 : i32
      %add3A_246 = arith.addi %mul3A_244, %add3A_245 : i32
      %dma_wait3A_247 = arith.constant 2 : i32
      %dma_wait3A_248 = arith.constant 0 : i32
      %dma_wait3A_249 = arith.constant 0 : i32
      %dma_wait3A_250 = tpu.memref_slice %arg12[%dma_wait3A_247, %dma_wait3A_248, %dma_wait3A_249] : memref<4x32x128xf32, #tpu.memory_space<vmem>> -> memref<1x32x128xf32, #tpu.memory_space<vmem>>
      %dma_wait3A_251 = tpu.memref_squeeze %dma_wait3A_250 : memref<1x32x128xf32, #tpu.memory_space<vmem>> -> memref<32x128xf32, #tpu.memory_space<vmem>>
      %dma_wait3A_252 = arith.constant 0 : i32
      %dma_wait3A_253 = tpu.memref_slice %arg11[%add3A_246, %dma_wait3A_252] : memref<512x32xi32, #tpu.memory_space<vmem>> -> memref<1x32xi32, #tpu.memory_space<vmem>>
      %dma_wait3A_254 = tpu.memref_squeeze %dma_wait3A_253 : memref<1x32xi32, #tpu.memory_space<vmem>> -> memref<32xi32, #tpu.memory_space<vmem>>
      %dma_wait3A_255 = arith.constant 0 : i32
      %dma_wait3A_256 = arith.constant 0 : i32
      %dma_wait3A_257 = tpu.memref_slice %arg6[%dma_wait3A_255, %dma_wait3A_256] : memref<28672x128xf32, #tpu.memory_space<hbm>> -> memref<28672x128xf32, #tpu.memory_space<hbm>>
      tpu.wait_indirect_dma semaphore(%arg16 : memref<!tpu.dma_semaphore, #tpu.memory_space<semaphore_mem>>) src(%dma_wait3A_257 : memref<28672x128xf32, #tpu.memory_space<hbm>>) dst(%dma_wait3A_251 : memref<32x128xf32, #tpu.memory_space<vmem>>)
      %mul3A_258 = arith.constant 4 : i32
      %mul3A_259 = arith.muli %add3A_200, %mul3A_258 : i32
      %add3A_260 = arith.constant 3 : i32
      %add3A_261 = arith.addi %mul3A_259, %add3A_260 : i32
      %dma_wait3A_262 = arith.constant 3 : i32
      %dma_wait3A_263 = arith.constant 0 : i32
      %dma_wait3A_264 = arith.constant 0 : i32
      %dma_wait3A_265 = tpu.memref_slice %arg12[%dma_wait3A_262, %dma_wait3A_263, %dma_wait3A_264] : memref<4x32x128xf32, #tpu.memory_space<vmem>> -> memref<1x32x128xf32, #tpu.memory_space<vmem>>
      %dma_wait3A_266 = tpu.memref_squeeze %dma_wait3A_265 : memref<1x32x128xf32, #tpu.memory_space<vmem>> -> memref<32x128xf32, #tpu.memory_space<vmem>>
      %dma_wait3A_267 = arith.constant 0 : i32
      %dma_wait3A_268 = tpu.memref_slice %arg11[%add3A_261, %dma_wait3A_267] : memref<512x32xi32, #tpu.memory_space<vmem>> -> memref<1x32xi32, #tpu.memory_space<vmem>>
      %dma_wait3A_269 = tpu.memref_squeeze %dma_wait3A_268 : memref<1x32xi32, #tpu.memory_space<vmem>> -> memref<32xi32, #tpu.memory_space<vmem>>
      %dma_wait3A_270 = arith.constant 0 : i32
      %dma_wait3A_271 = arith.constant 0 : i32
      %dma_wait3A_272 = tpu.memref_slice %arg6[%dma_wait3A_270, %dma_wait3A_271] : memref<28672x128xf32, #tpu.memory_space<hbm>> -> memref<28672x128xf32, #tpu.memory_space<hbm>>
      tpu.wait_indirect_dma semaphore(%arg16 : memref<!tpu.dma_semaphore, #tpu.memory_space<semaphore_mem>>) src(%dma_wait3A_272 : memref<28672x128xf32, #tpu.memory_space<hbm>>) dst(%dma_wait3A_266 : memref<32x128xf32, #tpu.memory_space<vmem>>)
      %mul3A_273 = arith.constant 4 : i32
      %mul3A_274 = arith.muli %add3A_200, %mul3A_273 : i32
      %add3A_275 = arith.addi %mul3A_2, %mul3A_274 : i32
      %dma_start3A_276 = arith.constant 0 : i32
      %dma_start3A_277 = arith.constant 0 : i32
      %dma_start3A_278 = tpu.memref_slice %arg5[%add3A_275, %dma_start3A_276, %dma_start3A_277] : memref<16384x32x128xf32, #tpu.memory_space<hbm>> -> memref<4x32x128xf32, #tpu.memory_space<hbm>>
      %dma_start3A_279 = arith.constant 0 : i32
      %dma_start3A_280 = arith.constant 0 : i32
      %dma_start3A_281 = tpu.memref_slice %arg5[%add3A_275, %dma_start3A_279, %dma_start3A_280] : memref<16384x32x128xf32, #tpu.memory_space<hbm>> -> memref<4x32x128xf32, #tpu.memory_space<hbm>>
      tpu.enqueue_dma source(%arg12 : memref<4x32x128xf32, #tpu.memory_space<vmem>>) target(%dma_start3A_281 : memref<4x32x128xf32, #tpu.memory_space<hbm>>) target_semaphore(%arg20 : memref<!tpu.dma_semaphore, #tpu.memory_space<semaphore_mem>>)
      %mul3A_282 = arith.constant 4 : i32
      %mul3A_283 = arith.muli %scan3A_196, %mul3A_282 : i32
      %add3A_284 = arith.constant 1 : i32
      %add3A_285 = arith.addi %mul3A_283, %add3A_284 : i32
      %ge3A_286 = arith.constant 2 : i32
      %ge3A_287 = arith.cmpi sge, %add3A_285, %ge3A_286 : i32
      %add3A_288 = arith.constant 2 : i32
      %add3A_289 = arith.addi %add3A_285, %add3A_288 : i32
      %lt3A_290 = arith.constant 128 : i32
      %lt3A_291 = arith.cmpi slt, %add3A_289, %lt3A_290 : i32
      %and3A_292 = arith.andi %ge3A_287, %lt3A_291 : i1
      %convert_element_type3A_293 = arith.extui %and3A_292 : i1 to i32
      %cond3A_294 = arith.constant 0 : i32
      %cond3A_295 = arith.cmpi ne, %convert_element_type3A_293, %cond3A_294 : i32
      scf.if %cond3A_295 {
        %dma_wait3A_552 = arith.constant 0 : i32
        %dma_wait3A_553 = arith.constant 0 : i32
        %dma_wait3A_554 = tpu.memref_slice %arg5[%mul3A_2, %dma_wait3A_552, %dma_wait3A_553] : memref<16384x32x128xf32, #tpu.memory_space<hbm>> -> memref<4x32x128xf32, #tpu.memory_space<hbm>>
        %dma_wait3A_555 = arith.constant 0 : i32
        %dma_wait3A_556 = arith.constant 0 : i32
        %dma_wait3A_557 = tpu.memref_slice %arg5[%mul3A_2, %dma_wait3A_555, %dma_wait3A_556] : memref<16384x32x128xf32, #tpu.memory_space<hbm>> -> memref<4x32x128xf32, #tpu.memory_space<hbm>>
        tpu.wait_dma2 semaphore(%arg23 : memref<!tpu.dma_semaphore, #tpu.memory_space<semaphore_mem>>) src(%arg15 : memref<4x32x128xf32, #tpu.memory_space<vmem>>) dst(%dma_wait3A_557 : memref<4x32x128xf32, #tpu.memory_space<hbm>>)
      } else {
      }
      %add3A_296 = arith.constant 2 : i32
      %add3A_297 = arith.addi %add3A_285, %add3A_296 : i32
      %lt3A_298 = arith.constant 128 : i32
      %lt3A_299 = arith.cmpi slt, %add3A_297, %lt3A_298 : i32
      %convert_element_type3A_300 = arith.extui %lt3A_299 : i1 to i32
      %cond3A_301 = arith.constant 0 : i32
      %cond3A_302 = arith.cmpi ne, %convert_element_type3A_300, %cond3A_301 : i32
      scf.if %cond3A_302 {
        %add3A_552 = arith.constant 2 : i32
        %add3A_553 = arith.addi %add3A_285, %add3A_552 : i32
        %mul3A_554 = arith.constant 4 : i32
        %mul3A_555 = arith.muli %add3A_553, %mul3A_554 : i32
        %add3A_556 = arith.constant 0 : i32
        %add3A_557 = arith.addi %mul3A_555, %add3A_556 : i32
        %dma_start3A_558 = arith.constant 0 : i32
        %dma_start3A_559 = arith.constant 0 : i32
        %dma_start3A_560 = arith.constant 0 : i32
        %dma_start3A_561 = tpu.memref_slice %arg15[%dma_start3A_558, %dma_start3A_559, %dma_start3A_560] : memref<4x32x128xf32, #tpu.memory_space<vmem>> -> memref<1x32x128xf32, #tpu.memory_space<vmem>>
        %dma_start3A_562 = tpu.memref_squeeze %dma_start3A_561 : memref<1x32x128xf32, #tpu.memory_space<vmem>> -> memref<32x128xf32, #tpu.memory_space<vmem>>
        %dma_start3A_563 = arith.constant 0 : i32
        %dma_start3A_564 = tpu.memref_slice %arg11[%add3A_557, %dma_start3A_563] : memref<512x32xi32, #tpu.memory_space<vmem>> -> memref<1x32xi32, #tpu.memory_space<vmem>>
        %dma_start3A_565 = tpu.memref_squeeze %dma_start3A_564 : memref<1x32xi32, #tpu.memory_space<vmem>> -> memref<32xi32, #tpu.memory_space<vmem>>
        %dma_start3A_566 = arith.constant 0 : i32
        %dma_start3A_567 = arith.constant 0 : i32
        %dma_start3A_568 = tpu.memref_slice %arg6[%dma_start3A_566, %dma_start3A_567] : memref<28672x128xf32, #tpu.memory_space<hbm>> -> memref<28672x128xf32, #tpu.memory_space<hbm>>
        tpu.enqueue_indirect_dma source(%dma_start3A_568 : memref<28672x128xf32, #tpu.memory_space<hbm>>) target(%dma_start3A_562 : memref<32x128xf32, #tpu.memory_space<vmem>>) offsets(%dma_start3A_565 : memref<32xi32, #tpu.memory_space<vmem>>) semaphore(%arg19 : memref<!tpu.dma_semaphore, #tpu.memory_space<semaphore_mem>>)
        %mul3A_569 = arith.constant 4 : i32
        %mul3A_570 = arith.muli %add3A_553, %mul3A_569 : i32
        %add3A_571 = arith.constant 1 : i32
        %add3A_572 = arith.addi %mul3A_570, %add3A_571 : i32
        %dma_start3A_573 = arith.constant 1 : i32
        %dma_start3A_574 = arith.constant 0 : i32
        %dma_start3A_575 = arith.constant 0 : i32
        %dma_start3A_576 = tpu.memref_slice %arg15[%dma_start3A_573, %dma_start3A_574, %dma_start3A_575] : memref<4x32x128xf32, #tpu.memory_space<vmem>> -> memref<1x32x128xf32, #tpu.memory_space<vmem>>
        %dma_start3A_577 = tpu.memref_squeeze %dma_start3A_576 : memref<1x32x128xf32, #tpu.memory_space<vmem>> -> memref<32x128xf32, #tpu.memory_space<vmem>>
        %dma_start3A_578 = arith.constant 0 : i32
        %dma_start3A_579 = tpu.memref_slice %arg11[%add3A_572, %dma_start3A_578] : memref<512x32xi32, #tpu.memory_space<vmem>> -> memref<1x32xi32, #tpu.memory_space<vmem>>
        %dma_start3A_580 = tpu.memref_squeeze %dma_start3A_579 : memref<1x32xi32, #tpu.memory_space<vmem>> -> memref<32xi32, #tpu.memory_space<vmem>>
        %dma_start3A_581 = arith.constant 0 : i32
        %dma_start3A_582 = arith.constant 0 : i32
        %dma_start3A_583 = tpu.memref_slice %arg6[%dma_start3A_581, %dma_start3A_582] : memref<28672x128xf32, #tpu.memory_space<hbm>> -> memref<28672x128xf32, #tpu.memory_space<hbm>>
        tpu.enqueue_indirect_dma source(%dma_start3A_583 : memref<28672x128xf32, #tpu.memory_space<hbm>>) target(%dma_start3A_577 : memref<32x128xf32, #tpu.memory_space<vmem>>) offsets(%dma_start3A_580 : memref<32xi32, #tpu.memory_space<vmem>>) semaphore(%arg19 : memref<!tpu.dma_semaphore, #tpu.memory_space<semaphore_mem>>)
        %mul3A_584 = arith.constant 4 : i32
        %mul3A_585 = arith.muli %add3A_553, %mul3A_584 : i32
        %add3A_586 = arith.constant 2 : i32
        %add3A_587 = arith.addi %mul3A_585, %add3A_586 : i32
        %dma_start3A_588 = arith.constant 2 : i32
        %dma_start3A_589 = arith.constant 0 : i32
        %dma_start3A_590 = arith.constant 0 : i32
        %dma_start3A_591 = tpu.memref_slice %arg15[%dma_start3A_588, %dma_start3A_589, %dma_start3A_590] : memref<4x32x128xf32, #tpu.memory_space<vmem>> -> memref<1x32x128xf32, #tpu.memory_space<vmem>>
        %dma_start3A_592 = tpu.memref_squeeze %dma_start3A_591 : memref<1x32x128xf32, #tpu.memory_space<vmem>> -> memref<32x128xf32, #tpu.memory_space<vmem>>
        %dma_start3A_593 = arith.constant 0 : i32
        %dma_start3A_594 = tpu.memref_slice %arg11[%add3A_587, %dma_start3A_593] : memref<512x32xi32, #tpu.memory_space<vmem>> -> memref<1x32xi32, #tpu.memory_space<vmem>>
        %dma_start3A_595 = tpu.memref_squeeze %dma_start3A_594 : memref<1x32xi32, #tpu.memory_space<vmem>> -> memref<32xi32, #tpu.memory_space<vmem>>
        %dma_start3A_596 = arith.constant 0 : i32
        %dma_start3A_597 = arith.constant 0 : i32
        %dma_start3A_598 = tpu.memref_slice %arg6[%dma_start3A_596, %dma_start3A_597] : memref<28672x128xf32, #tpu.memory_space<hbm>> -> memref<28672x128xf32, #tpu.memory_space<hbm>>
        tpu.enqueue_indirect_dma source(%dma_start3A_598 : memref<28672x128xf32, #tpu.memory_space<hbm>>) target(%dma_start3A_592 : memref<32x128xf32, #tpu.memory_space<vmem>>) offsets(%dma_start3A_595 : memref<32xi32, #tpu.memory_space<vmem>>) semaphore(%arg19 : memref<!tpu.dma_semaphore, #tpu.memory_space<semaphore_mem>>)
        %mul3A_599 = arith.constant 4 : i32
        %mul3A_600 = arith.muli %add3A_553, %mul3A_599 : i32
        %add3A_601 = arith.constant 3 : i32
        %add3A_602 = arith.addi %mul3A_600, %add3A_601 : i32
        %dma_start3A_603 = arith.constant 3 : i32
        %dma_start3A_604 = arith.constant 0 : i32
        %dma_start3A_605 = arith.constant 0 : i32
        %dma_start3A_606 = tpu.memref_slice %arg15[%dma_start3A_603, %dma_start3A_604, %dma_start3A_605] : memref<4x32x128xf32, #tpu.memory_space<vmem>> -> memref<1x32x128xf32, #tpu.memory_space<vmem>>
        %dma_start3A_607 = tpu.memref_squeeze %dma_start3A_606 : memref<1x32x128xf32, #tpu.memory_space<vmem>> -> memref<32x128xf32, #tpu.memory_space<vmem>>
        %dma_start3A_608 = arith.constant 0 : i32
        %dma_start3A_609 = tpu.memref_slice %arg11[%add3A_602, %dma_start3A_608] : memref<512x32xi32, #tpu.memory_space<vmem>> -> memref<1x32xi32, #tpu.memory_space<vmem>>
        %dma_start3A_610 = tpu.memref_squeeze %dma_start3A_609 : memref<1x32xi32, #tpu.memory_space<vmem>> -> memref<32xi32, #tpu.memory_space<vmem>>
        %dma_start3A_611 = arith.constant 0 : i32
        %dma_start3A_612 = arith.constant 0 : i32
        %dma_start3A_613 = tpu.memref_slice %arg6[%dma_start3A_611, %dma_start3A_612] : memref<28672x128xf32, #tpu.memory_space<hbm>> -> memref<28672x128xf32, #tpu.memory_space<hbm>>
        tpu.enqueue_indirect_dma source(%dma_start3A_613 : memref<28672x128xf32, #tpu.memory_space<hbm>>) target(%dma_start3A_607 : memref<32x128xf32, #tpu.memory_space<vmem>>) offsets(%dma_start3A_610 : memref<32xi32, #tpu.memory_space<vmem>>) semaphore(%arg19 : memref<!tpu.dma_semaphore, #tpu.memory_space<semaphore_mem>>)
      } else {
      }
      %mul3A_303 = arith.constant 4 : i32
      %mul3A_304 = arith.muli %add3A_285, %mul3A_303 : i32
      %add3A_305 = arith.constant 0 : i32
      %add3A_306 = arith.addi %mul3A_304, %add3A_305 : i32
      %dma_wait3A_307 = arith.constant 0 : i32
      %dma_wait3A_308 = arith.constant 0 : i32
      %dma_wait3A_309 = arith.constant 0 : i32
      %dma_wait3A_310 = tpu.memref_slice %arg13[%dma_wait3A_307, %dma_wait3A_308, %dma_wait3A_309] : memref<4x32x128xf32, #tpu.memory_space<vmem>> -> memref<1x32x128xf32, #tpu.memory_space<vmem>>
      %dma_wait3A_311 = tpu.memref_squeeze %dma_wait3A_310 : memref<1x32x128xf32, #tpu.memory_space<vmem>> -> memref<32x128xf32, #tpu.memory_space<vmem>>
      %dma_wait3A_312 = arith.constant 0 : i32
      %dma_wait3A_313 = tpu.memref_slice %arg11[%add3A_306, %dma_wait3A_312] : memref<512x32xi32, #tpu.memory_space<vmem>> -> memref<1x32xi32, #tpu.memory_space<vmem>>
      %dma_wait3A_314 = tpu.memref_squeeze %dma_wait3A_313 : memref<1x32xi32, #tpu.memory_space<vmem>> -> memref<32xi32, #tpu.memory_space<vmem>>
      %dma_wait3A_315 = arith.constant 0 : i32
      %dma_wait3A_316 = arith.constant 0 : i32
      %dma_wait3A_317 = tpu.memref_slice %arg6[%dma_wait3A_315, %dma_wait3A_316] : memref<28672x128xf32, #tpu.memory_space<hbm>> -> memref<28672x128xf32, #tpu.memory_space<hbm>>
      tpu.wait_indirect_dma semaphore(%arg17 : memref<!tpu.dma_semaphore, #tpu.memory_space<semaphore_mem>>) src(%dma_wait3A_317 : memref<28672x128xf32, #tpu.memory_space<hbm>>) dst(%dma_wait3A_311 : memref<32x128xf32, #tpu.memory_space<vmem>>)
      %mul3A_318 = arith.constant 4 : i32
      %mul3A_319 = arith.muli %add3A_285, %mul3A_318 : i32
      %add3A_320 = arith.constant 1 : i32
      %add3A_321 = arith.addi %mul3A_319, %add3A_320 : i32
      %dma_wait3A_322 = arith.constant 1 : i32
      %dma_wait3A_323 = arith.constant 0 : i32
      %dma_wait3A_324 = arith.constant 0 : i32
      %dma_wait3A_325 = tpu.memref_slice %arg13[%dma_wait3A_322, %dma_wait3A_323, %dma_wait3A_324] : memref<4x32x128xf32, #tpu.memory_space<vmem>> -> memref<1x32x128xf32, #tpu.memory_space<vmem>>
      %dma_wait3A_326 = tpu.memref_squeeze %dma_wait3A_325 : memref<1x32x128xf32, #tpu.memory_space<vmem>> -> memref<32x128xf32, #tpu.memory_space<vmem>>
      %dma_wait3A_327 = arith.constant 0 : i32
      %dma_wait3A_328 = tpu.memref_slice %arg11[%add3A_321, %dma_wait3A_327] : memref<512x32xi32, #tpu.memory_space<vmem>> -> memref<1x32xi32, #tpu.memory_space<vmem>>
      %dma_wait3A_329 = tpu.memref_squeeze %dma_wait3A_328 : memref<1x32xi32, #tpu.memory_space<vmem>> -> memref<32xi32, #tpu.memory_space<vmem>>
      %dma_wait3A_330 = arith.constant 0 : i32
      %dma_wait3A_331 = arith.constant 0 : i32
      %dma_wait3A_332 = tpu.memref_slice %arg6[%dma_wait3A_330, %dma_wait3A_331] : memref<28672x128xf32, #tpu.memory_space<hbm>> -> memref<28672x128xf32, #tpu.memory_space<hbm>>
      tpu.wait_indirect_dma semaphore(%arg17 : memref<!tpu.dma_semaphore, #tpu.memory_space<semaphore_mem>>) src(%dma_wait3A_332 : memref<28672x128xf32, #tpu.memory_space<hbm>>) dst(%dma_wait3A_326 : memref<32x128xf32, #tpu.memory_space<vmem>>)
      %mul3A_333 = arith.constant 4 : i32
      %mul3A_334 = arith.muli %add3A_285, %mul3A_333 : i32
      %add3A_335 = arith.constant 2 : i32
      %add3A_336 = arith.addi %mul3A_334, %add3A_335 : i32
      %dma_wait3A_337 = arith.constant 2 : i32
      %dma_wait3A_338 = arith.constant 0 : i32
      %dma_wait3A_339 = arith.constant 0 : i32
      %dma_wait3A_340 = tpu.memref_slice %arg13[%dma_wait3A_337, %dma_wait3A_338, %dma_wait3A_339] : memref<4x32x128xf32, #tpu.memory_space<vmem>> -> memref<1x32x128xf32, #tpu.memory_space<vmem>>
      %dma_wait3A_341 = tpu.memref_squeeze %dma_wait3A_340 : memref<1x32x128xf32, #tpu.memory_space<vmem>> -> memref<32x128xf32, #tpu.memory_space<vmem>>
      %dma_wait3A_342 = arith.constant 0 : i32
      %dma_wait3A_343 = tpu.memref_slice %arg11[%add3A_336, %dma_wait3A_342] : memref<512x32xi32, #tpu.memory_space<vmem>> -> memref<1x32xi32, #tpu.memory_space<vmem>>
      %dma_wait3A_344 = tpu.memref_squeeze %dma_wait3A_343 : memref<1x32xi32, #tpu.memory_space<vmem>> -> memref<32xi32, #tpu.memory_space<vmem>>
      %dma_wait3A_345 = arith.constant 0 : i32
      %dma_wait3A_346 = arith.constant 0 : i32
      %dma_wait3A_347 = tpu.memref_slice %arg6[%dma_wait3A_345, %dma_wait3A_346] : memref<28672x128xf32, #tpu.memory_space<hbm>> -> memref<28672x128xf32, #tpu.memory_space<hbm>>
      tpu.wait_indirect_dma semaphore(%arg17 : memref<!tpu.dma_semaphore, #tpu.memory_space<semaphore_mem>>) src(%dma_wait3A_347 : memref<28672x128xf32, #tpu.memory_space<hbm>>) dst(%dma_wait3A_341 : memref<32x128xf32, #tpu.memory_space<vmem>>)
      %mul3A_348 = arith.constant 4 : i32
      %mul3A_349 = arith.muli %add3A_285, %mul3A_348 : i32
      %add3A_350 = arith.constant 3 : i32
      %add3A_351 = arith.addi %mul3A_349, %add3A_350 : i32
      %dma_wait3A_352 = arith.constant 3 : i32
      %dma_wait3A_353 = arith.constant 0 : i32
      %dma_wait3A_354 = arith.constant 0 : i32
      %dma_wait3A_355 = tpu.memref_slice %arg13[%dma_wait3A_352, %dma_wait3A_353, %dma_wait3A_354] : memref<4x32x128xf32, #tpu.memory_space<vmem>> -> memref<1x32x128xf32, #tpu.memory_space<vmem>>
      %dma_wait3A_356 = tpu.memref_squeeze %dma_wait3A_355 : memref<1x32x128xf32, #tpu.memory_space<vmem>> -> memref<32x128xf32, #tpu.memory_space<vmem>>
      %dma_wait3A_357 = arith.constant 0 : i32
      %dma_wait3A_358 = tpu.memref_slice %arg11[%add3A_351, %dma_wait3A_357] : memref<512x32xi32, #tpu.memory_space<vmem>> -> memref<1x32xi32, #tpu.memory_space<vmem>>
      %dma_wait3A_359 = tpu.memref_squeeze %dma_wait3A_358 : memref<1x32xi32, #tpu.memory_space<vmem>> -> memref<32xi32, #tpu.memory_space<vmem>>
      %dma_wait3A_360 = arith.constant 0 : i32
      %dma_wait3A_361 = arith.constant 0 : i32
      %dma_wait3A_362 = tpu.memref_slice %arg6[%dma_wait3A_360, %dma_wait3A_361] : memref<28672x128xf32, #tpu.memory_space<hbm>> -> memref<28672x128xf32, #tpu.memory_space<hbm>>
      tpu.wait_indirect_dma semaphore(%arg17 : memref<!tpu.dma_semaphore, #tpu.memory_space<semaphore_mem>>) src(%dma_wait3A_362 : memref<28672x128xf32, #tpu.memory_space<hbm>>) dst(%dma_wait3A_356 : memref<32x128xf32, #tpu.memory_space<vmem>>)
      %mul3A_363 = arith.constant 4 : i32
      %mul3A_364 = arith.muli %add3A_285, %mul3A_363 : i32
      %add3A_365 = arith.addi %mul3A_2, %mul3A_364 : i32
      %dma_start3A_366 = arith.constant 0 : i32
      %dma_start3A_367 = arith.constant 0 : i32
      %dma_start3A_368 = tpu.memref_slice %arg5[%add3A_365, %dma_start3A_366, %dma_start3A_367] : memref<16384x32x128xf32, #tpu.memory_space<hbm>> -> memref<4x32x128xf32, #tpu.memory_space<hbm>>
      %dma_start3A_369 = arith.constant 0 : i32
      %dma_start3A_370 = arith.constant 0 : i32
      %dma_start3A_371 = tpu.memref_slice %arg5[%add3A_365, %dma_start3A_369, %dma_start3A_370] : memref<16384x32x128xf32, #tpu.memory_space<hbm>> -> memref<4x32x128xf32, #tpu.memory_space<hbm>>
      tpu.enqueue_dma source(%arg13 : memref<4x32x128xf32, #tpu.memory_space<vmem>>) target(%dma_start3A_371 : memref<4x32x128xf32, #tpu.memory_space<hbm>>) target_semaphore(%arg21 : memref<!tpu.dma_semaphore, #tpu.memory_space<semaphore_mem>>)
      %mul3A_372 = arith.constant 4 : i32
      %mul3A_373 = arith.muli %scan3A_196, %mul3A_372 : i32
      %add3A_374 = arith.constant 2 : i32
      %add3A_375 = arith.addi %mul3A_373, %add3A_374 : i32
      %ge3A_376 = arith.constant 2 : i32
      %ge3A_377 = arith.cmpi sge, %add3A_375, %ge3A_376 : i32
      %add3A_378 = arith.constant 2 : i32
      %add3A_379 = arith.addi %add3A_375, %add3A_378 : i32
      %lt3A_380 = arith.constant 128 : i32
      %lt3A_381 = arith.cmpi slt, %add3A_379, %lt3A_380 : i32
      %and3A_382 = arith.andi %ge3A_377, %lt3A_381 : i1
      %convert_element_type3A_383 = arith.extui %and3A_382 : i1 to i32
      %cond3A_384 = arith.constant 0 : i32
      %cond3A_385 = arith.cmpi ne, %convert_element_type3A_383, %cond3A_384 : i32
      scf.if %cond3A_385 {
        %dma_wait3A_552 = arith.constant 0 : i32
        %dma_wait3A_553 = arith.constant 0 : i32
        %dma_wait3A_554 = tpu.memref_slice %arg5[%mul3A_2, %dma_wait3A_552, %dma_wait3A_553] : memref<16384x32x128xf32, #tpu.memory_space<hbm>> -> memref<4x32x128xf32, #tpu.memory_space<hbm>>
        %dma_wait3A_555 = arith.constant 0 : i32
        %dma_wait3A_556 = arith.constant 0 : i32
        %dma_wait3A_557 = tpu.memref_slice %arg5[%mul3A_2, %dma_wait3A_555, %dma_wait3A_556] : memref<16384x32x128xf32, #tpu.memory_space<hbm>> -> memref<4x32x128xf32, #tpu.memory_space<hbm>>
        tpu.wait_dma2 semaphore(%arg20 : memref<!tpu.dma_semaphore, #tpu.memory_space<semaphore_mem>>) src(%arg12 : memref<4x32x128xf32, #tpu.memory_space<vmem>>) dst(%dma_wait3A_557 : memref<4x32x128xf32, #tpu.memory_space<hbm>>)
      } else {
      }
      %add3A_386 = arith.constant 2 : i32
      %add3A_387 = arith.addi %add3A_375, %add3A_386 : i32
      %lt3A_388 = arith.constant 128 : i32
      %lt3A_389 = arith.cmpi slt, %add3A_387, %lt3A_388 : i32
      %convert_element_type3A_390 = arith.extui %lt3A_389 : i1 to i32
      %cond3A_391 = arith.constant 0 : i32
      %cond3A_392 = arith.cmpi ne, %convert_element_type3A_390, %cond3A_391 : i32
      scf.if %cond3A_392 {
        %add3A_552 = arith.constant 2 : i32
        %add3A_553 = arith.addi %add3A_375, %add3A_552 : i32
        %mul3A_554 = arith.constant 4 : i32
        %mul3A_555 = arith.muli %add3A_553, %mul3A_554 : i32
        %add3A_556 = arith.constant 0 : i32
        %add3A_557 = arith.addi %mul3A_555, %add3A_556 : i32
        %dma_start3A_558 = arith.constant 0 : i32
        %dma_start3A_559 = arith.constant 0 : i32
        %dma_start3A_560 = arith.constant 0 : i32
        %dma_start3A_561 = tpu.memref_slice %arg12[%dma_start3A_558, %dma_start3A_559, %dma_start3A_560] : memref<4x32x128xf32, #tpu.memory_space<vmem>> -> memref<1x32x128xf32, #tpu.memory_space<vmem>>
        %dma_start3A_562 = tpu.memref_squeeze %dma_start3A_561 : memref<1x32x128xf32, #tpu.memory_space<vmem>> -> memref<32x128xf32, #tpu.memory_space<vmem>>
        %dma_start3A_563 = arith.constant 0 : i32
        %dma_start3A_564 = tpu.memref_slice %arg11[%add3A_557, %dma_start3A_563] : memref<512x32xi32, #tpu.memory_space<vmem>> -> memref<1x32xi32, #tpu.memory_space<vmem>>
        %dma_start3A_565 = tpu.memref_squeeze %dma_start3A_564 : memref<1x32xi32, #tpu.memory_space<vmem>> -> memref<32xi32, #tpu.memory_space<vmem>>
        %dma_start3A_566 = arith.constant 0 : i32
        %dma_start3A_567 = arith.constant 0 : i32
        %dma_start3A_568 = tpu.memref_slice %arg6[%dma_start3A_566, %dma_start3A_567] : memref<28672x128xf32, #tpu.memory_space<hbm>> -> memref<28672x128xf32, #tpu.memory_space<hbm>>
        tpu.enqueue_indirect_dma source(%dma_start3A_568 : memref<28672x128xf32, #tpu.memory_space<hbm>>) target(%dma_start3A_562 : memref<32x128xf32, #tpu.memory_space<vmem>>) offsets(%dma_start3A_565 : memref<32xi32, #tpu.memory_space<vmem>>) semaphore(%arg16 : memref<!tpu.dma_semaphore, #tpu.memory_space<semaphore_mem>>)
        %mul3A_569 = arith.constant 4 : i32
        %mul3A_570 = arith.muli %add3A_553, %mul3A_569 : i32
        %add3A_571 = arith.constant 1 : i32
        %add3A_572 = arith.addi %mul3A_570, %add3A_571 : i32
        %dma_start3A_573 = arith.constant 1 : i32
        %dma_start3A_574 = arith.constant 0 : i32
        %dma_start3A_575 = arith.constant 0 : i32
        %dma_start3A_576 = tpu.memref_slice %arg12[%dma_start3A_573, %dma_start3A_574, %dma_start3A_575] : memref<4x32x128xf32, #tpu.memory_space<vmem>> -> memref<1x32x128xf32, #tpu.memory_space<vmem>>
        %dma_start3A_577 = tpu.memref_squeeze %dma_start3A_576 : memref<1x32x128xf32, #tpu.memory_space<vmem>> -> memref<32x128xf32, #tpu.memory_space<vmem>>
        %dma_start3A_578 = arith.constant 0 : i32
        %dma_start3A_579 = tpu.memref_slice %arg11[%add3A_572, %dma_start3A_578] : memref<512x32xi32, #tpu.memory_space<vmem>> -> memref<1x32xi32, #tpu.memory_space<vmem>>
        %dma_start3A_580 = tpu.memref_squeeze %dma_start3A_579 : memref<1x32xi32, #tpu.memory_space<vmem>> -> memref<32xi32, #tpu.memory_space<vmem>>
        %dma_start3A_581 = arith.constant 0 : i32
        %dma_start3A_582 = arith.constant 0 : i32
        %dma_start3A_583 = tpu.memref_slice %arg6[%dma_start3A_581, %dma_start3A_582] : memref<28672x128xf32, #tpu.memory_space<hbm>> -> memref<28672x128xf32, #tpu.memory_space<hbm>>
        tpu.enqueue_indirect_dma source(%dma_start3A_583 : memref<28672x128xf32, #tpu.memory_space<hbm>>) target(%dma_start3A_577 : memref<32x128xf32, #tpu.memory_space<vmem>>) offsets(%dma_start3A_580 : memref<32xi32, #tpu.memory_space<vmem>>) semaphore(%arg16 : memref<!tpu.dma_semaphore, #tpu.memory_space<semaphore_mem>>)
        %mul3A_584 = arith.constant 4 : i32
        %mul3A_585 = arith.muli %add3A_553, %mul3A_584 : i32
        %add3A_586 = arith.constant 2 : i32
        %add3A_587 = arith.addi %mul3A_585, %add3A_586 : i32
        %dma_start3A_588 = arith.constant 2 : i32
        %dma_start3A_589 = arith.constant 0 : i32
        %dma_start3A_590 = arith.constant 0 : i32
        %dma_start3A_591 = tpu.memref_slice %arg12[%dma_start3A_588, %dma_start3A_589, %dma_start3A_590] : memref<4x32x128xf32, #tpu.memory_space<vmem>> -> memref<1x32x128xf32, #tpu.memory_space<vmem>>
        %dma_start3A_592 = tpu.memref_squeeze %dma_start3A_591 : memref<1x32x128xf32, #tpu.memory_space<vmem>> -> memref<32x128xf32, #tpu.memory_space<vmem>>
        %dma_start3A_593 = arith.constant 0 : i32
        %dma_start3A_594 = tpu.memref_slice %arg11[%add3A_587, %dma_start3A_593] : memref<512x32xi32, #tpu.memory_space<vmem>> -> memref<1x32xi32, #tpu.memory_space<vmem>>
        %dma_start3A_595 = tpu.memref_squeeze %dma_start3A_594 : memref<1x32xi32, #tpu.memory_space<vmem>> -> memref<32xi32, #tpu.memory_space<vmem>>
        %dma_start3A_596 = arith.constant 0 : i32
        %dma_start3A_597 = arith.constant 0 : i32
        %dma_start3A_598 = tpu.memref_slice %arg6[%dma_start3A_596, %dma_start3A_597] : memref<28672x128xf32, #tpu.memory_space<hbm>> -> memref<28672x128xf32, #tpu.memory_space<hbm>>
        tpu.enqueue_indirect_dma source(%dma_start3A_598 : memref<28672x128xf32, #tpu.memory_space<hbm>>) target(%dma_start3A_592 : memref<32x128xf32, #tpu.memory_space<vmem>>) offsets(%dma_start3A_595 : memref<32xi32, #tpu.memory_space<vmem>>) semaphore(%arg16 : memref<!tpu.dma_semaphore, #tpu.memory_space<semaphore_mem>>)
        %mul3A_599 = arith.constant 4 : i32
        %mul3A_600 = arith.muli %add3A_553, %mul3A_599 : i32
        %add3A_601 = arith.constant 3 : i32
        %add3A_602 = arith.addi %mul3A_600, %add3A_601 : i32
        %dma_start3A_603 = arith.constant 3 : i32
        %dma_start3A_604 = arith.constant 0 : i32
        %dma_start3A_605 = arith.constant 0 : i32
        %dma_start3A_606 = tpu.memref_slice %arg12[%dma_start3A_603, %dma_start3A_604, %dma_start3A_605] : memref<4x32x128xf32, #tpu.memory_space<vmem>> -> memref<1x32x128xf32, #tpu.memory_space<vmem>>
        %dma_start3A_607 = tpu.memref_squeeze %dma_start3A_606 : memref<1x32x128xf32, #tpu.memory_space<vmem>> -> memref<32x128xf32, #tpu.memory_space<vmem>>
        %dma_start3A_608 = arith.constant 0 : i32
        %dma_start3A_609 = tpu.memref_slice %arg11[%add3A_602, %dma_start3A_608] : memref<512x32xi32, #tpu.memory_space<vmem>> -> memref<1x32xi32, #tpu.memory_space<vmem>>
        %dma_start3A_610 = tpu.memref_squeeze %dma_start3A_609 : memref<1x32xi32, #tpu.memory_space<vmem>> -> memref<32xi32, #tpu.memory_space<vmem>>
        %dma_start3A_611 = arith.constant 0 : i32
        %dma_start3A_612 = arith.constant 0 : i32
        %dma_start3A_613 = tpu.memref_slice %arg6[%dma_start3A_611, %dma_start3A_612] : memref<28672x128xf32, #tpu.memory_space<hbm>> -> memref<28672x128xf32, #tpu.memory_space<hbm>>
        tpu.enqueue_indirect_dma source(%dma_start3A_613 : memref<28672x128xf32, #tpu.memory_space<hbm>>) target(%dma_start3A_607 : memref<32x128xf32, #tpu.memory_space<vmem>>) offsets(%dma_start3A_610 : memref<32xi32, #tpu.memory_space<vmem>>) semaphore(%arg16 : memref<!tpu.dma_semaphore, #tpu.memory_space<semaphore_mem>>)
      } else {
      }
      %mul3A_393 = arith.constant 4 : i32
      %mul3A_394 = arith.muli %add3A_375, %mul3A_393 : i32
      %add3A_395 = arith.constant 0 : i32
      %add3A_396 = arith.addi %mul3A_394, %add3A_395 : i32
      %dma_wait3A_397 = arith.constant 0 : i32
      %dma_wait3A_398 = arith.constant 0 : i32
      %dma_wait3A_399 = arith.constant 0 : i32
      %dma_wait3A_400 = tpu.memref_slice %arg14[%dma_wait3A_397, %dma_wait3A_398, %dma_wait3A_399] : memref<4x32x128xf32, #tpu.memory_space<vmem>> -> memref<1x32x128xf32, #tpu.memory_space<vmem>>
      %dma_wait3A_401 = tpu.memref_squeeze %dma_wait3A_400 : memref<1x32x128xf32, #tpu.memory_space<vmem>> -> memref<32x128xf32, #tpu.memory_space<vmem>>
      %dma_wait3A_402 = arith.constant 0 : i32
      %dma_wait3A_403 = tpu.memref_slice %arg11[%add3A_396, %dma_wait3A_402] : memref<512x32xi32, #tpu.memory_space<vmem>> -> memref<1x32xi32, #tpu.memory_space<vmem>>
      %dma_wait3A_404 = tpu.memref_squeeze %dma_wait3A_403 : memref<1x32xi32, #tpu.memory_space<vmem>> -> memref<32xi32, #tpu.memory_space<vmem>>
      %dma_wait3A_405 = arith.constant 0 : i32
      %dma_wait3A_406 = arith.constant 0 : i32
      %dma_wait3A_407 = tpu.memref_slice %arg6[%dma_wait3A_405, %dma_wait3A_406] : memref<28672x128xf32, #tpu.memory_space<hbm>> -> memref<28672x128xf32, #tpu.memory_space<hbm>>
      tpu.wait_indirect_dma semaphore(%arg18 : memref<!tpu.dma_semaphore, #tpu.memory_space<semaphore_mem>>) src(%dma_wait3A_407 : memref<28672x128xf32, #tpu.memory_space<hbm>>) dst(%dma_wait3A_401 : memref<32x128xf32, #tpu.memory_space<vmem>>)
      %mul3A_408 = arith.constant 4 : i32
      %mul3A_409 = arith.muli %add3A_375, %mul3A_408 : i32
      %add3A_410 = arith.constant 1 : i32
      %add3A_411 = arith.addi %mul3A_409, %add3A_410 : i32
      %dma_wait3A_412 = arith.constant 1 : i32
      %dma_wait3A_413 = arith.constant 0 : i32
      %dma_wait3A_414 = arith.constant 0 : i32
      %dma_wait3A_415 = tpu.memref_slice %arg14[%dma_wait3A_412, %dma_wait3A_413, %dma_wait3A_414] : memref<4x32x128xf32, #tpu.memory_space<vmem>> -> memref<1x32x128xf32, #tpu.memory_space<vmem>>
      %dma_wait3A_416 = tpu.memref_squeeze %dma_wait3A_415 : memref<1x32x128xf32, #tpu.memory_space<vmem>> -> memref<32x128xf32, #tpu.memory_space<vmem>>
      %dma_wait3A_417 = arith.constant 0 : i32
      %dma_wait3A_418 = tpu.memref_slice %arg11[%add3A_411, %dma_wait3A_417] : memref<512x32xi32, #tpu.memory_space<vmem>> -> memref<1x32xi32, #tpu.memory_space<vmem>>
      %dma_wait3A_419 = tpu.memref_squeeze %dma_wait3A_418 : memref<1x32xi32, #tpu.memory_space<vmem>> -> memref<32xi32, #tpu.memory_space<vmem>>
      %dma_wait3A_420 = arith.constant 0 : i32
      %dma_wait3A_421 = arith.constant 0 : i32
      %dma_wait3A_422 = tpu.memref_slice %arg6[%dma_wait3A_420, %dma_wait3A_421] : memref<28672x128xf32, #tpu.memory_space<hbm>> -> memref<28672x128xf32, #tpu.memory_space<hbm>>
      tpu.wait_indirect_dma semaphore(%arg18 : memref<!tpu.dma_semaphore, #tpu.memory_space<semaphore_mem>>) src(%dma_wait3A_422 : memref<28672x128xf32, #tpu.memory_space<hbm>>) dst(%dma_wait3A_416 : memref<32x128xf32, #tpu.memory_space<vmem>>)
      %mul3A_423 = arith.constant 4 : i32
      %mul3A_424 = arith.muli %add3A_375, %mul3A_423 : i32
      %add3A_425 = arith.constant 2 : i32
      %add3A_426 = arith.addi %mul3A_424, %add3A_425 : i32
      %dma_wait3A_427 = arith.constant 2 : i32
      %dma_wait3A_428 = arith.constant 0 : i32
      %dma_wait3A_429 = arith.constant 0 : i32
      %dma_wait3A_430 = tpu.memref_slice %arg14[%dma_wait3A_427, %dma_wait3A_428, %dma_wait3A_429] : memref<4x32x128xf32, #tpu.memory_space<vmem>> -> memref<1x32x128xf32, #tpu.memory_space<vmem>>
      %dma_wait3A_431 = tpu.memref_squeeze %dma_wait3A_430 : memref<1x32x128xf32, #tpu.memory_space<vmem>> -> memref<32x128xf32, #tpu.memory_space<vmem>>
      %dma_wait3A_432 = arith.constant 0 : i32
      %dma_wait3A_433 = tpu.memref_slice %arg11[%add3A_426, %dma_wait3A_432] : memref<512x32xi32, #tpu.memory_space<vmem>> -> memref<1x32xi32, #tpu.memory_space<vmem>>
      %dma_wait3A_434 = tpu.memref_squeeze %dma_wait3A_433 : memref<1x32xi32, #tpu.memory_space<vmem>> -> memref<32xi32, #tpu.memory_space<vmem>>
      %dma_wait3A_435 = arith.constant 0 : i32
      %dma_wait3A_436 = arith.constant 0 : i32
      %dma_wait3A_437 = tpu.memref_slice %arg6[%dma_wait3A_435, %dma_wait3A_436] : memref<28672x128xf32, #tpu.memory_space<hbm>> -> memref<28672x128xf32, #tpu.memory_space<hbm>>
      tpu.wait_indirect_dma semaphore(%arg18 : memref<!tpu.dma_semaphore, #tpu.memory_space<semaphore_mem>>) src(%dma_wait3A_437 : memref<28672x128xf32, #tpu.memory_space<hbm>>) dst(%dma_wait3A_431 : memref<32x128xf32, #tpu.memory_space<vmem>>)
      %mul3A_438 = arith.constant 4 : i32
      %mul3A_439 = arith.muli %add3A_375, %mul3A_438 : i32
      %add3A_440 = arith.constant 3 : i32
      %add3A_441 = arith.addi %mul3A_439, %add3A_440 : i32
      %dma_wait3A_442 = arith.constant 3 : i32
      %dma_wait3A_443 = arith.constant 0 : i32
      %dma_wait3A_444 = arith.constant 0 : i32
      %dma_wait3A_445 = tpu.memref_slice %arg14[%dma_wait3A_442, %dma_wait3A_443, %dma_wait3A_444] : memref<4x32x128xf32, #tpu.memory_space<vmem>> -> memref<1x32x128xf32, #tpu.memory_space<vmem>>
      %dma_wait3A_446 = tpu.memref_squeeze %dma_wait3A_445 : memref<1x32x128xf32, #tpu.memory_space<vmem>> -> memref<32x128xf32, #tpu.memory_space<vmem>>
      %dma_wait3A_447 = arith.constant 0 : i32
      %dma_wait3A_448 = tpu.memref_slice %arg11[%add3A_441, %dma_wait3A_447] : memref<512x32xi32, #tpu.memory_space<vmem>> -> memref<1x32xi32, #tpu.memory_space<vmem>>
      %dma_wait3A_449 = tpu.memref_squeeze %dma_wait3A_448 : memref<1x32xi32, #tpu.memory_space<vmem>> -> memref<32xi32, #tpu.memory_space<vmem>>
      %dma_wait3A_450 = arith.constant 0 : i32
      %dma_wait3A_451 = arith.constant 0 : i32
      %dma_wait3A_452 = tpu.memref_slice %arg6[%dma_wait3A_450, %dma_wait3A_451] : memref<28672x128xf32, #tpu.memory_space<hbm>> -> memref<28672x128xf32, #tpu.memory_space<hbm>>
      tpu.wait_indirect_dma semaphore(%arg18 : memref<!tpu.dma_semaphore, #tpu.memory_space<semaphore_mem>>) src(%dma_wait3A_452 : memref<28672x128xf32, #tpu.memory_space<hbm>>) dst(%dma_wait3A_446 : memref<32x128xf32, #tpu.memory_space<vmem>>)
      %mul3A_453 = arith.constant 4 : i32
      %mul3A_454 = arith.muli %add3A_375, %mul3A_453 : i32
      %add3A_455 = arith.addi %mul3A_2, %mul3A_454 : i32
      %dma_start3A_456 = arith.constant 0 : i32
      %dma_start3A_457 = arith.constant 0 : i32
      %dma_start3A_458 = tpu.memref_slice %arg5[%add3A_455, %dma_start3A_456, %dma_start3A_457] : memref<16384x32x128xf32, #tpu.memory_space<hbm>> -> memref<4x32x128xf32, #tpu.memory_space<hbm>>
      %dma_start3A_459 = arith.constant 0 : i32
      %dma_start3A_460 = arith.constant 0 : i32
      %dma_start3A_461 = tpu.memref_slice %arg5[%add3A_455, %dma_start3A_459, %dma_start3A_460] : memref<16384x32x128xf32, #tpu.memory_space<hbm>> -> memref<4x32x128xf32, #tpu.memory_space<hbm>>
      tpu.enqueue_dma source(%arg14 : memref<4x32x128xf32, #tpu.memory_space<vmem>>) target(%dma_start3A_461 : memref<4x32x128xf32, #tpu.memory_space<hbm>>) target_semaphore(%arg22 : memref<!tpu.dma_semaphore, #tpu.memory_space<semaphore_mem>>)
      %mul3A_462 = arith.constant 4 : i32
      %mul3A_463 = arith.muli %scan3A_196, %mul3A_462 : i32
      %add3A_464 = arith.constant 3 : i32
      %add3A_465 = arith.addi %mul3A_463, %add3A_464 : i32
      %ge3A_466 = arith.constant 2 : i32
      %ge3A_467 = arith.cmpi sge, %add3A_465, %ge3A_466 : i32
      %add3A_468 = arith.constant 2 : i32
      %add3A_469 = arith.addi %add3A_465, %add3A_468 : i32
      %lt3A_470 = arith.constant 128 : i32
      %lt3A_471 = arith.cmpi slt, %add3A_469, %lt3A_470 : i32
      %and3A_472 = arith.andi %ge3A_467, %lt3A_471 : i1
      %convert_element_type3A_473 = arith.extui %and3A_472 : i1 to i32
      %cond3A_474 = arith.constant 0 : i32
      %cond3A_475 = arith.cmpi ne, %convert_element_type3A_473, %cond3A_474 : i32
      scf.if %cond3A_475 {
        %dma_wait3A_552 = arith.constant 0 : i32
        %dma_wait3A_553 = arith.constant 0 : i32
        %dma_wait3A_554 = tpu.memref_slice %arg5[%mul3A_2, %dma_wait3A_552, %dma_wait3A_553] : memref<16384x32x128xf32, #tpu.memory_space<hbm>> -> memref<4x32x128xf32, #tpu.memory_space<hbm>>
        %dma_wait3A_555 = arith.constant 0 : i32
        %dma_wait3A_556 = arith.constant 0 : i32
        %dma_wait3A_557 = tpu.memref_slice %arg5[%mul3A_2, %dma_wait3A_555, %dma_wait3A_556] : memref<16384x32x128xf32, #tpu.memory_space<hbm>> -> memref<4x32x128xf32, #tpu.memory_space<hbm>>
        tpu.wait_dma2 semaphore(%arg21 : memref<!tpu.dma_semaphore, #tpu.memory_space<semaphore_mem>>) src(%arg13 : memref<4x32x128xf32, #tpu.memory_space<vmem>>) dst(%dma_wait3A_557 : memref<4x32x128xf32, #tpu.memory_space<hbm>>)
      } else {
      }
      %add3A_476 = arith.constant 2 : i32
      %add3A_477 = arith.addi %add3A_465, %add3A_476 : i32
      %lt3A_478 = arith.constant 128 : i32
      %lt3A_479 = arith.cmpi slt, %add3A_477, %lt3A_478 : i32
      %convert_element_type3A_480 = arith.extui %lt3A_479 : i1 to i32
      %cond3A_481 = arith.constant 0 : i32
      %cond3A_482 = arith.cmpi ne, %convert_element_type3A_480, %cond3A_481 : i32
      scf.if %cond3A_482 {
        %add3A_552 = arith.constant 2 : i32
        %add3A_553 = arith.addi %add3A_465, %add3A_552 : i32
        %mul3A_554 = arith.constant 4 : i32
        %mul3A_555 = arith.muli %add3A_553, %mul3A_554 : i32
        %add3A_556 = arith.constant 0 : i32
        %add3A_557 = arith.addi %mul3A_555, %add3A_556 : i32
        %dma_start3A_558 = arith.constant 0 : i32
        %dma_start3A_559 = arith.constant 0 : i32
        %dma_start3A_560 = arith.constant 0 : i32
        %dma_start3A_561 = tpu.memref_slice %arg13[%dma_start3A_558, %dma_start3A_559, %dma_start3A_560] : memref<4x32x128xf32, #tpu.memory_space<vmem>> -> memref<1x32x128xf32, #tpu.memory_space<vmem>>
        %dma_start3A_562 = tpu.memref_squeeze %dma_start3A_561 : memref<1x32x128xf32, #tpu.memory_space<vmem>> -> memref<32x128xf32, #tpu.memory_space<vmem>>
        %dma_start3A_563 = arith.constant 0 : i32
        %dma_start3A_564 = tpu.memref_slice %arg11[%add3A_557, %dma_start3A_563] : memref<512x32xi32, #tpu.memory_space<vmem>> -> memref<1x32xi32, #tpu.memory_space<vmem>>
        %dma_start3A_565 = tpu.memref_squeeze %dma_start3A_564 : memref<1x32xi32, #tpu.memory_space<vmem>> -> memref<32xi32, #tpu.memory_space<vmem>>
        %dma_start3A_566 = arith.constant 0 : i32
        %dma_start3A_567 = arith.constant 0 : i32
        %dma_start3A_568 = tpu.memref_slice %arg6[%dma_start3A_566, %dma_start3A_567] : memref<28672x128xf32, #tpu.memory_space<hbm>> -> memref<28672x128xf32, #tpu.memory_space<hbm>>
        tpu.enqueue_indirect_dma source(%dma_start3A_568 : memref<28672x128xf32, #tpu.memory_space<hbm>>) target(%dma_start3A_562 : memref<32x128xf32, #tpu.memory_space<vmem>>) offsets(%dma_start3A_565 : memref<32xi32, #tpu.memory_space<vmem>>) semaphore(%arg17 : memref<!tpu.dma_semaphore, #tpu.memory_space<semaphore_mem>>)
        %mul3A_569 = arith.constant 4 : i32
        %mul3A_570 = arith.muli %add3A_553, %mul3A_569 : i32
        %add3A_571 = arith.constant 1 : i32
        %add3A_572 = arith.addi %mul3A_570, %add3A_571 : i32
        %dma_start3A_573 = arith.constant 1 : i32
        %dma_start3A_574 = arith.constant 0 : i32
        %dma_start3A_575 = arith.constant 0 : i32
        %dma_start3A_576 = tpu.memref_slice %arg13[%dma_start3A_573, %dma_start3A_574, %dma_start3A_575] : memref<4x32x128xf32, #tpu.memory_space<vmem>> -> memref<1x32x128xf32, #tpu.memory_space<vmem>>
        %dma_start3A_577 = tpu.memref_squeeze %dma_start3A_576 : memref<1x32x128xf32, #tpu.memory_space<vmem>> -> memref<32x128xf32, #tpu.memory_space<vmem>>
        %dma_start3A_578 = arith.constant 0 : i32
        %dma_start3A_579 = tpu.memref_slice %arg11[%add3A_572, %dma_start3A_578] : memref<512x32xi32, #tpu.memory_space<vmem>> -> memref<1x32xi32, #tpu.memory_space<vmem>>
        %dma_start3A_580 = tpu.memref_squeeze %dma_start3A_579 : memref<1x32xi32, #tpu.memory_space<vmem>> -> memref<32xi32, #tpu.memory_space<vmem>>
        %dma_start3A_581 = arith.constant 0 : i32
        %dma_start3A_582 = arith.constant 0 : i32
        %dma_start3A_583 = tpu.memref_slice %arg6[%dma_start3A_581, %dma_start3A_582] : memref<28672x128xf32, #tpu.memory_space<hbm>> -> memref<28672x128xf32, #tpu.memory_space<hbm>>
        tpu.enqueue_indirect_dma source(%dma_start3A_583 : memref<28672x128xf32, #tpu.memory_space<hbm>>) target(%dma_start3A_577 : memref<32x128xf32, #tpu.memory_space<vmem>>) offsets(%dma_start3A_580 : memref<32xi32, #tpu.memory_space<vmem>>) semaphore(%arg17 : memref<!tpu.dma_semaphore, #tpu.memory_space<semaphore_mem>>)
        %mul3A_584 = arith.constant 4 : i32
        %mul3A_585 = arith.muli %add3A_553, %mul3A_584 : i32
        %add3A_586 = arith.constant 2 : i32
        %add3A_587 = arith.addi %mul3A_585, %add3A_586 : i32
        %dma_start3A_588 = arith.constant 2 : i32
        %dma_start3A_589 = arith.constant 0 : i32
        %dma_start3A_590 = arith.constant 0 : i32
        %dma_start3A_591 = tpu.memref_slice %arg13[%dma_start3A_588, %dma_start3A_589, %dma_start3A_590] : memref<4x32x128xf32, #tpu.memory_space<vmem>> -> memref<1x32x128xf32, #tpu.memory_space<vmem>>
        %dma_start3A_592 = tpu.memref_squeeze %dma_start3A_591 : memref<1x32x128xf32, #tpu.memory_space<vmem>> -> memref<32x128xf32, #tpu.memory_space<vmem>>
        %dma_start3A_593 = arith.constant 0 : i32
        %dma_start3A_594 = tpu.memref_slice %arg11[%add3A_587, %dma_start3A_593] : memref<512x32xi32, #tpu.memory_space<vmem>> -> memref<1x32xi32, #tpu.memory_space<vmem>>
        %dma_start3A_595 = tpu.memref_squeeze %dma_start3A_594 : memref<1x32xi32, #tpu.memory_space<vmem>> -> memref<32xi32, #tpu.memory_space<vmem>>
        %dma_start3A_596 = arith.constant 0 : i32
        %dma_start3A_597 = arith.constant 0 : i32
        %dma_start3A_598 = tpu.memref_slice %arg6[%dma_start3A_596, %dma_start3A_597] : memref<28672x128xf32, #tpu.memory_space<hbm>> -> memref<28672x128xf32, #tpu.memory_space<hbm>>
        tpu.enqueue_indirect_dma source(%dma_start3A_598 : memref<28672x128xf32, #tpu.memory_space<hbm>>) target(%dma_start3A_592 : memref<32x128xf32, #tpu.memory_space<vmem>>) offsets(%dma_start3A_595 : memref<32xi32, #tpu.memory_space<vmem>>) semaphore(%arg17 : memref<!tpu.dma_semaphore, #tpu.memory_space<semaphore_mem>>)
        %mul3A_599 = arith.constant 4 : i32
        %mul3A_600 = arith.muli %add3A_553, %mul3A_599 : i32
        %add3A_601 = arith.constant 3 : i32
        %add3A_602 = arith.addi %mul3A_600, %add3A_601 : i32
        %dma_start3A_603 = arith.constant 3 : i32
        %dma_start3A_604 = arith.constant 0 : i32
        %dma_start3A_605 = arith.constant 0 : i32
        %dma_start3A_606 = tpu.memref_slice %arg13[%dma_start3A_603, %dma_start3A_604, %dma_start3A_605] : memref<4x32x128xf32, #tpu.memory_space<vmem>> -> memref<1x32x128xf32, #tpu.memory_space<vmem>>
        %dma_start3A_607 = tpu.memref_squeeze %dma_start3A_606 : memref<1x32x128xf32, #tpu.memory_space<vmem>> -> memref<32x128xf32, #tpu.memory_space<vmem>>
        %dma_start3A_608 = arith.constant 0 : i32
        %dma_start3A_609 = tpu.memref_slice %arg11[%add3A_602, %dma_start3A_608] : memref<512x32xi32, #tpu.memory_space<vmem>> -> memref<1x32xi32, #tpu.memory_space<vmem>>
        %dma_start3A_610 = tpu.memref_squeeze %dma_start3A_609 : memref<1x32xi32, #tpu.memory_space<vmem>> -> memref<32xi32, #tpu.memory_space<vmem>>
        %dma_start3A_611 = arith.constant 0 : i32
        %dma_start3A_612 = arith.constant 0 : i32
        %dma_start3A_613 = tpu.memref_slice %arg6[%dma_start3A_611, %dma_start3A_612] : memref<28672x128xf32, #tpu.memory_space<hbm>> -> memref<28672x128xf32, #tpu.memory_space<hbm>>
        tpu.enqueue_indirect_dma source(%dma_start3A_613 : memref<28672x128xf32, #tpu.memory_space<hbm>>) target(%dma_start3A_607 : memref<32x128xf32, #tpu.memory_space<vmem>>) offsets(%dma_start3A_610 : memref<32xi32, #tpu.memory_space<vmem>>) semaphore(%arg17 : memref<!tpu.dma_semaphore, #tpu.memory_space<semaphore_mem>>)
      } else {
      }
      %mul3A_483 = arith.constant 4 : i32
      %mul3A_484 = arith.muli %add3A_465, %mul3A_483 : i32
      %add3A_485 = arith.constant 0 : i32
      %add3A_486 = arith.addi %mul3A_484, %add3A_485 : i32
      %dma_wait3A_487 = arith.constant 0 : i32
      %dma_wait3A_488 = arith.constant 0 : i32
      %dma_wait3A_489 = arith.constant 0 : i32
      %dma_wait3A_490 = tpu.memref_slice %arg15[%dma_wait3A_487, %dma_wait3A_488, %dma_wait3A_489] : memref<4x32x128xf32, #tpu.memory_space<vmem>> -> memref<1x32x128xf32, #tpu.memory_space<vmem>>
      %dma_wait3A_491 = tpu.memref_squeeze %dma_wait3A_490 : memref<1x32x128xf32, #tpu.memory_space<vmem>> -> memref<32x128xf32, #tpu.memory_space<vmem>>
      %dma_wait3A_492 = arith.constant 0 : i32
      %dma_wait3A_493 = tpu.memref_slice %arg11[%add3A_486, %dma_wait3A_492] : memref<512x32xi32, #tpu.memory_space<vmem>> -> memref<1x32xi32, #tpu.memory_space<vmem>>
      %dma_wait3A_494 = tpu.memref_squeeze %dma_wait3A_493 : memref<1x32xi32, #tpu.memory_space<vmem>> -> memref<32xi32, #tpu.memory_space<vmem>>
      %dma_wait3A_495 = arith.constant 0 : i32
      %dma_wait3A_496 = arith.constant 0 : i32
      %dma_wait3A_497 = tpu.memref_slice %arg6[%dma_wait3A_495, %dma_wait3A_496] : memref<28672x128xf32, #tpu.memory_space<hbm>> -> memref<28672x128xf32, #tpu.memory_space<hbm>>
      tpu.wait_indirect_dma semaphore(%arg19 : memref<!tpu.dma_semaphore, #tpu.memory_space<semaphore_mem>>) src(%dma_wait3A_497 : memref<28672x128xf32, #tpu.memory_space<hbm>>) dst(%dma_wait3A_491 : memref<32x128xf32, #tpu.memory_space<vmem>>)
      %mul3A_498 = arith.constant 4 : i32
      %mul3A_499 = arith.muli %add3A_465, %mul3A_498 : i32
      %add3A_500 = arith.constant 1 : i32
      %add3A_501 = arith.addi %mul3A_499, %add3A_500 : i32
      %dma_wait3A_502 = arith.constant 1 : i32
      %dma_wait3A_503 = arith.constant 0 : i32
      %dma_wait3A_504 = arith.constant 0 : i32
      %dma_wait3A_505 = tpu.memref_slice %arg15[%dma_wait3A_502, %dma_wait3A_503, %dma_wait3A_504] : memref<4x32x128xf32, #tpu.memory_space<vmem>> -> memref<1x32x128xf32, #tpu.memory_space<vmem>>
      %dma_wait3A_506 = tpu.memref_squeeze %dma_wait3A_505 : memref<1x32x128xf32, #tpu.memory_space<vmem>> -> memref<32x128xf32, #tpu.memory_space<vmem>>
      %dma_wait3A_507 = arith.constant 0 : i32
      %dma_wait3A_508 = tpu.memref_slice %arg11[%add3A_501, %dma_wait3A_507] : memref<512x32xi32, #tpu.memory_space<vmem>> -> memref<1x32xi32, #tpu.memory_space<vmem>>
      %dma_wait3A_509 = tpu.memref_squeeze %dma_wait3A_508 : memref<1x32xi32, #tpu.memory_space<vmem>> -> memref<32xi32, #tpu.memory_space<vmem>>
      %dma_wait3A_510 = arith.constant 0 : i32
      %dma_wait3A_511 = arith.constant 0 : i32
      %dma_wait3A_512 = tpu.memref_slice %arg6[%dma_wait3A_510, %dma_wait3A_511] : memref<28672x128xf32, #tpu.memory_space<hbm>> -> memref<28672x128xf32, #tpu.memory_space<hbm>>
      tpu.wait_indirect_dma semaphore(%arg19 : memref<!tpu.dma_semaphore, #tpu.memory_space<semaphore_mem>>) src(%dma_wait3A_512 : memref<28672x128xf32, #tpu.memory_space<hbm>>) dst(%dma_wait3A_506 : memref<32x128xf32, #tpu.memory_space<vmem>>)
      %mul3A_513 = arith.constant 4 : i32
      %mul3A_514 = arith.muli %add3A_465, %mul3A_513 : i32
      %add3A_515 = arith.constant 2 : i32
      %add3A_516 = arith.addi %mul3A_514, %add3A_515 : i32
      %dma_wait3A_517 = arith.constant 2 : i32
      %dma_wait3A_518 = arith.constant 0 : i32
      %dma_wait3A_519 = arith.constant 0 : i32
      %dma_wait3A_520 = tpu.memref_slice %arg15[%dma_wait3A_517, %dma_wait3A_518, %dma_wait3A_519] : memref<4x32x128xf32, #tpu.memory_space<vmem>> -> memref<1x32x128xf32, #tpu.memory_space<vmem>>
      %dma_wait3A_521 = tpu.memref_squeeze %dma_wait3A_520 : memref<1x32x128xf32, #tpu.memory_space<vmem>> -> memref<32x128xf32, #tpu.memory_space<vmem>>
      %dma_wait3A_522 = arith.constant 0 : i32
      %dma_wait3A_523 = tpu.memref_slice %arg11[%add3A_516, %dma_wait3A_522] : memref<512x32xi32, #tpu.memory_space<vmem>> -> memref<1x32xi32, #tpu.memory_space<vmem>>
      %dma_wait3A_524 = tpu.memref_squeeze %dma_wait3A_523 : memref<1x32xi32, #tpu.memory_space<vmem>> -> memref<32xi32, #tpu.memory_space<vmem>>
      %dma_wait3A_525 = arith.constant 0 : i32
      %dma_wait3A_526 = arith.constant 0 : i32
      %dma_wait3A_527 = tpu.memref_slice %arg6[%dma_wait3A_525, %dma_wait3A_526] : memref<28672x128xf32, #tpu.memory_space<hbm>> -> memref<28672x128xf32, #tpu.memory_space<hbm>>
      tpu.wait_indirect_dma semaphore(%arg19 : memref<!tpu.dma_semaphore, #tpu.memory_space<semaphore_mem>>) src(%dma_wait3A_527 : memref<28672x128xf32, #tpu.memory_space<hbm>>) dst(%dma_wait3A_521 : memref<32x128xf32, #tpu.memory_space<vmem>>)
      %mul3A_528 = arith.constant 4 : i32
      %mul3A_529 = arith.muli %add3A_465, %mul3A_528 : i32
      %add3A_530 = arith.constant 3 : i32
      %add3A_531 = arith.addi %mul3A_529, %add3A_530 : i32
      %dma_wait3A_532 = arith.constant 3 : i32
      %dma_wait3A_533 = arith.constant 0 : i32
      %dma_wait3A_534 = arith.constant 0 : i32
      %dma_wait3A_535 = tpu.memref_slice %arg15[%dma_wait3A_532, %dma_wait3A_533, %dma_wait3A_534] : memref<4x32x128xf32, #tpu.memory_space<vmem>> -> memref<1x32x128xf32, #tpu.memory_space<vmem>>
      %dma_wait3A_536 = tpu.memref_squeeze %dma_wait3A_535 : memref<1x32x128xf32, #tpu.memory_space<vmem>> -> memref<32x128xf32, #tpu.memory_space<vmem>>
      %dma_wait3A_537 = arith.constant 0 : i32
      %dma_wait3A_538 = tpu.memref_slice %arg11[%add3A_531, %dma_wait3A_537] : memref<512x32xi32, #tpu.memory_space<vmem>> -> memref<1x32xi32, #tpu.memory_space<vmem>>
      %dma_wait3A_539 = tpu.memref_squeeze %dma_wait3A_538 : memref<1x32xi32, #tpu.memory_space<vmem>> -> memref<32xi32, #tpu.memory_space<vmem>>
      %dma_wait3A_540 = arith.constant 0 : i32
      %dma_wait3A_541 = arith.constant 0 : i32
      %dma_wait3A_542 = tpu.memref_slice %arg6[%dma_wait3A_540, %dma_wait3A_541] : memref<28672x128xf32, #tpu.memory_space<hbm>> -> memref<28672x128xf32, #tpu.memory_space<hbm>>
      tpu.wait_indirect_dma semaphore(%arg19 : memref<!tpu.dma_semaphore, #tpu.memory_space<semaphore_mem>>) src(%dma_wait3A_542 : memref<28672x128xf32, #tpu.memory_space<hbm>>) dst(%dma_wait3A_536 : memref<32x128xf32, #tpu.memory_space<vmem>>)
      %mul3A_543 = arith.constant 4 : i32
      %mul3A_544 = arith.muli %add3A_465, %mul3A_543 : i32
      %add3A_545 = arith.addi %mul3A_2, %mul3A_544 : i32
      %dma_start3A_546 = arith.constant 0 : i32
      %dma_start3A_547 = arith.constant 0 : i32
      %dma_start3A_548 = tpu.memref_slice %arg5[%add3A_545, %dma_start3A_546, %dma_start3A_547] : memref<16384x32x128xf32, #tpu.memory_space<hbm>> -> memref<4x32x128xf32, #tpu.memory_space<hbm>>
      %dma_start3A_549 = arith.constant 0 : i32
      %dma_start3A_550 = arith.constant 0 : i32
      %dma_start3A_551 = tpu.memref_slice %arg5[%add3A_545, %dma_start3A_549, %dma_start3A_550] : memref<16384x32x128xf32, #tpu.memory_space<hbm>> -> memref<4x32x128xf32, #tpu.memory_space<hbm>>
      tpu.enqueue_dma source(%arg15 : memref<4x32x128xf32, #tpu.memory_space<vmem>>) target(%dma_start3A_551 : memref<4x32x128xf32, #tpu.memory_space<hbm>>) target_semaphore(%arg23 : memref<!tpu.dma_semaphore, #tpu.memory_space<semaphore_mem>>)
    }
    %scan3A_172 = arith.constant 32 : i32
    %dma_wait3A = arith.constant 0 : i32
    %dma_wait3A_173 = arith.constant 0 : i32
    %dma_wait3A_174 = tpu.memref_slice %arg5[%mul3A_2, %dma_wait3A, %dma_wait3A_173] : memref<16384x32x128xf32, #tpu.memory_space<hbm>> -> memref<4x32x128xf32, #tpu.memory_space<hbm>>
    %dma_wait3A_175 = arith.constant 0 : i32
    %dma_wait3A_176 = arith.constant 0 : i32
    %dma_wait3A_177 = tpu.memref_slice %arg5[%mul3A_2, %dma_wait3A_175, %dma_wait3A_176] : memref<16384x32x128xf32, #tpu.memory_space<hbm>> -> memref<4x32x128xf32, #tpu.memory_space<hbm>>
    tpu.wait_dma2 semaphore(%arg20 : memref<!tpu.dma_semaphore, #tpu.memory_space<semaphore_mem>>) src(%arg12 : memref<4x32x128xf32, #tpu.memory_space<vmem>>) dst(%dma_wait3A_177 : memref<4x32x128xf32, #tpu.memory_space<hbm>>)
    %dma_wait3A_178 = arith.constant 0 : i32
    %dma_wait3A_179 = arith.constant 0 : i32
    %dma_wait3A_180 = tpu.memref_slice %arg5[%mul3A_2, %dma_wait3A_178, %dma_wait3A_179] : memref<16384x32x128xf32, #tpu.memory_space<hbm>> -> memref<4x32x128xf32, #tpu.memory_space<hbm>>
    %dma_wait3A_181 = arith.constant 0 : i32
    %dma_wait3A_182 = arith.constant 0 : i32
    %dma_wait3A_183 = tpu.memref_slice %arg5[%mul3A_2, %dma_wait3A_181, %dma_wait3A_182] : memref<16384x32x128xf32, #tpu.memory_space<hbm>> -> memref<4x32x128xf32, #tpu.memory_space<hbm>>
    tpu.wait_dma2 semaphore(%arg21 : memref<!tpu.dma_semaphore, #tpu.memory_space<semaphore_mem>>) src(%arg13 : memref<4x32x128xf32, #tpu.memory_space<vmem>>) dst(%dma_wait3A_183 : memref<4x32x128xf32, #tpu.memory_space<hbm>>)
    %dma_wait3A_184 = arith.constant 0 : i32
    %dma_wait3A_185 = arith.constant 0 : i32
    %dma_wait3A_186 = tpu.memref_slice %arg5[%mul3A_2, %dma_wait3A_184, %dma_wait3A_185] : memref<16384x32x128xf32, #tpu.memory_space<hbm>> -> memref<4x32x128xf32, #tpu.memory_space<hbm>>
    %dma_wait3A_187 = arith.constant 0 : i32
    %dma_wait3A_188 = arith.constant 0 : i32
    %dma_wait3A_189 = tpu.memref_slice %arg5[%mul3A_2, %dma_wait3A_187, %dma_wait3A_188] : memref<16384x32x128xf32, #tpu.memory_space<hbm>> -> memref<4x32x128xf32, #tpu.memory_space<hbm>>
    tpu.wait_dma2 semaphore(%arg22 : memref<!tpu.dma_semaphore, #tpu.memory_space<semaphore_mem>>) src(%arg14 : memref<4x32x128xf32, #tpu.memory_space<vmem>>) dst(%dma_wait3A_189 : memref<4x32x128xf32, #tpu.memory_space<hbm>>)
    %dma_wait3A_190 = arith.constant 0 : i32
    %dma_wait3A_191 = arith.constant 0 : i32
    %dma_wait3A_192 = tpu.memref_slice %arg5[%mul3A_2, %dma_wait3A_190, %dma_wait3A_191] : memref<16384x32x128xf32, #tpu.memory_space<hbm>> -> memref<4x32x128xf32, #tpu.memory_space<hbm>>
    %dma_wait3A_193 = arith.constant 0 : i32
    %dma_wait3A_194 = arith.constant 0 : i32
    %dma_wait3A_195 = tpu.memref_slice %arg5[%mul3A_2, %dma_wait3A_193, %dma_wait3A_194] : memref<16384x32x128xf32, #tpu.memory_space<hbm>> -> memref<4x32x128xf32, #tpu.memory_space<hbm>>
    tpu.wait_dma2 semaphore(%arg23 : memref<!tpu.dma_semaphore, #tpu.memory_space<semaphore_mem>>) src(%arg15 : memref<4x32x128xf32, #tpu.memory_space<vmem>>) dst(%dma_wait3A_195 : memref<4x32x128xf32, #tpu.memory_space<hbm>>)
    return
  }
}

</mosaic_0001>

<sc_bundles>
// kernel: kernel.3.cloned.1.call-start
scs
__scs_entry_jumppad:
0x0: {  	(pc) =	sbr.rel $0x88, $3  }
0x1: {  	(tag) =	ssettag $0x0;
	lr =	simm.s32 $0x1  }
0x2: {  	[smem:$0x3F9E] =	sst lr;
	_ =	strace $0xD0000000  }
0x3: {  	_ = 	snop  }
0x4: {  	_ = 	snop  }
0x5: {  	_ = 	snop  }
0x6: {  	_ = 	snop  }
0x7: {  	_ = 	snop  }
__scs_overlays_trampoline_lowered:
0x8: {  	[smem:$0x3FAD] =	sst s0  }
0x9: {  	[smem:$0x3FAE] =	sst s1  }
0xa: {  	[smem:$0x3FAF] =	sst s2  }
0xb: {  	[smem:$0x3FB0] =	sst s3  }
0xc: {  	[smem:$0x3FB1] =	sst s4  }
0xd: {  	[smem:$0x3FB2] =	sst s5  }
0xe: {  	[smem:$0x3FB3] =	sst s6  }
0xf: {  	[smem:$0x3FB4] =	sst s7  }
0x10: {  	[smem:$0x3FB5] =	sst s8  }
0x11: {  	[smem:$0x3FB6] =	sst s9;
	s0 =	simm.s32 @!p0 $0x0  }
0x12: {  	s1 =	sld [smem:$0x3F9C];
	s0 =	simm.s32 @p0 $0x1  }
0x13: {  	[smem:$0x3FB7] =	sst s0;
	s0 =	simm.s32 @!p1 $0x0  }
0x14: {  	s2 =	sld [smem:$0x3F9B];
	s0 =	simm.s32 @p1 $0x1  }
0x15: {  	[smem:$0x3FB8] =	sst s0;
	s0 =	simm.s32 @!p2 $0x0  }
0x16: {  	s3 =	sld [smem:$0x3FDB];
	s0 =	simm.s32 @p2 $0x1  }
0x17: {  	s4 =	simm.s32 $0x1BF5;
	[smem:$0x3FBA] =	sst s0  }
0x18: {  	s0 =	sld [smem:$0x3F9D];
	_ =	swait.ge [sflag:s4], $0x0  }
0x19: {  	s7 =	sld [smem:$0x3F9E]  }
0x1a: {  	s8 =	sadd.s32 $0xFFFFE003, lr  }
0x1b: {  	s9 =	sadd.s32 $0xFFFFFEF7, lr;
	s5 =	simm.s32 $0xFFFFFFFF;
	p2 =	slt.u32 s8, $0xFFFFF086  }
0x1c: {  	p1 =	slt.u32 s9, $0xF7A;
	s5 =	simm.s32 @!p2 $0x0  }
0x1d: {  	s5 =	simm.s32 @p1 $0x1;
	p0 =	seq.s32 s7, s2  }
0x1e: {  	s7 =	smul.u32 @!p0 $0xF7A, s2;
	p2 =	seq.s32 @!p0 s5, $0x0  }
0x1f: {  	s9 =	smul.u32 $0xF7A, s1;
	s8 =	simm.s32 @!p0 $0x1BF5;
	p2 =	por !p2, p0  }
0x20: {  	[sflag:s8] =	ssyncset.s32 @!p0 $0xFFFFF086;
	s6 =	sadd.s32 @!p0 s3, s7;
	s7 =	simm.s32 @!p0 $0x108  }
0x21: {  	s3 =	sadd.s32 s3, s9;
	s6 =	sadd.s32 @!p0 $0x88, s6;
	s7 =	simm.s32 @p2 $0x1082  }
0x22: {  	[simem:s7], [sflag:s8] =	dma.local @!p0 [hbm:s6], $0xF7A  }
0x23: {  	s9 =	sor.u32 $0xD0000000, s2;
	s6 =	simm.s32 $0x108;
	_ =	swait.ge @!p0 [sflag:s8], $0x0  }
0x24: {  	s3 =	sadd.s32 $0x88, s3;
	s6 =	simm.s32 @!p1 $0x1082;
	[sflag:s4] =	ssyncset.s32 $0xFFFFF086  }
0x25: {  	[simem:s6], [sflag:s4] =	dma.local [hbm:s3], $0xF7A  }
0x26: {  	[smem:$0x3F9E] =	sst s1;
	(tag) =	ssettag s2;
	_ =	strace s9  }
0x27: {  	s1 =	sld [smem:$0x3FAE]  }
0x28: {  	s2 =	sld [smem:$0x3FAF]  }
0x29: {  	s4 =	sld [smem:$0x3FB1]  }
0x2a: {  	p0 =	seq.s32 s5, $0x0;
	s5 =	sld [smem:$0x3FB2]  }
0x2b: {  	s6 =	sld [smem:$0x3FB3]  }
0x2c: {  	s7 =	sld [smem:$0x3FB4]  }
0x2d: {  	s3 =	simm.s32 $0x108;
	s8 =	sld [smem:$0x3FB5]  }
0x2e: {  	s3 =	simm.s32 @!p0 $0x1082;
	s9 =	sld [smem:$0x3FB6]  }
0x2f: {  	lr =	sadd.s32 s0, s3;
	s0 =	sld [smem:$0x3FAD]  }
0x30: {  	s3 =	sld [smem:$0x3FB0]  }
0x31: {  	[smem:$0x3FB9] =	sst s10  }
0x32: {  	s10 =	sld [smem:$0x3FB7];
	_ =	sdelay $0x3  }
0x33: {  	p0 =	seq.s32 s10, $0x1;
	s10 =	sld [smem:$0x3FB9];
	_ =	sdelay $0x3  }
0x34: {  	[smem:$0x3FB9] =	sst s10  }
0x35: {  	s10 =	sld [smem:$0x3FB8];
	_ =	sdelay $0x3  }
0x36: {  	p1 =	seq.s32 s10, $0x1;
	s10 =	sld [smem:$0x3FB9];
	_ =	sdelay $0x3  }
0x37: {  	[smem:$0x3FB9] =	sst s10  }
0x38: {  	s10 =	sld [smem:$0x3FBA]  }
0x39: {  	_ = 	snop;
	(pc) =	sbr.ind lr, $3  }
0x3a: {  	_ = 	snop  }
0x3b: {  	_ = 	snop  }
0x3c: {  	p2 =	seq.s32 s10, $0x1;
	s10 =	sld [smem:$0x3FB9]  }
0x3d: {  	_ =	shalt  }
0x3e: {  	_ =	shalt  }
0x3f: {  	_ =	shalt  }
0x40: {  	_ =	shalt  }
0x41: {  	_ =	shalt  }
0x42: {  	_ =	shalt  }
0x43: {  	_ =	shalt  }
0x44: {  	_ =	shalt  }
0x45: {  	_ =	shalt  }
0x46: {  	_ =	shalt  }
0x47: {  	_ =	shalt  }
0x48: {  	_ =	shalt  }
0x49: {  	_ =	shalt  }
0x4a: {  	_ =	shalt  }
0x4b: {  	_ =	shalt  }
0x4c: {  	_ =	shalt  }
0x4d: {  	_ =	shalt  }
0x4e: {  	_ =	shalt  }
0x4f: {  	_ =	shalt  }
0x50: {  	_ =	shalt  }
0x51: {  	_ =	shalt  }
0x52: {  	_ =	shalt  }
0x53: {  	_ =	shalt  }
0x54: {  	_ =	shalt  }
0x55: {  	_ =	shalt  }
0x56: {  	_ =	shalt  }
0x57: {  	_ =	shalt  }
0x58: {  	_ =	shalt  }
0x59: {  	_ =	shalt  }
0x5a: {  	_ =	shalt  }
0x5b: {  	_ =	shalt  }
0x5c: {  	_ =	shalt  }
0x5d: {  	_ =	shalt  }
0x5e: {  	_ =	shalt  }
0x5f: {  	_ =	shalt  }
0x60: {  	_ =	shalt  }
0x61: {  	_ =	shalt  }
0x62: {  	_ =	shalt  }
0x63: {  	_ =	shalt  }
0x64: {  	_ =	shalt  }
0x65: {  	_ =	shalt  }
0x66: {  	_ =	shalt  }
0x67: {  	_ =	shalt  }
0x68: {  	_ =	shalt  }
0x69: {  	_ =	shalt  }
0x6a: {  	_ =	shalt  }
0x6b: {  	_ =	shalt  }
0x6c: {  	_ =	shalt  }
0x6d: {  	_ =	shalt  }
0x6e: {  	_ =	shalt  }
0x6f: {  	_ =	shalt  }
0x70: {  	_ =	shalt  }
0x71: {  	_ =	shalt  }
0x72: {  	_ =	shalt  }
0x73: {  	_ =	shalt  }
0x74: {  	_ =	shalt  }
0x75: {  	_ =	shalt  }
0x76: {  	_ =	shalt  }
0x77: {  	_ =	shalt  }
0x78: {  	_ =	shalt  }
0x79: {  	_ =	shalt  }
0x7a: {  	_ =	shalt  }
0x7b: {  	_ =	shalt  }
0x7c: {  	_ =	shalt  }
0x7d: {  	_ =	shalt  }
0x7e: {  	_ =	shalt  }
0x7f: {  	_ =	shalt  }
0x80: {  	_ =	shalt  }
0x81: {  	_ =	shalt  }
0x82: {  	_ =	shalt  }
0x83: {  	_ =	shalt  }
0x84: {  	_ =	shalt  }
0x85: {  	_ =	shalt  }
0x86: {  	_ =	shalt  }
0x87: {  	_ =	shalt  }
.Lfunc_end0:
.L_simem_size_0:
called_computation.1_lowered:
.L_overlay_start_0:
0x88: {  	s2 =	sld [smem:$0x3FD9]  }
0x89: {  	s3 =	sld [smem:$0x3FFE];
	_ =	sdelay $0x1  }
0x8a: {  	s1 =	srdreg.scid  }
0x8b: {  	s0 =	sand.u32 $0x1, s1  }
0x8c: {  	s18 =	sshll.u32 s0, $0xA;
	s2 =	sadd.s32 s3, s2  }
0x8d: {  	s3 =	sadd.s32 s2, s18  }
0x8e: {  	[smem:$0x3FC5] =	sst s3  }
0x8f: {  	_ = 	snop  }
0x90: {  	s3 =	sld [smem:$0x3FD0];
	(tm) =	ssettm $0x1  }
0x91: {  	s4 =	sld [smem:$0x3FFB];
	_ =	sdelay $0x3  }
0x92: {  	_ =	strace s4  }
0x93: {  	s4 =	sld [smem:$0x3FFC];
	_ =	sdelay $0x3  }
0x94: {  	_ =	strace s4  }
0x95: {  	s4 =	sld [smem:$0x3FFD];
	_ =	sdelay $0x3  }
0x96: {  	_ =	strace s4  }
0x97: {  	_ =	strace $0x8FFFFFFF  }
0x98: {  	s19 =	sld [smem:$0x3FDB];
	_ =	sdelay $0x1  }
0x99: {  	s5 =	simm.s32 $_scs_section_size  }
0x9a: {  	s6 =	simm.s32 $_size__tile_overlayer_lowered;
	s7 =	simm.s32 $_tile_overlayer_lowered  }
0x9b: {  	s22 =	simm.s32 $0x1BFF;
	s21 =	sshll.u32 s7, $0x1;
	s4 =	sadd.s32 s5, s19  }
0x9c: {  	s8 =	simm.s32 $0x0;
	s20 =	sshll.u32 s6, $0x1;
	s6 =	sadd.s32 s21, s4  }
0x9d: {  	[timem:s8], [sflag:s22] =	dma.local [hbm:s6], s20  }
0x9e: {  	_ =	swait.ge [sflag:s22], s20  }
0x9f: {  	s5 =	ssub.s32 $0x0, s20;
	[sflag:s22] =	ssyncset.done $0x0  }
0xa0: {  	[sflag:s22] =	ssyncadd.s32 s5;
	_ =	sdelay $0x1  }
0xa1: {  	s23 =	simm.s32 $0x1B8B  }
0xa2: {  	_ =	swait.ge [sflag:s23], $0x1  }
0xa3: {  	[sflag:s23] =	ssyncset.done $0x0  }
0xa4: {  	s25 =	simm.s32 $0x1B8E;
	s24 =	sld [smem:$0x3FFE];
	[sflag:s23] =	ssyncadd.s32 $0xFFFFFFFF  }
0xa5: {  	s26 =	simm.s32 $execute0_lowered;
	[smem:$0x3FD2] =	sst s25  }
0xa6: {  	s6 =	sshll.u32 s26, $0x1;
	_ =	strace $0x80000046;
	[dreg:$0x1] =	wrdreg $0xFFFFFFFF  }
0xa7: {  	s28 =	simm.s32 $_size_execute0_lowered;
	s4 =	sadd.s32 s4, s6;
	[dreg:$0x0] =	wrdreg $0x0  }
0xa8: {  	s6 =	sshll.u32 s28, $0x1;
	[dreg:$0x2] =	wrdreg s4  }
0xa9: {  	[dreg:$0x3] =	wrdreg s6  }
0xaa: {  	[dreg:$0x4] =	wrdreg $0xC0  }
0xab: {  	_ =	task [dreg:s8], $0x5FFFF  }
0xac: {  	[dreg:$0x1] =	wrdreg $0xFFFFFFFF  }
0xad: {  	[dreg:$0x0] =	wrdreg $0x60  }
0xae: {  	[dreg:$0x2] =	wrdreg s24  }
0xaf: {  	s2 =	sadd.s32 $0x800, s2;
	[dreg:$0x3] =	wrdreg s3  }
0xb0: {  	[dreg:$0x4] =	wrdreg s2  }
0xb1: {  	[dreg:$0x5] =	wrdreg $0x9  }
0xb2: {  	_ =	task.clear_ibuf [dreg:s8], $0x6FFFF;
	_ =	strace $0x90000046  }
0xb3: {  	s29 =	simm.s32 $0x9;
	_ =	strace $0x80000048  }
0xb4: {  	_ =	swait.ge [sflag:s29], $0x1  }
0xb5: {  	[sflag:s29] =	ssyncadd.s32 $0xFFFFFFFF  }
0xb6: {  	_ =	strace $0x90000048  }
0xb7: {  	_ =	sfence  }
0xb8: {  	s30 =	sld [smem:$0x0];
	_ =	sdelay $0x2  }
0xb9: {  	s31 =	sshll.u32 s1, $0xD;
	s1 =	sshrl.u32 s1, $0x2  }
0xba: {  	s3 =	sand.u32 $0x4000, s31;
	s1 =	sadd.s32 s1, s30  }
0xbb: {  	s0 =	sor.u32 s3, s0;
	s1 =	sshll.u32 s1, $0x11  }
0xbc: {  	s0 =	sor.u32 s1, s0  }
0xbd: {  	s0 =	sadd.s32 $0x8F2B, s0  }
0xbe: {  	[sflag:s0] =	ssyncadd.remote.s32 $0x1  }
0xbf: {  	_ =	sfence.sel $0xFFFF  }
0xc0: {  	[dreg:$0x0] =	wrdreg $0xFFFFFFFF;
	(pc) =	sbr.abs _section_cstart, $3  }
0xc1: {  	[dreg:$0x1] =	wrdreg $0xFFFFFFFF  }
0xc2: {  	_ =	task.clear_ibuf [dreg:s8], $0x2FFFF;
	_ =	strace $0x9FFFFFFF  }
0xc3: {  	(tm) =	ssettm $0x7FFFFFFF  }
tec
execute0_lowered:
.L_overlay_start_1:
0x0: {  	(tag) =	ssettag $0x1  }
0x1: {  	s0 =	rddreg [dreg:$0x0]  }
0x2: {  	s4 =	rddreg [dreg:$0x1]  }
0x3: {  	s2 =	rddreg [dreg:$0x2]  }
0x4: {  	s3 =	simm.s32 $0x0;
	s8 =	stileid.u32;
	s1 =	srdreg.scid  }
0x5: {  	s20 =	simm.s32 $0x15C90;
	s22 =	simm.s32 $0x16C90;
	s31 =	simm.s32 $0x10C90  }
0x6: {  	s28 =	simm.s32 $0x3;
	s29 =	simm.s32 $0x4;
	[smem:$0x7FF] =	sst s3  }
0x7: {  	s5 =	sand.u32 $0x1, s1;
	s24 =	sshll.u32 s8, $0x1;
	s25 =	sadd.s32 $0x800, s0  }
0x8: {  	s11 =	sadd.s32 $0xA00, s0;
	_ =	strace $0x80000047;
	[dreg:$0xa] =	wrdreg s25  }
0x9: {  	s8 =	sshll.u32 s8, $0x13;
	s6 =	sor.u32 s5, s24;
	[dreg:$0xb] =	wrdreg s11  }
0xa: {  	s26 =	ssub.s32 $0x2, s5;
	s0 =	sadd.s32 s8, s0;
	[dreg:$0x4] =	wrdreg s20  }
0xb: {  	s5 =	sshll.u32 s5, $0x12;
	[dreg:$0x5] =	wrdreg s22;
	s7 =	smul.u32 $0x7C0, s6  }
0xc: {  	s24 =	simm.s32 $0x17C90;
	s25 =	simm.s32 $0x19C90;
	s10 =	smul.u32 $0x1C000, s6  }
0xd: {  	s20 =	simm.s32 $0x20;
	s22 =	simm.s32 $0xCC90;
	s1 =	smul.u32 $0x380, s6  }
0xe: {  	s9 =	sshrl.u32 s26, $0x1;
	s6 =	smul.u32 $0x3800, s6;
	[dreg:$0x6] =	wrdreg s24  }
0xf: {  	s0 =	sadd.s32 s5, s0;
	[dreg:$0x7] =	wrdreg s25;
	s24 =	simm.s32 $0x1  }
0x10: {  	s25 =	simm.s32 $0x18C90;
	s30 =	ssub.s32 s26, s9;
	s26 =	simm.s32 $0x1AC90  }
0x11: {  	s4 =	sadd.s32 s4, s7;
	s7 =	sshrl.u32 s10, $0x3;
	s15 =	sor.u32 $0x10, s1  }
0x12: {  	s8 =	smax.u32 s30, $0x1;
	s10 =	simm.s32 $0x9;
	[dreg:$0x8] =	wrdreg s26  }
0x13: {  	v2 =	vlaneseq.u32;
	s16 =	sadd.s32 s6, s2;
	s30 =	simm.s32 $0x1BC90;
	[dreg:$0xc] =	wrdreg s4  }
0x14: {  	s26 =	simm.s32 $0x2;
	v0 =	vmov s1;
	v1 =	vor.u32 s1, v2;
	s1 =	simm.s32 $0x7;
	[dreg:$0xd] =	wrdreg s8  }
0x15: {  	s9 =	sadd.s32 $0x800, s7;
	s11 =	sadd.s32 $0x1000, s7;
	[dreg:$0xe] =	wrdreg s16  }
0x16: {  	s14 =	sadd.s32 $0x1800, s7;
	[dreg:$0x9] =	wrdreg s30;
	s17 =	sadd.s32 s9, s2  }
0x17: {  	s12 =	sadd.s32 $0x2000, s7;
	s18 =	sadd.s32 s11, s2;
	[dreg:$0xf] =	wrdreg s17  }
0x18: {  	s13 =	sadd.s32 $0x2800, s7;
	s19 =	sadd.s32 s14, s2;
	[dreg:$0x10] =	wrdreg s18  }
0x19: {  	s4 =	sadd.s32 $0x3000, s7;
	s21 =	sadd.s32 s12, s2;
	[dreg:$0x11] =	wrdreg s19  }
0x1a: {  	s8 =	sadd.s32 $0xC00, s0;
	s23 =	sadd.s32 s13, s2;
	[dreg:$0x12] =	wrdreg s21  }
0x1b: {  	s4 =	sadd.s32 s4, s2;
	s9 =	simm.s32 $0x8;
	[dreg:$0x13] =	wrdreg s23  }
0x1c: {  	vm0 =	vmmov $0x7fff;
	v2 =	vor.u32 s15, v2;
	s11 =	simm.s32 $0x0;
	[dreg:$0x14] =	wrdreg s4;
	s23 =	simm.s32 $0x14C90  }
.LBB2_1:
0x1d: {  	s0 =	rddreg [dreg:$0xc];
	s4 =	simm.s32 $0x4E80  }
0x1e: {  	[tilespmem:s4], [sflag:$0x9] =	stream.linear.gather [hbm4b:s0+s3], $0x3E00, $0x38;
	[tilespmem:$0x1CC90] =	vst v63  }
0x1f: {  	_ =	swait.ge [sflag:s10], $0x3E00  }
0x20: {  	s16 =	simm.s32 $0x4000;
	[sflag:s10] =	ssyncset.done $0x0  }
0x21: {  	s17 =	smul.u32 $0x9, s3;
	s15 =	rddreg [dreg:$0xa];
	[sflag:s10] =	ssyncadd.s32 $0xFFFFC200  }
0x22: {  	[tilespmem:s16], [sflag:$0x9] =	stream.linear.gather [hbm4b:s15+s3], $0x6C0, $0x38;
	[tilespmem:$0x1CC90] =	vst v63  }
0x23: {  	_ =	swait.ge [sflag:s10], $0x6C0  }
0x24: {  	s5 =	simm.s32 $0x46C0;
	s4 =	sshrl.u32 s17, $0x8;
	[sflag:s10] =	ssyncset.done $0x0  }
0x25: {  	s19 =	ssub.s32 $0x0, s4;
	s18 =	rddreg [dreg:$0xb];
	[sflag:s10] =	ssyncadd.s32 $0xFFFFF940  }
0x26: {  	[tilespmem:s5], [sflag:$0x9] =	stream.linear.gather [hbm4b:s18+s3], $0x7C0, $0x38;
	[tilespmem:$0x1CC90] =	vst v63  }
0x27: {  	s5 =	sand.u32 $0xFE, s19  }
0x28: {  	s5 =	sshrl.u32 s5, $0x1  }
0x29: {  	s4 =	sadd.s32 s4, s5  }
0x2a: {  	s4 =	sand.u32 $0xF0, s4  }
0x2b: {  	s4 =	sshrl.u32 s4, $0x4  }
0x2c: {  	s21 =	smul.u32 $0x1F, s4  }
0x2d: {  	_ =	swait.ge [sflag:s10], $0x7C0  }
0x2e: {  	[sflag:s10] =	ssyncset.done $0x0;
	s5 =	ssub.s32 $0x0, s21  }
0x2f: {  	[sflag:s10] =	ssyncadd.s32 $0xFFFFF840;
	s6 =	sshll.u32 s4, $0x6;
	s5 =	sand.u32 $0xFF, s5  }
0x30: {  	v3 =	vld [tilespmem:s6+$0x4000];
	s5 =	sshll.u32 s5, $0x6  }
0x31: {  	v4 =	vld [tilespmem:s5+$0x46C0];
	_ =	sdelay $0x4  }
0x32: {  	v3 =	vadd.f32 v4, v3;
	_ =	sdelay $0x1  }
0x33: {  	[tilespmem:s20+$0xFFFFFFE0] =	vst v3  }
0x34: {  	v3 =	vld [tilespmem:s6+$0x4010]  }
0x35: {  	v4 =	vld [tilespmem:s5+$0x46D0];
	_ =	sdelay $0x4  }
0x36: {  	v3 =	vadd.f32 v4, v3;
	_ =	sdelay $0x1  }
0x37: {  	[tilespmem:s20+$0xFFFFFFF0] =	vst v3  }
0x38: {  	v3 =	vld [tilespmem:s6+$0x4020]  }
0x39: {  	v4 =	vld [tilespmem:s5+$0x46E0];
	_ =	sdelay $0x1  }
0x3a: {  	s4 =	simm.s32 $0x1  }
0x3b: {  	s7 =	smul.u32 $0x9, s4;
	_ =	sdelay $0x1  }
0x3c: {  	s7 =	sshrl.u32 s7, $0x8;
	v3 =	vadd.f32 v4, v3  }
0x3d: {  	s12 =	ssub.s32 $0x1, s7  }
0x3e: {  	s12 =	sand.u32 $0xFE, s12;
	[tilespmem:s20+$0x0] =	vst v3  }
0x3f: {  	s12 =	sshrl.u32 s12, $0x1;
	v3 =	vld [tilespmem:s6+$0x4030]  }
0x40: {  	s7 =	sadd.s32 s7, s12;
	v4 =	vld [tilespmem:s5+$0x46F0]  }
0x41: {  	s13 =	simm.s32 $0x2;
	s30 =	sand.u32 $0xF0, s7  }
0x42: {  	s12 =	sshrl.u32 s30, $0x4;
	s5 =	simm.s32 $0x20;
	s6 =	simm.s32 $0x20  }
.LBB2_2:
0x43: {  	s14 =	smul.u32 $0x1F, s12  }
0x44: {  	s5 =	sadd.s32 $0x80, s5;
	s21 =	smov.u32 s13;
	s7 =	sadd.s32 $0x1, s13  }
0x45: {  	p0 =	sne.s32 s13, $0x7F;
	v3 =	vadd.f32 v4, v3  }
0x46: {  	s13 =	ssub.s32 s4, s14;
	s4 =	smov.u32 s21  }
0x47: {  	s12 =	sshll.u32 s12, $0x6;
	s13 =	sand.u32 $0xFF, s13;
	[tilespmem:s6+$0x10] =	vst v3;
	s6 =	smov.u32 s5  }
0x48: {  	v3 =	vld [tilespmem:s12+$0x4000];
	s13 =	sshll.u32 s13, $0x6  }
0x49: {  	v4 =	vld [tilespmem:s13+$0x46C0];
	_ =	sdelay $0x4  }
0x4a: {  	v3 =	vadd.f32 v4, v3;
	_ =	sdelay $0x1  }
0x4b: {  	[tilespmem:s5+$0xFFFFFFE0] =	vst v3  }
0x4c: {  	v3 =	vld [tilespmem:s12+$0x4010]  }
0x4d: {  	v4 =	vld [tilespmem:s13+$0x46D0];
	_ =	sdelay $0x4  }
0x4e: {  	v3 =	vadd.f32 v4, v3;
	_ =	sdelay $0x1  }
0x4f: {  	[tilespmem:s5+$0xFFFFFFF0] =	vst v3  }
0x50: {  	v3 =	vld [tilespmem:s12+$0x4020]  }
0x51: {  	v4 =	vld [tilespmem:s13+$0x46E0];
	_ =	sdelay $0x3  }
0x52: {  	s14 =	smul.u32 $0x9, s4  }
0x53: {  	v3 =	vadd.f32 v4, v3  }
0x54: {  	s14 =	sshrl.u32 s14, $0x8  }
0x55: {  	s21 =	ssub.s32 s4, s14;
	[tilespmem:s5+$0x0] =	vst v3  }
.Ltmp0:
0x56: {  	s21 =	sand.u32 $0xFE, s21;
	v3 =	vld [tilespmem:s12+$0x4030];
	(pc) =	sbr.rel @p0 .LBB2_2-.Ltmp0, $4  }
0x57: {  	s12 =	sshrl.u32 s21, $0x1;
	v4 =	vld [tilespmem:s13+$0x46F0]  }
0x58: {  	s12 =	sadd.s32 s14, s12  }
0x59: {  	s12 =	sand.u32 $0xF0, s12  }
0x5a: {  	s13 =	smov.u32 s7;
	s12 =	sshrl.u32 s12, $0x4  }
0x5b: {  	s7 =	smul.u32 $0x1F, s12  }
0x5c: {  	v3 =	vadd.f32 v4, v3  }
0x5d: {  	s4 =	ssub.s32 s4, s7  }
0x5e: {  	s0 =	sshll.u32 s12, $0x6;
	s4 =	sand.u32 $0xFF, s4;
	[tilespmem:s6+$0x10] =	vst v3  }
0x5f: {  	v3 =	vld [tilespmem:s0+$0x4000];
	s4 =	sshll.u32 s4, $0x6  }
0x60: {  	v4 =	vld [tilespmem:s4+$0x46C0];
	_ =	sdelay $0x4  }
0x61: {  	v3 =	vadd.f32 v4, v3  }
0x62: {  	s5 =	sadd.s32 $0x80, s5  }
0x63: {  	[tilespmem:s5+$0xFFFFFFE0] =	vst v3  }
0x64: {  	v3 =	vld [tilespmem:s0+$0x4010]  }
0x65: {  	v4 =	vld [tilespmem:s4+$0x46D0];
	_ =	sdelay $0x4  }
0x66: {  	v3 =	vadd.f32 v4, v3;
	_ =	sdelay $0x1  }
0x67: {  	[tilespmem:s5+$0xFFFFFFF0] =	vst v3  }
0x68: {  	v3 =	vld [tilespmem:s0+$0x4020]  }
0x69: {  	v4 =	vld [tilespmem:s4+$0x46E0];
	_ =	sdelay $0x4  }
0x6a: {  	v3 =	vadd.f32 v4, v3;
	_ =	sdelay $0x1  }
0x6b: {  	[tilespmem:s5+$0x0] =	vst v3  }
0x6c: {  	v3 =	vld [tilespmem:s0+$0x4030]  }
0x6d: {  	v4 =	vld [tilespmem:s4+$0x46F0]  }
0x6e: {  	s12 =	simm.s32 $0x0  }
0x6f: {  	s13 =	sor.u32 $0xFFFFFF80, s12  }
0x70: {  	s14 =	sand.u32 $0xFF, s13  }
0x71: {  	s15 =	smul.u32 $0x9, s14  }
0x72: {  	v3 =	vadd.f32 v4, v3  }
0x73: {  	s16 =	sshrl.u32 s15, $0x8  }
0x74: {  	s0 =	rddreg [dreg:$0xe];
	[tilespmem:s5+$0x10] =	vst v3;
	s5 =	ssub.s32 s13, s16  }
0x75: {  	[hbm4b:s0+s12] =	stream.linear.scatter [tilespmem:s12], [sflag:$0x9], $0x4000, $0x38;
	[tilespmem:$0x1CC90] =	vst v63  }
0x76: {  	s5 =	sand.u32 $0xFE, s5  }
0x77: {  	s5 =	sshrl.u32 s5, $0x1  }
0x78: {  	s4 =	sadd.s32 s16, s5  }
0x79: {  	s4 =	sshrl.u32 s4, $0x4  }
0x7a: {  	s17 =	smul.u32 $0x1F, s4  }
0x7b: {  	_ =	swait.ge [sflag:s10], $0x4000  }
0x7c: {  	[sflag:s10] =	ssyncset.done $0x0;
	s5 =	ssub.s32 s13, s17  }
0x7d: {  	[sflag:s10] =	ssyncadd.s32 $0xFFFFC000;
	s18 =	sshll.u32 s4, $0x6;
	s5 =	sand.u32 $0xFF, s5  }
0x7e: {  	v3 =	vld [tilespmem:s18+$0x4000];
	s5 =	sshll.u32 s5, $0x6  }
0x7f: {  	v4 =	vld [tilespmem:s5+$0x46C0];
	_ =	sdelay $0x4  }
0x80: {  	v3 =	vadd.f32 v4, v3  }
0x81: {  	s4 =	simm.s32 $0x20  }
0x82: {  	[tilespmem:s4+$0xFFFFFFE0] =	vst v3  }
0x83: {  	v3 =	vld [tilespmem:s18+$0x4010]  }
0x84: {  	v4 =	vld [tilespmem:s5+$0x46D0];
	_ =	sdelay $0x4  }
0x85: {  	v3 =	vadd.f32 v4, v3;
	_ =	sdelay $0x1  }
0x86: {  	[tilespmem:s4+$0xFFFFFFF0] =	vst v3  }
0x87: {  	v3 =	vld [tilespmem:s18+$0x4020]  }
0x88: {  	v4 =	vld [tilespmem:s5+$0x46E0]  }
0x89: {  	s19 =	simm.s32 $0x1  }
0x8a: {  	s7 =	sor.u32 $0xFFFFFF80, s19  }
0x8b: {  	s21 =	sand.u32 $0xFF, s7  }
0x8c: {  	s12 =	smul.u32 $0x9, s21  }
0x8d: {  	v3 =	vadd.f32 v4, v3  }
0x8e: {  	s12 =	sshrl.u32 s12, $0x8  }
0x8f: {  	s13 =	ssub.s32 s7, s12;
	[tilespmem:s4+$0x0] =	vst v3  }
0x90: {  	s13 =	sand.u32 $0xFE, s13;
	v3 =	vld [tilespmem:s18+$0x4030]  }
0x91: {  	s13 =	sshrl.u32 s13, $0x1;
	v4 =	vld [tilespmem:s5+$0x46F0]  }
0x92: {  	s30 =	sadd.s32 s12, s13  }
0x93: {  	s13 =	simm.s32 $0x2;
	s12 =	sshrl.u32 s30, $0x4;
	s5 =	simm.s32 $0x20  }
.LBB2_4:
0x94: {  	s14 =	smul.u32 $0x1F, s12  }
0x95: {  	s4 =	sadd.s32 $0x80, s4;
	s21 =	smov.u32 s13;
	s6 =	sadd.s32 $0x1, s13  }
0x96: {  	p0 =	sne.s32 s13, $0x7F;
	v3 =	vadd.f32 v4, v3  }
0x97: {  	s7 =	ssub.s32 s7, s14  }
0x98: {  	s12 =	sshll.u32 s12, $0x6;
	s7 =	sand.u32 $0xFF, s7;
	[tilespmem:s5+$0x10] =	vst v3;
	s5 =	smov.u32 s4  }
0x99: {  	v3 =	vld [tilespmem:s12+$0x4000];
	s13 =	sshll.u32 s7, $0x6  }
0x9a: {  	v4 =	vld [tilespmem:s13+$0x46C0];
	_ =	sdelay $0x4  }
0x9b: {  	v3 =	vadd.f32 v4, v3;
	_ =	sdelay $0x1  }
0x9c: {  	[tilespmem:s4+$0xFFFFFFE0] =	vst v3  }
0x9d: {  	v3 =	vld [tilespmem:s12+$0x4010]  }
0x9e: {  	v4 =	vld [tilespmem:s13+$0x46D0];
	_ =	sdelay $0x4  }
0x9f: {  	v3 =	vadd.f32 v4, v3;
	_ =	sdelay $0x1  }
0xa0: {  	[tilespmem:s4+$0xFFFFFFF0] =	vst v3  }
0xa1: {  	v3 =	vld [tilespmem:s12+$0x4020]  }
0xa2: {  	v4 =	vld [tilespmem:s13+$0x46E0];
	_ =	sdelay $0x2  }
0xa3: {  	s7 =	sor.u32 $0xFFFFFF80, s21  }
0xa4: {  	s14 =	sand.u32 $0xFF, s7  }
0xa5: {  	s14 =	smul.u32 $0x9, s14;
	v3 =	vadd.f32 v4, v3;
	_ =	sdelay $0x1  }
0xa6: {  	s14 =	sshrl.u32 s14, $0x8;
	[tilespmem:s4+$0x0] =	vst v3  }
.Ltmp1:
0xa7: {  	s21 =	ssub.s32 s7, s14;
	v3 =	vld [tilespmem:s12+$0x4030];
	(pc) =	sbr.rel @p0 .LBB2_4-.Ltmp1, $4  }
0xa8: {  	s12 =	sand.u32 $0xFE, s21;
	v4 =	vld [tilespmem:s13+$0x46F0]  }
0xa9: {  	s12 =	sshrl.u32 s12, $0x1  }
0xaa: {  	s12 =	sadd.s32 s14, s12  }
0xab: {  	s13 =	smov.u32 s6;
	s12 =	sshrl.u32 s12, $0x4  }
0xac: {  	s6 =	smul.u32 $0x1F, s12  }
0xad: {  	v3 =	vadd.f32 v4, v3  }
0xae: {  	s6 =	ssub.s32 s7, s6  }
0xaf: {  	s0 =	sshll.u32 s12, $0x6;
	s6 =	sand.u32 $0xFF, s6;
	[tilespmem:s5+$0x10] =	vst v3  }
0xb0: {  	v3 =	vld [tilespmem:s0+$0x4000];
	s6 =	sshll.u32 s6, $0x6  }
0xb1: {  	v4 =	vld [tilespmem:s6+$0x46C0];
	_ =	sdelay $0x4  }
0xb2: {  	v3 =	vadd.f32 v4, v3  }
0xb3: {  	s4 =	sadd.s32 $0x80, s4  }
0xb4: {  	[tilespmem:s4+$0xFFFFFFE0] =	vst v3  }
0xb5: {  	v3 =	vld [tilespmem:s0+$0x4010]  }
0xb6: {  	v4 =	vld [tilespmem:s6+$0x46D0];
	_ =	sdelay $0x4  }
0xb7: {  	v3 =	vadd.f32 v4, v3;
	_ =	sdelay $0x1  }
0xb8: {  	[tilespmem:s4+$0xFFFFFFF0] =	vst v3  }
0xb9: {  	v3 =	vld [tilespmem:s0+$0x4020]  }
0xba: {  	v4 =	vld [tilespmem:s6+$0x46E0];
	_ =	sdelay $0x4  }
0xbb: {  	v3 =	vadd.f32 v4, v3;
	_ =	sdelay $0x1  }
0xbc: {  	[tilespmem:s4+$0x0] =	vst v3  }
0xbd: {  	v3 =	vld [tilespmem:s0+$0x4030]  }
0xbe: {  	v4 =	vld [tilespmem:s6+$0x46F0];
	_ =	sdelay $0x1  }
0xbf: {  	s12 =	simm.s32 $0x0  }
0xc0: {  	s13 =	sor.u32 $0x100, s12  }
0xc1: {  	s14 =	sand.u32 $0xFFFF, s13  }
0xc2: {  	s15 =	smul.u32 $0x843, s14;
	v3 =	vadd.f32 v4, v3;
	_ =	sdelay $0x1  }
0xc3: {  	s0 =	rddreg [dreg:$0xf];
	[tilespmem:s4+$0x10] =	vst v3;
	s4 =	sshrl.u32 s15, $0x10  }
0xc4: {  	[hbm4b:s0+s12] =	stream.linear.scatter [tilespmem:s12], [sflag:$0x9], $0x4000, $0x38;
	[tilespmem:$0x1CC90] =	vst v63  }
0xc5: {  	s16 =	ssub.s32 s13, s4  }
0xc6: {  	s5 =	sand.u32 $0xFFFE, s16  }
0xc7: {  	s5 =	sshrl.u32 s5, $0x1  }
0xc8: {  	s4 =	sadd.s32 s4, s5  }
0xc9: {  	s5 =	sshrl.u32 s4, $0x4  }
0xca: {  	s5 =	smul.u32 $0x1F, s5  }
0xcb: {  	_ =	swait.ge [sflag:s10], $0x4000  }
0xcc: {  	[sflag:s10] =	ssyncset.done $0x0;
	s4 =	sshll.u32 s4, $0x2;
	s5 =	ssub.s32 s13, s5  }
0xcd: {  	[sflag:s10] =	ssyncadd.s32 $0xFFFFC000;
	s17 =	sand.u32 $0xFFC0, s4;
	s18 =	sshll.u32 s5, $0x6  }
0xce: {  	v3 =	vld [tilespmem:s17+$0x4000];
	s5 =	sand.u32 $0xFFC0, s18  }
0xcf: {  	v4 =	vld [tilespmem:s5+$0x46C0];
	_ =	sdelay $0x4  }
0xd0: {  	v3 =	vadd.f32 v4, v3  }
0xd1: {  	s4 =	simm.s32 $0x20  }
0xd2: {  	[tilespmem:s4+$0xFFFFFFE0] =	vst v3  }
0xd3: {  	v3 =	vld [tilespmem:s17+$0x4010]  }
0xd4: {  	v4 =	vld [tilespmem:s5+$0x46D0];
	_ =	sdelay $0x4  }
0xd5: {  	v3 =	vadd.f32 v4, v3;
	_ =	sdelay $0x1  }
0xd6: {  	[tilespmem:s4+$0xFFFFFFF0] =	vst v3  }
0xd7: {  	v3 =	vld [tilespmem:s17+$0x4020]  }
0xd8: {  	v4 =	vld [tilespmem:s5+$0x46E0]  }
0xd9: {  	s19 =	simm.s32 $0x1  }
0xda: {  	s7 =	sor.u32 $0x100, s19  }
0xdb: {  	s21 =	sand.u32 $0xFFFF, s7  }
0xdc: {  	s12 =	smul.u32 $0x843, s21  }
0xdd: {  	v3 =	vadd.f32 v4, v3  }
0xde: {  	s12 =	sshrl.u32 s12, $0x10  }
0xdf: {  	s13 =	ssub.s32 s7, s12;
	[tilespmem:s4+$0x0] =	vst v3  }
0xe0: {  	s13 =	sand.u32 $0xFFFE, s13;
	v3 =	vld [tilespmem:s17+$0x4030]  }
0xe1: {  	s14 =	sshrl.u32 s13, $0x1;
	v4 =	vld [tilespmem:s5+$0x46F0]  }
0xe2: {  	s13 =	simm.s32 $0x2;
	s30 =	sadd.s32 s12, s14  }
0xe3: {  	s14 =	sshrl.u32 s30, $0x4;
	s12 =	sshll.u32 s30, $0x2;
	s5 =	simm.s32 $0x20  }
.LBB2_6:
0xe4: {  	s14 =	smul.u32 $0x1F, s14  }
0xe5: {  	s4 =	sadd.s32 $0x80, s4;
	s21 =	smov.u32 s13;
	s6 =	sadd.s32 $0x1, s13  }
0xe6: {  	p0 =	sne.s32 s13, $0x7F;
	v3 =	vadd.f32 v4, v3  }
0xe7: {  	s7 =	ssub.s32 s7, s14  }
0xe8: {  	s12 =	sand.u32 $0xFFC0, s12;
	s7 =	sshll.u32 s7, $0x6;
	[tilespmem:s5+$0x10] =	vst v3;
	s5 =	smov.u32 s4  }
0xe9: {  	v3 =	vld [tilespmem:s12+$0x4000];
	s13 =	sand.u32 $0xFFC0, s7  }
0xea: {  	v4 =	vld [tilespmem:s13+$0x46C0];
	_ =	sdelay $0x4  }
0xeb: {  	v3 =	vadd.f32 v4, v3;
	_ =	sdelay $0x1  }
0xec: {  	[tilespmem:s4+$0xFFFFFFE0] =	vst v3  }
0xed: {  	v3 =	vld [tilespmem:s12+$0x4010]  }
0xee: {  	v4 =	vld [tilespmem:s13+$0x46D0];
	_ =	sdelay $0x4  }
0xef: {  	v3 =	vadd.f32 v4, v3;
	_ =	sdelay $0x1  }
0xf0: {  	[tilespmem:s4+$0xFFFFFFF0] =	vst v3  }
0xf1: {  	v3 =	vld [tilespmem:s12+$0x4020]  }
0xf2: {  	v4 =	vld [tilespmem:s13+$0x46E0];
	_ =	sdelay $0x2  }
0xf3: {  	s7 =	sor.u32 $0x100, s21  }
0xf4: {  	s14 =	sand.u32 $0xFFFF, s7  }
0xf5: {  	s14 =	smul.u32 $0x843, s14;
	v3 =	vadd.f32 v4, v3;
	_ =	sdelay $0x1  }
0xf6: {  	s14 =	sshrl.u32 s14, $0x10;
	[tilespmem:s4+$0x0] =	vst v3  }
.Ltmp2:
0xf7: {  	s21 =	ssub.s32 s7, s14;
	v3 =	vld [tilespmem:s12+$0x4030];
	(pc) =	sbr.rel @p0 .LBB2_6-.Ltmp2, $4  }
0xf8: {  	s12 =	sand.u32 $0xFFFE, s21;
	v4 =	vld [tilespmem:s13+$0x46F0]  }
0xf9: {  	s12 =	sshrl.u32 s12, $0x1  }
0xfa: {  	s12 =	sadd.s32 s14, s12  }
0xfb: {  	s13 =	smov.u32 s6;
	s14 =	sshrl.u32 s12, $0x4;
	s12 =	sshll.u32 s12, $0x2  }
0xfc: {  	s6 =	smul.u32 $0x1F, s14  }
0xfd: {  	v3 =	vadd.f32 v4, v3  }
0xfe: {  	s6 =	ssub.s32 s7, s6  }
0xff: {  	s30 =	sand.u32 $0xFFC0, s12;
	s6 =	sshll.u32 s6, $0x6;
	[tilespmem:s5+$0x10] =	vst v3  }
0x100: {  	v3 =	vld [tilespmem:s30+$0x4000];
	s0 =	sand.u32 $0xFFC0, s6  }
0x101: {  	v4 =	vld [tilespmem:s0+$0x46C0];
	_ =	sdelay $0x4  }
0x102: {  	v3 =	vadd.f32 v4, v3  }
0x103: {  	s4 =	sadd.s32 $0x80, s4  }
0x104: {  	[tilespmem:s4+$0xFFFFFFE0] =	vst v3  }
0x105: {  	v3 =	vld [tilespmem:s30+$0x4010]  }
0x106: {  	v4 =	vld [tilespmem:s0+$0x46D0];
	_ =	sdelay $0x4  }
0x107: {  	v3 =	vadd.f32 v4, v3;
	_ =	sdelay $0x1  }
0x108: {  	[tilespmem:s4+$0xFFFFFFF0] =	vst v3  }
0x109: {  	v3 =	vld [tilespmem:s30+$0x4020]  }
0x10a: {  	v4 =	vld [tilespmem:s0+$0x46E0];
	_ =	sdelay $0x4  }
0x10b: {  	v3 =	vadd.f32 v4, v3;
	_ =	sdelay $0x1  }
0x10c: {  	[tilespmem:s4+$0x0] =	vst v3  }
0x10d: {  	v3 =	vld [tilespmem:s30+$0x4030]  }
0x10e: {  	v4 =	vld [tilespmem:s0+$0x46F0];
	_ =	sdelay $0x1  }
0x10f: {  	s6 =	simm.s32 $0x0  }
0x110: {  	s12 =	sor.u32 $0x180, s6  }
0x111: {  	s13 =	sand.u32 $0xFFFF, s12  }
0x112: {  	s14 =	smul.u32 $0x843, s13;
	v3 =	vadd.f32 v4, v3;
	_ =	sdelay $0x1  }
0x113: {  	s0 =	rddreg [dreg:$0x10];
	[tilespmem:s4+$0x10] =	vst v3;
	s4 =	sshrl.u32 s14, $0x10  }
0x114: {  	[hbm4b:s0+s6] =	stream.linear.scatter [tilespmem:s6], [sflag:$0x9], $0x4000, $0x38;
	[tilespmem:$0x1CC90] =	vst v63  }
0x115: {  	s15 =	ssub.s32 s12, s4  }
0x116: {  	s5 =	sand.u32 $0xFFFE, s15  }
0x117: {  	s5 =	sshrl.u32 s5, $0x1  }
0x118: {  	s4 =	sadd.s32 s4, s5  }
0x119: {  	s5 =	sshrl.u32 s4, $0x4  }
0x11a: {  	s5 =	smul.u32 $0x1F, s5  }
0x11b: {  	_ =	swait.ge [sflag:s10], $0x4000  }
0x11c: {  	[sflag:s10] =	ssyncset.done $0x0;
	s4 =	sshll.u32 s4, $0x2;
	s5 =	ssub.s32 s12, s5  }
0x11d: {  	[sflag:s10] =	ssyncadd.s32 $0xFFFFC000;
	s16 =	sand.u32 $0xFFC0, s4;
	s17 =	sshll.u32 s5, $0x6  }
0x11e: {  	v3 =	vld [tilespmem:s16+$0x4000];
	s5 =	sand.u32 $0xFFC0, s17  }
0x11f: {  	v4 =	vld [tilespmem:s5+$0x46C0];
	_ =	sdelay $0x4  }
0x120: {  	v3 =	vadd.f32 v4, v3  }
0x121: {  	s4 =	simm.s32 $0x20  }
0x122: {  	[tilespmem:s4+$0xFFFFFFE0] =	vst v3  }
0x123: {  	v3 =	vld [tilespmem:s16+$0x4010]  }
0x124: {  	v4 =	vld [tilespmem:s5+$0x46D0];
	_ =	sdelay $0x4  }
0x125: {  	v3 =	vadd.f32 v4, v3;
	_ =	sdelay $0x1  }
0x126: {  	[tilespmem:s4+$0xFFFFFFF0] =	vst v3  }
0x127: {  	v3 =	vld [tilespmem:s16+$0x4020]  }
0x128: {  	v4 =	vld [tilespmem:s5+$0x46E0]  }
0x129: {  	s18 =	simm.s32 $0x1  }
0x12a: {  	s7 =	sor.u32 $0x180, s18  }
0x12b: {  	s19 =	sand.u32 $0xFFFF, s7  }
0x12c: {  	s12 =	smul.u32 $0x843, s19  }
0x12d: {  	v3 =	vadd.f32 v4, v3  }
0x12e: {  	s12 =	sshrl.u32 s12, $0x10  }
0x12f: {  	s13 =	ssub.s32 s7, s12;
	[tilespmem:s4+$0x0] =	vst v3  }
0x130: {  	s13 =	sand.u32 $0xFFFE, s13;
	v3 =	vld [tilespmem:s16+$0x4030]  }
0x131: {  	s21 =	sshrl.u32 s13, $0x1;
	v4 =	vld [tilespmem:s5+$0x46F0]  }
0x132: {  	s13 =	simm.s32 $0x2;
	s30 =	sadd.s32 s12, s21  }
0x133: {  	s14 =	sshrl.u32 s30, $0x4;
	s12 =	sshll.u32 s30, $0x2;
	s5 =	simm.s32 $0x20  }
.LBB2_8:
0x134: {  	s14 =	smul.u32 $0x1F, s14  }
0x135: {  	s4 =	sadd.s32 $0x80, s4;
	s21 =	smov.u32 s13;
	s6 =	sadd.s32 $0x1, s13  }
0x136: {  	p0 =	sne.s32 s13, $0x7F;
	v3 =	vadd.f32 v4, v3  }
0x137: {  	s7 =	ssub.s32 s7, s14  }
0x138: {  	s12 =	sand.u32 $0xFFC0, s12;
	s7 =	sshll.u32 s7, $0x6;
	[tilespmem:s5+$0x10] =	vst v3;
	s5 =	smov.u32 s4  }
0x139: {  	v3 =	vld [tilespmem:s12+$0x4000];
	s13 =	sand.u32 $0xFFC0, s7  }
0x13a: {  	v4 =	vld [tilespmem:s13+$0x46C0];
	_ =	sdelay $0x4  }
0x13b: {  	v3 =	vadd.f32 v4, v3;
	_ =	sdelay $0x1  }
0x13c: {  	[tilespmem:s4+$0xFFFFFFE0] =	vst v3  }
0x13d: {  	v3 =	vld [tilespmem:s12+$0x4010]  }
0x13e: {  	v4 =	vld [tilespmem:s13+$0x46D0];
	_ =	sdelay $0x4  }
0x13f: {  	v3 =	vadd.f32 v4, v3;
	_ =	sdelay $0x1  }
0x140: {  	[tilespmem:s4+$0xFFFFFFF0] =	vst v3  }
0x141: {  	v3 =	vld [tilespmem:s12+$0x4020]  }
0x142: {  	v4 =	vld [tilespmem:s13+$0x46E0];
	_ =	sdelay $0x2  }
0x143: {  	s7 =	sor.u32 $0x180, s21  }
0x144: {  	s14 =	sand.u32 $0xFFFF, s7  }
0x145: {  	s14 =	smul.u32 $0x843, s14;
	v3 =	vadd.f32 v4, v3;
	_ =	sdelay $0x1  }
0x146: {  	s14 =	sshrl.u32 s14, $0x10;
	[tilespmem:s4+$0x0] =	vst v3  }
.Ltmp3:
0x147: {  	s21 =	ssub.s32 s7, s14;
	v3 =	vld [tilespmem:s12+$0x4030];
	(pc) =	sbr.rel @p0 .LBB2_8-.Ltmp3, $4  }
0x148: {  	s12 =	sand.u32 $0xFFFE, s21;
	v4 =	vld [tilespmem:s13+$0x46F0]  }
0x149: {  	s12 =	sshrl.u32 s12, $0x1  }
0x14a: {  	s12 =	sadd.s32 s14, s12  }
0x14b: {  	s13 =	smov.u32 s6;
	s14 =	sshrl.u32 s12, $0x4;
	s12 =	sshll.u32 s12, $0x2  }
0x14c: {  	s6 =	smul.u32 $0x1F, s14  }
0x14d: {  	v3 =	vadd.f32 v4, v3  }
0x14e: {  	s6 =	ssub.s32 s7, s6  }
0x14f: {  	s30 =	sand.u32 $0xFFC0, s12;
	s6 =	sshll.u32 s6, $0x6;
	[tilespmem:s5+$0x10] =	vst v3  }
0x150: {  	v3 =	vld [tilespmem:s30+$0x4000];
	s0 =	sand.u32 $0xFFC0, s6  }
0x151: {  	v4 =	vld [tilespmem:s0+$0x46C0];
	_ =	sdelay $0x4  }
0x152: {  	v3 =	vadd.f32 v4, v3  }
0x153: {  	s4 =	sadd.s32 $0x80, s4  }
0x154: {  	[tilespmem:s4+$0xFFFFFFE0] =	vst v3  }
0x155: {  	v3 =	vld [tilespmem:s30+$0x4010]  }
0x156: {  	v4 =	vld [tilespmem:s0+$0x46D0];
	_ =	sdelay $0x4  }
0x157: {  	v3 =	vadd.f32 v4, v3;
	_ =	sdelay $0x1  }
0x158: {  	[tilespmem:s4+$0xFFFFFFF0] =	vst v3  }
0x159: {  	v3 =	vld [tilespmem:s30+$0x4020]  }
0x15a: {  	v4 =	vld [tilespmem:s0+$0x46E0];
	_ =	sdelay $0x4  }
0x15b: {  	v3 =	vadd.f32 v4, v3;
	_ =	sdelay $0x1  }
0x15c: {  	[tilespmem:s4+$0x0] =	vst v3  }
0x15d: {  	v3 =	vld [tilespmem:s30+$0x4030]  }
0x15e: {  	v4 =	vld [tilespmem:s0+$0x46F0];
	_ =	sdelay $0x1  }
0x15f: {  	s6 =	simm.s32 $0x0  }
0x160: {  	s12 =	sor.u32 $0x200, s6  }
0x161: {  	s13 =	sand.u32 $0xFFFF, s12  }
0x162: {  	s14 =	smul.u32 $0x843, s13;
	v3 =	vadd.f32 v4, v3;
	_ =	sdelay $0x1  }
0x163: {  	s0 =	rddreg [dreg:$0x11];
	[tilespmem:s4+$0x10] =	vst v3;
	s4 =	sshrl.u32 s14, $0x10  }
0x164: {  	[hbm4b:s0+s6] =	stream.linear.scatter [tilespmem:s6], [sflag:$0x9], $0x4000, $0x38;
	[tilespmem:$0x1CC90] =	vst v63  }
0x165: {  	s15 =	ssub.s32 s12, s4  }
0x166: {  	s5 =	sand.u32 $0xFFFE, s15  }
0x167: {  	s5 =	sshrl.u32 s5, $0x1  }
0x168: {  	s4 =	sadd.s32 s4, s5  }
0x169: {  	s5 =	sshrl.u32 s4, $0x4  }
0x16a: {  	s5 =	smul.u32 $0x1F, s5  }
0x16b: {  	_ =	swait.ge [sflag:s10], $0x4000  }
0x16c: {  	[sflag:s10] =	ssyncset.done $0x0;
	s4 =	sshll.u32 s4, $0x2;
	s5 =	ssub.s32 s12, s5  }
0x16d: {  	[sflag:s10] =	ssyncadd.s32 $0xFFFFC000;
	s16 =	sand.u32 $0xFFC0, s4;
	s17 =	sshll.u32 s5, $0x6  }
0x16e: {  	v3 =	vld [tilespmem:s16+$0x4000];
	s5 =	sand.u32 $0xFFC0, s17  }
0x16f: {  	v4 =	vld [tilespmem:s5+$0x46C0];
	_ =	sdelay $0x4  }
0x170: {  	v3 =	vadd.f32 v4, v3  }
0x171: {  	s4 =	simm.s32 $0x20  }
0x172: {  	[tilespmem:s4+$0xFFFFFFE0] =	vst v3  }
0x173: {  	v3 =	vld [tilespmem:s16+$0x4010]  }
0x174: {  	v4 =	vld [tilespmem:s5+$0x46D0];
	_ =	sdelay $0x4  }
0x175: {  	v3 =	vadd.f32 v4, v3;
	_ =	sdelay $0x1  }
0x176: {  	[tilespmem:s4+$0xFFFFFFF0] =	vst v3  }
0x177: {  	v3 =	vld [tilespmem:s16+$0x4020]  }
0x178: {  	v4 =	vld [tilespmem:s5+$0x46E0]  }
0x179: {  	s18 =	simm.s32 $0x1  }
0x17a: {  	s7 =	sor.u32 $0x200, s18  }
0x17b: {  	s19 =	sand.u32 $0xFFFF, s7  }
0x17c: {  	s12 =	smul.u32 $0x843, s19  }
0x17d: {  	v3 =	vadd.f32 v4, v3  }
0x17e: {  	s12 =	sshrl.u32 s12, $0x10  }
0x17f: {  	s13 =	ssub.s32 s7, s12;
	[tilespmem:s4+$0x0] =	vst v3  }
0x180: {  	s13 =	sand.u32 $0xFFFE, s13;
	v3 =	vld [tilespmem:s16+$0x4030]  }
0x181: {  	s21 =	sshrl.u32 s13, $0x1;
	v4 =	vld [tilespmem:s5+$0x46F0]  }
0x182: {  	s13 =	simm.s32 $0x2;
	s30 =	sadd.s32 s12, s21  }
0x183: {  	s14 =	sshrl.u32 s30, $0x4;
	s12 =	sshll.u32 s30, $0x2;
	s5 =	simm.s32 $0x20  }
.LBB2_10:
0x184: {  	s14 =	smul.u32 $0x1F, s14  }
0x185: {  	s4 =	sadd.s32 $0x80, s4;
	s21 =	smov.u32 s13;
	s6 =	sadd.s32 $0x1, s13  }
0x186: {  	p0 =	sne.s32 s13, $0x7F;
	v3 =	vadd.f32 v4, v3  }
0x187: {  	s7 =	ssub.s32 s7, s14  }
0x188: {  	s12 =	sand.u32 $0xFFC0, s12;
	s7 =	sshll.u32 s7, $0x6;
	[tilespmem:s5+$0x10] =	vst v3;
	s5 =	smov.u32 s4  }
0x189: {  	v3 =	vld [tilespmem:s12+$0x4000];
	s13 =	sand.u32 $0xFFC0, s7  }
0x18a: {  	v4 =	vld [tilespmem:s13+$0x46C0];
	_ =	sdelay $0x4  }
0x18b: {  	v3 =	vadd.f32 v4, v3;
	_ =	sdelay $0x1  }
0x18c: {  	[tilespmem:s4+$0xFFFFFFE0] =	vst v3  }
0x18d: {  	v3 =	vld [tilespmem:s12+$0x4010]  }
0x18e: {  	v4 =	vld [tilespmem:s13+$0x46D0];
	_ =	sdelay $0x4  }
0x18f: {  	v3 =	vadd.f32 v4, v3;
	_ =	sdelay $0x1  }
0x190: {  	[tilespmem:s4+$0xFFFFFFF0] =	vst v3  }
0x191: {  	v3 =	vld [tilespmem:s12+$0x4020]  }
0x192: {  	v4 =	vld [tilespmem:s13+$0x46E0];
	_ =	sdelay $0x2  }
0x193: {  	s7 =	sor.u32 $0x200, s21  }
0x194: {  	s14 =	sand.u32 $0xFFFF, s7  }
0x195: {  	s14 =	smul.u32 $0x843, s14;
	v3 =	vadd.f32 v4, v3;
	_ =	sdelay $0x1  }
0x196: {  	s14 =	sshrl.u32 s14, $0x10;
	[tilespmem:s4+$0x0] =	vst v3  }
.Ltmp4:
0x197: {  	s21 =	ssub.s32 s7, s14;
	v3 =	vld [tilespmem:s12+$0x4030];
	(pc) =	sbr.rel @p0 .LBB2_10-.Ltmp4, $4  }
0x198: {  	s12 =	sand.u32 $0xFFFE, s21;
	v4 =	vld [tilespmem:s13+$0x46F0]  }
0x199: {  	s12 =	sshrl.u32 s12, $0x1  }
0x19a: {  	s12 =	sadd.s32 s14, s12  }
0x19b: {  	s13 =	smov.u32 s6;
	s14 =	sshrl.u32 s12, $0x4;
	s12 =	sshll.u32 s12, $0x2  }
0x19c: {  	s6 =	smul.u32 $0x1F, s14  }
0x19d: {  	v3 =	vadd.f32 v4, v3  }
0x19e: {  	s6 =	ssub.s32 s7, s6  }
0x19f: {  	s30 =	sand.u32 $0xFFC0, s12;
	s6 =	sshll.u32 s6, $0x6;
	[tilespmem:s5+$0x10] =	vst v3  }
0x1a0: {  	v3 =	vld [tilespmem:s30+$0x4000];
	s0 =	sand.u32 $0xFFC0, s6  }
0x1a1: {  	v4 =	vld [tilespmem:s0+$0x46C0];
	_ =	sdelay $0x4  }
0x1a2: {  	v3 =	vadd.f32 v4, v3  }
0x1a3: {  	s4 =	sadd.s32 $0x80, s4  }
0x1a4: {  	[tilespmem:s4+$0xFFFFFFE0] =	vst v3  }
0x1a5: {  	v3 =	vld [tilespmem:s30+$0x4010]  }
0x1a6: {  	v4 =	vld [tilespmem:s0+$0x46D0];
	_ =	sdelay $0x4  }
0x1a7: {  	v3 =	vadd.f32 v4, v3;
	_ =	sdelay $0x1  }
0x1a8: {  	[tilespmem:s4+$0xFFFFFFF0] =	vst v3  }
0x1a9: {  	v3 =	vld [tilespmem:s30+$0x4020]  }
0x1aa: {  	v4 =	vld [tilespmem:s0+$0x46E0];
	_ =	sdelay $0x4  }
0x1ab: {  	v3 =	vadd.f32 v4, v3;
	_ =	sdelay $0x1  }
0x1ac: {  	[tilespmem:s4+$0x0] =	vst v3  }
0x1ad: {  	v3 =	vld [tilespmem:s30+$0x4030]  }
0x1ae: {  	v4 =	vld [tilespmem:s0+$0x46F0];
	_ =	sdelay $0x1  }
0x1af: {  	s6 =	simm.s32 $0x0  }
0x1b0: {  	s12 =	sor.u32 $0x280, s6  }
0x1b1: {  	s13 =	sand.u32 $0xFFFF, s12  }
0x1b2: {  	s14 =	smul.u32 $0x843, s13;
	v3 =	vadd.f32 v4, v3;
	_ =	sdelay $0x1  }
0x1b3: {  	s0 =	rddreg [dreg:$0x12];
	[tilespmem:s4+$0x10] =	vst v3;
	s4 =	sshrl.u32 s14, $0x10  }
0x1b4: {  	[hbm4b:s0+s6] =	stream.linear.scatter [tilespmem:s6], [sflag:$0x9], $0x4000, $0x38;
	[tilespmem:$0x1CC90] =	vst v63  }
0x1b5: {  	s15 =	ssub.s32 s12, s4  }
0x1b6: {  	s5 =	sand.u32 $0xFFFE, s15  }
0x1b7: {  	s5 =	sshrl.u32 s5, $0x1  }
0x1b8: {  	s4 =	sadd.s32 s4, s5  }
0x1b9: {  	s5 =	sshrl.u32 s4, $0x4  }
0x1ba: {  	s5 =	smul.u32 $0x1F, s5  }
0x1bb: {  	_ =	swait.ge [sflag:s10], $0x4000  }
0x1bc: {  	[sflag:s10] =	ssyncset.done $0x0;
	s4 =	sshll.u32 s4, $0x2;
	s5 =	ssub.s32 s12, s5  }
0x1bd: {  	[sflag:s10] =	ssyncadd.s32 $0xFFFFC000;
	s16 =	sand.u32 $0xFFC0, s4;
	s17 =	sshll.u32 s5, $0x6  }
0x1be: {  	v3 =	vld [tilespmem:s16+$0x4000];
	s5 =	sand.u32 $0xFFC0, s17  }
0x1bf: {  	v4 =	vld [tilespmem:s5+$0x46C0];
	_ =	sdelay $0x4  }
0x1c0: {  	v3 =	vadd.f32 v4, v3  }
0x1c1: {  	s4 =	simm.s32 $0x20  }
0x1c2: {  	[tilespmem:s4+$0xFFFFFFE0] =	vst v3  }
0x1c3: {  	v3 =	vld [tilespmem:s16+$0x4010]  }
0x1c4: {  	v4 =	vld [tilespmem:s5+$0x46D0];
	_ =	sdelay $0x4  }
0x1c5: {  	v3 =	vadd.f32 v4, v3;
	_ =	sdelay $0x1  }
0x1c6: {  	[tilespmem:s4+$0xFFFFFFF0] =	vst v3  }
0x1c7: {  	v3 =	vld [tilespmem:s16+$0x4020]  }
0x1c8: {  	v4 =	vld [tilespmem:s5+$0x46E0]  }
0x1c9: {  	s18 =	simm.s32 $0x1  }
0x1ca: {  	s7 =	sor.u32 $0x280, s18  }
0x1cb: {  	s19 =	sand.u32 $0xFFFF, s7  }
0x1cc: {  	s12 =	smul.u32 $0x843, s19  }
0x1cd: {  	v3 =	vadd.f32 v4, v3  }
0x1ce: {  	s12 =	sshrl.u32 s12, $0x10  }
0x1cf: {  	s13 =	ssub.s32 s7, s12;
	[tilespmem:s4+$0x0] =	vst v3  }
0x1d0: {  	s13 =	sand.u32 $0xFFFE, s13;
	v3 =	vld [tilespmem:s16+$0x4030]  }
0x1d1: {  	s21 =	sshrl.u32 s13, $0x1;
	v4 =	vld [tilespmem:s5+$0x46F0]  }
0x1d2: {  	s13 =	simm.s32 $0x2;
	s30 =	sadd.s32 s12, s21  }
0x1d3: {  	s14 =	sshrl.u32 s30, $0x4;
	s12 =	sshll.u32 s30, $0x2;
	s5 =	simm.s32 $0x20  }
.LBB2_12:
0x1d4: {  	s14 =	smul.u32 $0x1F, s14  }
0x1d5: {  	s4 =	sadd.s32 $0x80, s4;
	s21 =	smov.u32 s13;
	s6 =	sadd.s32 $0x1, s13  }
0x1d6: {  	p0 =	sne.s32 s13, $0x7F;
	v3 =	vadd.f32 v4, v3  }
0x1d7: {  	s7 =	ssub.s32 s7, s14  }
0x1d8: {  	s12 =	sand.u32 $0xFFC0, s12;
	s7 =	sshll.u32 s7, $0x6;
	[tilespmem:s5+$0x10] =	vst v3;
	s5 =	smov.u32 s4  }
0x1d9: {  	v3 =	vld [tilespmem:s12+$0x4000];
	s13 =	sand.u32 $0xFFC0, s7  }
0x1da: {  	v4 =	vld [tilespmem:s13+$0x46C0];
	_ =	sdelay $0x4  }
0x1db: {  	v3 =	vadd.f32 v4, v3;
	_ =	sdelay $0x1  }
0x1dc: {  	[tilespmem:s4+$0xFFFFFFE0] =	vst v3  }
0x1dd: {  	v3 =	vld [tilespmem:s12+$0x4010]  }
0x1de: {  	v4 =	vld [tilespmem:s13+$0x46D0];
	_ =	sdelay $0x4  }
0x1df: {  	v3 =	vadd.f32 v4, v3;
	_ =	sdelay $0x1  }
0x1e0: {  	[tilespmem:s4+$0xFFFFFFF0] =	vst v3  }
0x1e1: {  	v3 =	vld [tilespmem:s12+$0x4020]  }
0x1e2: {  	v4 =	vld [tilespmem:s13+$0x46E0];
	_ =	sdelay $0x2  }
0x1e3: {  	s7 =	sor.u32 $0x280, s21  }
0x1e4: {  	s14 =	sand.u32 $0xFFFF, s7  }
0x1e5: {  	s14 =	smul.u32 $0x843, s14;
	v3 =	vadd.f32 v4, v3;
	_ =	sdelay $0x1  }
0x1e6: {  	s14 =	sshrl.u32 s14, $0x10;
	[tilespmem:s4+$0x0] =	vst v3  }
.Ltmp5:
0x1e7: {  	s21 =	ssub.s32 s7, s14;
	v3 =	vld [tilespmem:s12+$0x4030];
	(pc) =	sbr.rel @p0 .LBB2_12-.Ltmp5, $4  }
0x1e8: {  	s12 =	sand.u32 $0xFFFE, s21;
	v4 =	vld [tilespmem:s13+$0x46F0]  }
0x1e9: {  	s12 =	sshrl.u32 s12, $0x1  }
0x1ea: {  	s12 =	sadd.s32 s14, s12  }
0x1eb: {  	s13 =	smov.u32 s6;
	s14 =	sshrl.u32 s12, $0x4;
	s12 =	sshll.u32 s12, $0x2  }
0x1ec: {  	s6 =	smul.u32 $0x1F, s14  }
0x1ed: {  	v3 =	vadd.f32 v4, v3  }
0x1ee: {  	s6 =	ssub.s32 s7, s6  }
0x1ef: {  	s14 =	sand.u32 $0xFFC0, s12;
	s6 =	sshll.u32 s6, $0x6;
	[tilespmem:s5+$0x10] =	vst v3  }
0x1f0: {  	v3 =	vld [tilespmem:s14+$0x4000];
	s15 =	sand.u32 $0xFFC0, s6  }
0x1f1: {  	v4 =	vld [tilespmem:s15+$0x46C0];
	_ =	sdelay $0x4  }
0x1f2: {  	v3 =	vadd.f32 v4, v3  }
0x1f3: {  	s4 =	sadd.s32 $0x80, s4  }
0x1f4: {  	[tilespmem:s4+$0xFFFFFFE0] =	vst v3  }
0x1f5: {  	v3 =	vld [tilespmem:s14+$0x4010]  }
0x1f6: {  	v4 =	vld [tilespmem:s15+$0x46D0];
	_ =	sdelay $0x4  }
0x1f7: {  	v3 =	vadd.f32 v4, v3;
	_ =	sdelay $0x1  }
0x1f8: {  	[tilespmem:s4+$0xFFFFFFF0] =	vst v3  }
0x1f9: {  	v3 =	vld [tilespmem:s14+$0x4020]  }
0x1fa: {  	v4 =	vld [tilespmem:s15+$0x46E0];
	_ =	sdelay $0x4  }
0x1fb: {  	v3 =	vadd.f32 v4, v3;
	_ =	sdelay $0x1  }
0x1fc: {  	[tilespmem:s4+$0x0] =	vst v3  }
0x1fd: {  	v3 =	vld [tilespmem:s14+$0x4030]  }
0x1fe: {  	v4 =	vld [tilespmem:s15+$0x46F0];
	_ =	sdelay $0x2  }
0x1ff: {  	s16 =	simm.s32 $0x300  }
0x200: {  	s5 =	smin.u32 s16, $0x344  }
0x201: {  	s17 =	smul.u32 $0x843, s5;
	v3 =	vadd.f32 v4, v3;
	_ =	sdelay $0x1  }
0x202: {  	s0 =	rddreg [dreg:$0x13];
	[tilespmem:s4+$0x10] =	vst v3;
	s4 =	sshrl.u32 s17, $0x10  }
0x203: {  	[hbm4b:s0+s3] =	stream.linear.scatter [tilespmem:s3], [sflag:$0x9], $0x4000, $0x38;
	[tilespmem:$0x1CC90] =	vst v63  }
0x204: {  	s18 =	smul.u32 $0x1F, s4  }
0x205: {  	_ =	swait.ge [sflag:s10], $0x4000  }
0x206: {  	[sflag:s10] =	ssyncset.done $0x0;
	s5 =	ssub.s32 s5, s18  }
0x207: {  	s19 =	sshll.u32 s4, $0x6;
	[sflag:s10] =	ssyncadd.s32 $0xFFFFC000;
	s21 =	sshll.u32 s5, $0x6  }
0x208: {  	v3 =	vld [tilespmem:s19+$0x4000];
	s5 =	sand.u32 $0xFFC0, s21  }
0x209: {  	v4 =	vld [tilespmem:s5+$0x46C0];
	_ =	sdelay $0x4  }
0x20a: {  	v3 =	vadd.f32 v4, v3  }
0x20b: {  	s4 =	simm.s32 $0x20  }
0x20c: {  	[tilespmem:s4+$0xFFFFFFE0] =	vst v3  }
0x20d: {  	v3 =	vld [tilespmem:s19+$0x4010]  }
0x20e: {  	v4 =	vld [tilespmem:s5+$0x46D0];
	_ =	sdelay $0x4  }
0x20f: {  	v3 =	vadd.f32 v4, v3;
	_ =	sdelay $0x1  }
0x210: {  	[tilespmem:s4+$0xFFFFFFF0] =	vst v3  }
0x211: {  	v3 =	vld [tilespmem:s19+$0x4020]  }
0x212: {  	v4 =	vld [tilespmem:s5+$0x46E0];
	_ =	sdelay $0x4  }
0x213: {  	v3 =	vadd.f32 v4, v3;
	_ =	sdelay $0x1  }
0x214: {  	s30 =	simm.s32 $0x301;
	[tilespmem:s4+$0x0] =	vst v3  }
0x215: {  	s6 =	smin.u32 s30, $0x344;
	v3 =	vld [tilespmem:s19+$0x4030]  }
0x216: {  	s13 =	smul.u32 $0x843, s6;
	v4 =	vld [tilespmem:s5+$0x46F0];
	_ =	sdelay $0x1  }
0x217: {  	s12 =	simm.s32 $0x302;
	s7 =	sshrl.u32 s13, $0x10;
	s5 =	simm.s32 $0x20  }
.LBB2_14:
0x218: {  	s13 =	smul.u32 $0x1F, s7  }
0x219: {  	s4 =	sadd.s32 $0x80, s4;
	s14 =	smov.u32 s12;
	s21 =	sadd.s32 $0x1, s12  }
0x21a: {  	p0 =	sne.s32 s12, $0x37F;
	v3 =	vadd.f32 v4, v3  }
0x21b: {  	s6 =	ssub.s32 s6, s13  }
0x21c: {  	s7 =	sshll.u32 s7, $0x6;
	s6 =	sshll.u32 s6, $0x6;
	[tilespmem:s5+$0x10] =	vst v3;
	s5 =	smov.u32 s4  }
0x21d: {  	v3 =	vld [tilespmem:s7+$0x4000];
	s12 =	sand.u32 $0xFFC0, s6  }
0x21e: {  	v4 =	vld [tilespmem:s12+$0x46C0];
	_ =	sdelay $0x4  }
0x21f: {  	v3 =	vadd.f32 v4, v3;
	_ =	sdelay $0x1  }
0x220: {  	[tilespmem:s4+$0xFFFFFFE0] =	vst v3  }
0x221: {  	v3 =	vld [tilespmem:s7+$0x4010]  }
0x222: {  	v4 =	vld [tilespmem:s12+$0x46D0];
	_ =	sdelay $0x4  }
0x223: {  	v3 =	vadd.f32 v4, v3;
	_ =	sdelay $0x1  }
0x224: {  	[tilespmem:s4+$0xFFFFFFF0] =	vst v3  }
0x225: {  	v3 =	vld [tilespmem:s7+$0x4020]  }
0x226: {  	v4 =	vld [tilespmem:s12+$0x46E0];
	_ =	sdelay $0x4  }
0x227: {  	v3 =	vadd.f32 v4, v3;
	_ =	sdelay $0x1  }
0x228: {  	[tilespmem:s4+$0x0] =	vst v3  }
.Ltmp6:
0x229: {  	v3 =	vld [tilespmem:s7+$0x4030];
	(pc) =	sbr.rel @p0 .LBB2_14-.Ltmp6, $3  }
0x22a: {  	s6 =	smin.u32 s14, $0x344;
	v4 =	vld [tilespmem:s12+$0x46F0]  }
0x22b: {  	s7 =	smul.u32 $0x843, s6;
	_ =	sdelay $0x1  }
0x22c: {  	s12 =	smov.u32 s21;
	s7 =	sshrl.u32 s7, $0x10  }
0x22d: {  	s12 =	smul.u32 $0x1F, s7  }
0x22e: {  	v3 =	vadd.f32 v4, v3  }
0x22f: {  	s6 =	ssub.s32 s6, s12  }
0x230: {  	s18 =	sshll.u32 s7, $0x6;
	s6 =	sshll.u32 s6, $0x6;
	[tilespmem:s5+$0x10] =	vst v3  }
0x231: {  	v3 =	vld [tilespmem:s18+$0x4000];
	s19 =	sand.u32 $0xFFC0, s6  }
0x232: {  	v4 =	vld [tilespmem:s19+$0x46C0];
	_ =	sdelay $0x4  }
0x233: {  	v3 =	vadd.f32 v4, v3  }
0x234: {  	s4 =	sadd.s32 $0x80, s4  }
0x235: {  	[tilespmem:s4+$0xFFFFFFE0] =	vst v3  }
0x236: {  	v3 =	vld [tilespmem:s18+$0x4010]  }
0x237: {  	v4 =	vld [tilespmem:s19+$0x46D0];
	_ =	sdelay $0x4  }
0x238: {  	v3 =	vadd.f32 v4, v3;
	_ =	sdelay $0x1  }
0x239: {  	[tilespmem:s4+$0xFFFFFFF0] =	vst v3  }
0x23a: {  	v3 =	vld [tilespmem:s18+$0x4020]  }
0x23b: {  	v4 =	vld [tilespmem:s19+$0x46E0];
	_ =	sdelay $0x4  }
0x23c: {  	v3 =	vadd.f32 v4, v3;
	_ =	sdelay $0x1  }
0x23d: {  	[tilespmem:s4+$0x0] =	vst v3  }
0x23e: {  	v3 =	vld [tilespmem:s18+$0x4030]  }
0x23f: {  	v4 =	vld [tilespmem:s19+$0x46F0];
	_ =	sdelay $0x4  }
0x240: {  	v3 =	vadd.f32 v4, v3;
	_ =	sdelay $0x1  }
0x241: {  	s21 =	simm.s32 $0x0;
	s0 =	rddreg [dreg:$0x14];
	[tilespmem:s4+$0x10] =	vst v3  }
0x242: {  	[hbm4b:s0+s21] =	stream.linear.scatter [tilespmem:s21], [sflag:$0x9], $0x4000, $0x38;
	[tilespmem:$0x1CC90] =	vst v63  }
0x243: {  	_ =	swait.ge [sflag:s10], $0x4000  }
0x244: {  	[sflag:s10] =	ssyncset.done $0x0  }
0x245: {  	s30 =	sand.u32 $0x3FFF, s21;
	[sflag:s10] =	ssyncadd.s32 $0xFFFFC000  }
0x246: {  	s4 =	simm.s32 $0x4E80;
	v3 =	vld [tilespmem:s30+$0x4E90]  }
0x247: {  	v4 =	vld [tilespmem:s4+$0x0];
	_ =	sdelay $0x3  }
0x248: {  	v3 =	vmul.u32 $0x1F, v3  }
0x249: {  	v4 =	vmul.u32 $0x1F, v4  }
0x24a: {  	v5 =	vadd.s32 v3, v2  }
0x24b: {  	s7 =	simm.s32 $0x8CA0;
	s5 =	simm.s32 $0x8CA0;
	s6 =	simm.s32 $0x1F;
	v3 =	vadd.s32 v4, v1;
	v4 =	vsel vm0, v5, v0  }
.LBB2_16:
0x24c: {  	p0 =	sne.s32 s6, $0x3DE1;
	[tilespmem:s5+$0x0] =	vst v4;
	s4 =	sadd.s32 $0x1F, s4;
	s7 =	sadd.s32 $0x20, s7  }
0x24d: {  	s12 =	sand.u32 $0x3FFF, s6;
	s6 =	sadd.s32 $0x1F, s6;
	[tilespmem:s5+$0xFFFFFFF0] =	vst v3;
	s5 =	smov.u32 s7  }
0x24e: {  	v3 =	vld [tilespmem:s12+$0x4E90]  }
0x24f: {  	v4 =	vld [tilespmem:s4+$0x0];
	_ =	sdelay $0x2  }
.Ltmp7:
0x250: {  	(pc) =	sbr.rel @p0 .LBB2_16-.Ltmp7, $4  }
0x251: {  	v3 =	vmul.u32 $0x1F, v3  }
0x252: {  	v4 =	vmul.u32 $0x1F, v4  }
0x253: {  	v5 =	vadd.s32 v3, v2  }
0x254: {  	v3 =	vadd.s32 v4, v1;
	v4 =	vsel vm0, v5, v0  }
0x255: {  	[tilespmem:s5+$0x0] =	vst v4  }
0x256: {  	[tilespmem:s5+$0xFFFFFFF0] =	vst v3;
	s0 =	simm.s32 $0x8C90  }
0x257: {  	[tilespmem:s22], [sflag:$0x1] =	stream.indirect.gather [hbm4b:s2+s20], $0x80, s0, s20, $0xb8;
	[tilespmem:$0x1CC90] =	vst v63  }
0x258: {  	s30 =	simm.s32 $0x8CB0;
	s4 =	simm.s32 $0xDC90  }
0x259: {  	[tilespmem:s4], [sflag:$0x1] =	stream.indirect.gather [hbm4b:s2+s20], $0x80, s30, s20, $0xb8;
	[tilespmem:$0x1CC90] =	vst v63  }
0x25a: {  	s5 =	simm.s32 $0x8CD0;
	s6 =	simm.s32 $0xEC90  }
0x25b: {  	[tilespmem:s6], [sflag:$0x1] =	stream.indirect.gather [hbm4b:s2+s20], $0x80, s5, s20, $0xb8;
	[tilespmem:$0x1CC90] =	vst v63  }
0x25c: {  	s7 =	simm.s32 $0x8CF0;
	s12 =	simm.s32 $0xFC90  }
0x25d: {  	[tilespmem:s12], [sflag:$0x1] =	stream.indirect.gather [hbm4b:s2+s20], $0x80, s7, s20, $0xb8;
	[tilespmem:$0x1CC90] =	vst v63  }
0x25e: {  	s13 =	simm.s32 $0x8D10  }
0x25f: {  	[tilespmem:s31], [sflag:$0x2] =	stream.indirect.gather [hbm4b:s2+s20], $0x80, s13, s20, $0xb8;
	[tilespmem:$0x1CC90] =	vst v63  }
0x260: {  	s14 =	simm.s32 $0x8D30;
	s15 =	simm.s32 $0x11C90  }
0x261: {  	[tilespmem:s15], [sflag:$0x2] =	stream.indirect.gather [hbm4b:s2+s20], $0x80, s14, s20, $0xb8;
	[tilespmem:$0x1CC90] =	vst v63  }
0x262: {  	s16 =	simm.s32 $0x8D50;
	s17 =	simm.s32 $0x12C90;
	p0 =	por $0x1, $0x1  }
0x263: {  	[tilespmem:s17], [sflag:$0x2] =	stream.indirect.gather [hbm4b:s2+s20], $0x80, s16, s20, $0xb8;
	[tilespmem:$0x1CC90] =	vst v63  }
0x264: {  	s18 =	simm.s32 $0x8D70;
	s19 =	simm.s32 $0x13C90;
	s4 =	simm.s32 @!p0 $0x7  }
0x265: {  	[tilespmem:s19], [sflag:$0x2] =	stream.indirect.gather [hbm4b:s2+s20], $0x80, s18, s20, $0xb8;
	[tilespmem:$0x1CC90] =	vst v63  }
0x266: {  	_ =	swait.ge @!p0 [sflag:s4], $0x4000  }
0x267: {  	[sflag:s4] =	ssyncset.done @!p0 $0x0  }
0x268: {  	s21 =	simm.s32 $0x8D90;
	[sflag:s4] =	ssyncadd.s32 @!p0 $0xFFFFC000  }
0x269: {  	[tilespmem:s23], [sflag:$0x3] =	stream.indirect.gather [hbm4b:s2+s20], $0x80, s21, s20, $0xb8;
	[tilespmem:$0x1CC90] =	vst v63  }
0x26a: {  	s30 =	simm.s32 $0x8DB0;
	s6 =	rddreg [dreg:$0x4]  }
0x26b: {  	[tilespmem:s6], [sflag:$0x3] =	stream.indirect.gather [hbm4b:s2+s20], $0x80, s30, s20, $0xb8;
	[tilespmem:$0x1CC90] =	vst v63  }
0x26c: {  	s0 =	rddreg [dreg:$0x5];
	s6 =	simm.s32 $0x8DD0  }
0x26d: {  	[tilespmem:s0], [sflag:$0x3] =	stream.indirect.gather [hbm4b:s2+s20], $0x80, s6, s20, $0xb8;
	[tilespmem:$0x1CC90] =	vst v63  }
0x26e: {  	s12 =	simm.s32 $0x8DF0;
	s7 =	rddreg [dreg:$0x6]  }
0x26f: {  	[tilespmem:s7], [sflag:$0x3] =	stream.indirect.gather [hbm4b:s2+s20], $0x80, s12, s20, $0xb8;
	[tilespmem:$0x1CC90] =	vst v63  }
0x270: {  	_ =	swait.ge [sflag:s24], $0x1000  }
0x271: {  	[sflag:s24] =	ssyncset.done $0x0  }
0x272: {  	[sflag:s24] =	ssyncadd.s32 $0xFFFFF000  }
0x273: {  	_ =	swait.ge [sflag:s24], $0x1000  }
0x274: {  	[sflag:s24] =	ssyncset.done $0x0  }
0x275: {  	[sflag:s24] =	ssyncadd.s32 $0xFFFFF000  }
0x276: {  	_ =	swait.ge [sflag:s24], $0x1000  }
0x277: {  	[sflag:s24] =	ssyncset.done $0x0  }
0x278: {  	[sflag:s24] =	ssyncadd.s32 $0xFFFFF000  }
0x279: {  	_ =	swait.ge [sflag:s24], $0x1000  }
0x27a: {  	[sflag:s24] =	ssyncset.done $0x0  }
0x27b: {  	s4 =	simm.s32 @!p0 $0x8;
	[sflag:s24] =	ssyncadd.s32 $0xFFFFF000  }
0x27c: {  	[hbm4b:s8+s3] =	stream.linear.scatter [tilespmem:s22], [sflag:$0x5], $0x4000, $0x38;
	[tilespmem:$0x1CC90] =	vst v63  }
0x27d: {  	_ =	swait.ge @!p0 [sflag:s4], $0x4000  }
0x27e: {  	[sflag:s4] =	ssyncset.done @!p0 $0x0  }
0x27f: {  	s13 =	simm.s32 $0x8E10;
	[sflag:s4] =	ssyncadd.s32 @!p0 $0xFFFFC000  }
0x280: {  	[tilespmem:s25], [sflag:$0x4] =	stream.indirect.gather [hbm4b:s2+s20], $0x80, s13, s20, $0xb8;
	[tilespmem:$0x1CC90] =	vst v63  }
0x281: {  	s15 =	simm.s32 $0x8E30;
	s14 =	rddreg [dreg:$0x7]  }
0x282: {  	[tilespmem:s14], [sflag:$0x4] =	stream.indirect.gather [hbm4b:s2+s20], $0x80, s15, s20, $0xb8;
	[tilespmem:$0x1CC90] =	vst v63  }
0x283: {  	s17 =	simm.s32 $0x8E50;
	s16 =	rddreg [dreg:$0x8]  }
0x284: {  	[tilespmem:s16], [sflag:$0x4] =	stream.indirect.gather [hbm4b:s2+s20], $0x80, s17, s20, $0xb8;
	[tilespmem:$0x1CC90] =	vst v63  }
0x285: {  	s19 =	simm.s32 $0x8E70;
	s18 =	rddreg [dreg:$0x9]  }
0x286: {  	[tilespmem:s18], [sflag:$0x4] =	stream.indirect.gather [hbm4b:s2+s20], $0x80, s19, s20, $0xb8;
	[tilespmem:$0x1CC90] =	vst v63  }
0x287: {  	_ =	swait.ge [sflag:s26], $0x1000  }
0x288: {  	[sflag:s26] =	ssyncset.done $0x0  }
0x289: {  	[sflag:s26] =	ssyncadd.s32 $0xFFFFF000  }
0x28a: {  	_ =	swait.ge [sflag:s26], $0x1000  }
0x28b: {  	[sflag:s26] =	ssyncset.done $0x0  }
0x28c: {  	[sflag:s26] =	ssyncadd.s32 $0xFFFFF000  }
0x28d: {  	_ =	swait.ge [sflag:s26], $0x1000  }
0x28e: {  	[sflag:s26] =	ssyncset.done $0x0  }
0x28f: {  	[sflag:s26] =	ssyncadd.s32 $0xFFFFF000  }
0x290: {  	_ =	swait.ge [sflag:s26], $0x1000  }
0x291: {  	p0 =	por $0x0, $0x0;
	[sflag:s26] =	ssyncset.done $0x0  }
0x292: {  	s21 =	sadd.s32 $0x800, s8;
	s5 =	simm.s32 @!p0 $0x5;
	[sflag:s26] =	ssyncadd.s32 $0xFFFFF000  }
0x293: {  	[hbm4b:s21+s3] =	stream.linear.scatter [tilespmem:s31], [sflag:$0x6], $0x4000, $0x38;
	[tilespmem:$0x1CC90] =	vst v63  }
0x294: {  	_ =	swait.ge @!p0 [sflag:s5], $0x4000  }
0x295: {  	s4 =	simm.s32 @!p0 $0x8E90;
	[sflag:s5] =	ssyncset.done @!p0 $0x0  }
0x296: {  	s6 =	simm.s32 @!p0 $0x20;
	s7 =	simm.s32 @!p0 $0xCC90;
	[sflag:s5] =	ssyncadd.s32 @!p0 $0xFFFFC000  }
0x297: {  	[tilespmem:s7], [sflag:$0x1] =	stream.indirect.gather @!p0 [hbm4b:s2+s6], $0x80, s4, s6, $0xb8;
	[tilespmem:$0x1CC90] =	vst v63  }
0x298: {  	s5 =	simm.s32 @!p0 $0xDC90;
	s4 =	simm.s32 @!p0 $0x8EB0  }
0x299: {  	[tilespmem:s5], [sflag:$0x1] =	stream.indirect.gather @!p0 [hbm4b:s2+s6], $0x80, s4, s6, $0xb8;
	[tilespmem:$0x1CC90] =	vst v63  }
0x29a: {  	s4 =	simm.s32 @!p0 $0x8ED0;
	s5 =	simm.s32 @!p0 $0xEC90  }
0x29b: {  	[tilespmem:s5], [sflag:$0x1] =	stream.indirect.gather @!p0 [hbm4b:s2+s6], $0x80, s4, s6, $0xb8;
	[tilespmem:$0x1CC90] =	vst v63  }
0x29c: {  	s4 =	simm.s32 @!p0 $0x8EF0;
	s5 =	simm.s32 @!p0 $0xFC90  }
0x29d: {  	[tilespmem:s5], [sflag:$0x1] =	stream.indirect.gather @!p0 [hbm4b:s2+s6], $0x80, s4, s6, $0xb8;
	[tilespmem:$0x1CC90] =	vst v63  }
0x29e: {  	_ =	swait.ge [sflag:s28], $0x1000  }
0x29f: {  	[sflag:s28] =	ssyncset.done $0x0  }
0x2a0: {  	[sflag:s28] =	ssyncadd.s32 $0xFFFFF000  }
0x2a1: {  	_ =	swait.ge [sflag:s28], $0x1000  }
0x2a2: {  	[sflag:s28] =	ssyncset.done $0x0  }
0x2a3: {  	[sflag:s28] =	ssyncadd.s32 $0xFFFFF000  }
0x2a4: {  	_ =	swait.ge [sflag:s28], $0x1000  }
0x2a5: {  	[sflag:s28] =	ssyncset.done $0x0  }
0x2a6: {  	[sflag:s28] =	ssyncadd.s32 $0xFFFFF000  }
0x2a7: {  	_ =	swait.ge [sflag:s28], $0x1000  }
0x2a8: {  	[sflag:s28] =	ssyncset.done $0x0  }
0x2a9: {  	s30 =	sadd.s32 $0x1000, s8;
	s5 =	simm.s32 @!p0 $0x6;
	[sflag:s28] =	ssyncadd.s32 $0xFFFFF000  }
0x2aa: {  	[hbm4b:s30+s3] =	stream.linear.scatter [tilespmem:s23], [sflag:$0x7], $0x4000, $0x38;
	[tilespmem:$0x1CC90] =	vst v63  }
0x2ab: {  	_ =	swait.ge @!p0 [sflag:s5], $0x4000  }
0x2ac: {  	[sflag:s5] =	ssyncset.done @!p0 $0x0  }
0x2ad: {  	s7 =	simm.s32 @!p0 $0x10C90;
	s4 =	simm.s32 @!p0 $0x8F10;
	[sflag:s5] =	ssyncadd.s32 @!p0 $0xFFFFC000  }
0x2ae: {  	[tilespmem:s7], [sflag:$0x2] =	stream.indirect.gather @!p0 [hbm4b:s2+s6], $0x80, s4, s6, $0xb8;
	[tilespmem:$0x1CC90] =	vst v63  }
0x2af: {  	s5 =	simm.s32 @!p0 $0x11C90;
	s4 =	simm.s32 @!p0 $0x8F30  }
0x2b0: {  	[tilespmem:s5], [sflag:$0x2] =	stream.indirect.gather @!p0 [hbm4b:s2+s6], $0x80, s4, s6, $0xb8;
	[tilespmem:$0x1CC90] =	vst v63  }
0x2b1: {  	s4 =	simm.s32 @!p0 $0x8F50;
	s5 =	simm.s32 @!p0 $0x12C90  }
0x2b2: {  	[tilespmem:s5], [sflag:$0x2] =	stream.indirect.gather @!p0 [hbm4b:s2+s6], $0x80, s4, s6, $0xb8;
	[tilespmem:$0x1CC90] =	vst v63  }
0x2b3: {  	s4 =	simm.s32 @!p0 $0x8F70;
	s5 =	simm.s32 @!p0 $0x13C90  }
0x2b4: {  	[tilespmem:s5], [sflag:$0x2] =	stream.indirect.gather @!p0 [hbm4b:s2+s6], $0x80, s4, s6, $0xb8;
	[tilespmem:$0x1CC90] =	vst v63  }
0x2b5: {  	_ =	swait.ge [sflag:s29], $0x1000  }
0x2b6: {  	[sflag:s29] =	ssyncset.done $0x0  }
0x2b7: {  	[sflag:s29] =	ssyncadd.s32 $0xFFFFF000  }
0x2b8: {  	_ =	swait.ge [sflag:s29], $0x1000  }
0x2b9: {  	[sflag:s29] =	ssyncset.done $0x0  }
0x2ba: {  	[sflag:s29] =	ssyncadd.s32 $0xFFFFF000  }
0x2bb: {  	s21 =	sadd.s32 $0x2000, s8;
	_ =	swait.ge [sflag:s29], $0x1000  }
0x2bc: {  	p1 =	por $0x0, $0x0;
	s12 =	sadd.s32 $0x1800, s21;
	[sflag:s29] =	ssyncset.done $0x0  }
0x2bd: {  	s7 =	sadd.s32 $0x2000, s21;
	s4 =	simm.s32 $0x800;
	[sflag:s29] =	ssyncadd.s32 $0xFFFFF000  }
0x2be: {  	s5 =	sadd.s32 $0x1800, s8;
	s6 =	simm.s32 $0x1000;
	_ =	swait.ge [sflag:s29], $0x1000  }
.LBB2_18:
0x2bf: {  	[sflag:s29] =	ssyncset.done $0x0  }
0x2c0: {  	s15 =	simm.s32 @!p1 $0x7;
	[sflag:s29] =	ssyncadd.s32 $0xFFFFF000  }
0x2c1: {  	[hbm4b:s5+s3] =	stream.linear.scatter [tilespmem:s25], [sflag:$0x8], $0x4000, $0x38;
	[tilespmem:$0x1CC90] =	vst v63  }
0x2c2: {  	_ =	swait.ge @!p1 [sflag:s15], $0x4000  }
0x2c3: {  	s14 =	sshra.s32 s4, $0x2;
	[sflag:s15] =	ssyncset.done @!p1 $0x0  }
0x2c4: {  	s17 =	sadd.s32 $0x8D90, s14;
	[sflag:s15] =	ssyncadd.s32 @!p1 $0xFFFFC000  }
0x2c5: {  	[tilespmem:s23], [sflag:$0x3] =	stream.indirect.gather [hbm4b:s2+s20], $0x80, s17, s20, $0xb8;
	[tilespmem:$0x1CC90] =	vst v63  }
0x2c6: {  	s30 =	sadd.s32 $0x8DB0, s14;
	s18 =	rddreg [dreg:$0x4]  }
0x2c7: {  	[tilespmem:s18], [sflag:$0x3] =	stream.indirect.gather [hbm4b:s2+s20], $0x80, s30, s20, $0xb8;
	[tilespmem:$0x1CC90] =	vst v63  }
0x2c8: {  	s0 =	rddreg [dreg:$0x5];
	s17 =	sadd.s32 $0x8DD0, s14  }
0x2c9: {  	[tilespmem:s0], [sflag:$0x3] =	stream.indirect.gather [hbm4b:s2+s20], $0x80, s17, s20, $0xb8;
	[tilespmem:$0x1CC90] =	vst v63  }
0x2ca: {  	s19 =	sadd.s32 $0x8DF0, s14;
	s18 =	rddreg [dreg:$0x6]  }
0x2cb: {  	[tilespmem:s18], [sflag:$0x3] =	stream.indirect.gather [hbm4b:s2+s20], $0x80, s19, s20, $0xb8;
	[tilespmem:$0x1CC90] =	vst v63  }
0x2cc: {  	_ =	swait.ge [sflag:s24], $0x1000  }
0x2cd: {  	[sflag:s24] =	ssyncset.done $0x0  }
0x2ce: {  	[sflag:s24] =	ssyncadd.s32 $0xFFFFF000  }
0x2cf: {  	_ =	swait.ge [sflag:s24], $0x1000  }
0x2d0: {  	[sflag:s24] =	ssyncset.done $0x0  }
0x2d1: {  	[sflag:s24] =	ssyncadd.s32 $0xFFFFF000  }
0x2d2: {  	_ =	swait.ge [sflag:s24], $0x1000  }
0x2d3: {  	[sflag:s24] =	ssyncset.done $0x0  }
0x2d4: {  	[sflag:s24] =	ssyncadd.s32 $0xFFFFF000  }
0x2d5: {  	_ =	swait.ge [sflag:s24], $0x1000  }
0x2d6: {  	[sflag:s24] =	ssyncset.done $0x0  }
0x2d7: {  	s15 =	simm.s32 @!p1 $0x8;
	[sflag:s24] =	ssyncadd.s32 $0xFFFFF000  }
0x2d8: {  	[hbm4b:s21+s3] =	stream.linear.scatter [tilespmem:s22], [sflag:$0x5], $0x4000, $0x38;
	[tilespmem:$0x1CC90] =	vst v63  }
0x2d9: {  	_ =	swait.ge @!p1 [sflag:s15], $0x4000  }
0x2da: {  	[sflag:s15] =	ssyncset.done @!p1 $0x0  }
0x2db: {  	s30 =	sadd.s32 $0x8E10, s14;
	[sflag:s15] =	ssyncadd.s32 @!p1 $0xFFFFC000  }
0x2dc: {  	[tilespmem:s25], [sflag:$0x4] =	stream.indirect.gather [hbm4b:s2+s20], $0x80, s30, s20, $0xb8;
	[tilespmem:$0x1CC90] =	vst v63  }
0x2dd: {  	s18 =	sadd.s32 $0x8E30, s14;
	s0 =	rddreg [dreg:$0x7]  }
0x2de: {  	[tilespmem:s0], [sflag:$0x4] =	stream.indirect.gather [hbm4b:s2+s20], $0x80, s18, s20, $0xb8;
	[tilespmem:$0x1CC90] =	vst v63  }
0x2df: {  	s19 =	rddreg [dreg:$0x8];
	s30 =	sadd.s32 $0x8E50, s14  }
0x2e0: {  	[tilespmem:s19], [sflag:$0x4] =	stream.indirect.gather [hbm4b:s2+s20], $0x80, s30, s20, $0xb8;
	[tilespmem:$0x1CC90] =	vst v63  }
0x2e1: {  	s14 =	sadd.s32 $0x8E70, s14;
	s0 =	rddreg [dreg:$0x9]  }
0x2e2: {  	[tilespmem:s0], [sflag:$0x4] =	stream.indirect.gather [hbm4b:s2+s20], $0x80, s14, s20, $0xb8;
	[tilespmem:$0x1CC90] =	vst v63  }
0x2e3: {  	_ =	swait.ge [sflag:s26], $0x1000  }
0x2e4: {  	[sflag:s26] =	ssyncset.done $0x0  }
0x2e5: {  	[sflag:s26] =	ssyncadd.s32 $0xFFFFF000  }
0x2e6: {  	_ =	swait.ge [sflag:s26], $0x1000  }
0x2e7: {  	[sflag:s26] =	ssyncset.done $0x0  }
0x2e8: {  	[sflag:s26] =	ssyncadd.s32 $0xFFFFF000  }
0x2e9: {  	_ =	swait.ge [sflag:s26], $0x1000  }
0x2ea: {  	[sflag:s26] =	ssyncset.done $0x0  }
0x2eb: {  	[sflag:s26] =	ssyncadd.s32 $0xFFFFF000  }
0x2ec: {  	_ =	swait.ge [sflag:s26], $0x1000  }
0x2ed: {  	s16 =	sadd.s32 $0x1800, s7;
	p1 =	seq.s32 s4, $0xF800;
	[sflag:s26] =	ssyncset.done $0x0  }
0x2ee: {  	s15 =	simm.s32 @!p1 $0x5;
	s18 =	sadd.s32 $0x800, s21;
	[sflag:s26] =	ssyncadd.s32 $0xFFFFF000  }
0x2ef: {  	[hbm4b:s18+s3] =	stream.linear.scatter [tilespmem:s31], [sflag:$0x6], $0x4000, $0x38;
	[tilespmem:$0x1CC90] =	vst v63  }
0x2f0: {  	s5 =	smov.u32 s12;
	s4 =	sshra.s32 @!p1 s4, $0x2;
	_ =	swait.ge @!p1 [sflag:s15], $0x4000  }
0x2f1: {  	s12 =	smov.u32 s16;
	s16 =	sadd.s32 @!p1 $0x8E90, s4;
	[sflag:s15] =	ssyncset.done @!p1 $0x0  }
0x2f2: {  	s14 =	simm.s32 @!p1 $0x20;
	s18 =	simm.s32 @!p1 $0xCC90;
	[sflag:s15] =	ssyncadd.s32 @!p1 $0xFFFFC000  }
0x2f3: {  	[tilespmem:s18], [sflag:$0x1] =	stream.indirect.gather @!p1 [hbm4b:s2+s14], $0x80, s16, s14, $0xb8;
	[tilespmem:$0x1CC90] =	vst v63  }
0x2f4: {  	s17 =	sadd.s32 @!p1 $0x8EB0, s4;
	s15 =	simm.s32 @!p1 $0xDC90  }
0x2f5: {  	[tilespmem:s15], [sflag:$0x1] =	stream.indirect.gather @!p1 [hbm4b:s2+s14], $0x80, s17, s14, $0xb8;
	[tilespmem:$0x1CC90] =	vst v63  }
0x2f6: {  	s19 =	sadd.s32 @!p1 $0x8ED0, s4;
	s16 =	simm.s32 @!p1 $0xEC90  }
0x2f7: {  	[tilespmem:s16], [sflag:$0x1] =	stream.indirect.gather @!p1 [hbm4b:s2+s14], $0x80, s19, s14, $0xb8;
	[tilespmem:$0x1CC90] =	vst v63  }
0x2f8: {  	s18 =	sadd.s32 @!p1 $0x8EF0, s4;
	s15 =	simm.s32 @!p1 $0xFC90  }
0x2f9: {  	[tilespmem:s15], [sflag:$0x1] =	stream.indirect.gather @!p1 [hbm4b:s2+s14], $0x80, s18, s14, $0xb8;
	[tilespmem:$0x1CC90] =	vst v63  }
0x2fa: {  	_ =	swait.ge [sflag:s28], $0x1000  }
0x2fb: {  	[sflag:s28] =	ssyncset.done $0x0  }
0x2fc: {  	[sflag:s28] =	ssyncadd.s32 $0xFFFFF000  }
0x2fd: {  	_ =	swait.ge [sflag:s28], $0x1000  }
0x2fe: {  	[sflag:s28] =	ssyncset.done $0x0  }
0x2ff: {  	[sflag:s28] =	ssyncadd.s32 $0xFFFFF000  }
0x300: {  	_ =	swait.ge [sflag:s28], $0x1000  }
0x301: {  	[sflag:s28] =	ssyncset.done $0x0  }
0x302: {  	[sflag:s28] =	ssyncadd.s32 $0xFFFFF000  }
0x303: {  	_ =	swait.ge [sflag:s28], $0x1000  }
0x304: {  	s13 =	smov.u32 s6;
	[sflag:s28] =	ssyncset.done $0x0  }
0x305: {  	s19 =	sadd.s32 $0x1000, s21;
	s15 =	simm.s32 @!p1 $0x6;
	[sflag:s28] =	ssyncadd.s32 $0xFFFFF000  }
0x306: {  	[hbm4b:s19+s3] =	stream.linear.scatter [tilespmem:s23], [sflag:$0x7], $0x4000, $0x38;
	[tilespmem:$0x1CC90] =	vst v63  }
0x307: {  	s30 =	sadd.s32 @!p1 $0x8F10, s4;
	s0 =	sadd.s32 @!p1 $0x8F50, s4;
	_ =	swait.ge @!p1 [sflag:s15], $0x4000  }
0x308: {  	s17 =	sadd.s32 @!p1 $0x8F30, s4;
	s16 =	sadd.s32 @!p1 $0x8F70, s4;
	[sflag:s15] =	ssyncset.done @!p1 $0x0  }
0x309: {  	s4 =	smov.u32 s13;
	s13 =	simm.s32 @!p1 $0x10C90;
	[sflag:s15] =	ssyncadd.s32 @!p1 $0xFFFFC000  }
0x30a: {  	[tilespmem:s13], [sflag:$0x2] =	stream.indirect.gather @!p1 [hbm4b:s2+s14], $0x80, s30, s14, $0xb8;
	[tilespmem:$0x1CC90] =	vst v63  }
0x30b: {  	s15 =	simm.s32 @!p1 $0x11C90  }
0x30c: {  	[tilespmem:s15], [sflag:$0x2] =	stream.indirect.gather @!p1 [hbm4b:s2+s14], $0x80, s17, s14, $0xb8;
	[tilespmem:$0x1CC90] =	vst v63  }
0x30d: {  	s13 =	simm.s32 @!p1 $0x12C90  }
0x30e: {  	[tilespmem:s13], [sflag:$0x2] =	stream.indirect.gather @!p1 [hbm4b:s2+s14], $0x80, s0, s14, $0xb8;
	[tilespmem:$0x1CC90] =	vst v63  }
0x30f: {  	s15 =	simm.s32 @!p1 $0x13C90  }
0x310: {  	[tilespmem:s15], [sflag:$0x2] =	stream.indirect.gather @!p1 [hbm4b:s2+s14], $0x80, s16, s14, $0xb8;
	[tilespmem:$0x1CC90] =	vst v63  }
0x311: {  	_ =	swait.ge [sflag:s29], $0x1000  }
0x312: {  	[sflag:s29] =	ssyncset.done $0x0  }
0x313: {  	[sflag:s29] =	ssyncadd.s32 $0xFFFFF000  }
0x314: {  	s6 =	sadd.s32 $0x800, s6;
	_ =	swait.ge [sflag:s29], $0x1000  }
0x315: {  	p0 =	sne.s32 s6, $0x10000;
	[sflag:s29] =	ssyncset.done $0x0  }
.Ltmp8:
0x316: {  	[sflag:s29] =	ssyncadd.s32 $0xFFFFF000;
	(pc) =	sbr.rel @p0 .LBB2_18-.Ltmp8, $4  }
0x317: {  	_ =	swait.ge [sflag:s29], $0x1000  }
0x318: {  	[sflag:s29] =	ssyncset.done $0x0  }
0x319: {  	s21 =	smov.u32 s7;
	[sflag:s29] =	ssyncadd.s32 $0xFFFFF000  }
0x31a: {  	s7 =	sadd.s32 $0x2000, s7;
	p1 =	seq.s32 s4, $0x0;
	_ =	swait.ge [sflag:s29], $0x1000  }
0x31b: {  	[sflag:s29] =	ssyncset.done $0x0  }
0x31c: {  	s0 =	simm.s32 @!p1 $0x7;
	[sflag:s29] =	ssyncadd.s32 $0xFFFFF000  }
0x31d: {  	[hbm4b:s5+s3] =	stream.linear.scatter [tilespmem:s25], [sflag:$0x8], $0x4000, $0x38;
	[tilespmem:$0x1CC90] =	vst v63  }
0x31e: {  	_ =	swait.ge @!p1 [sflag:s0], $0x4000  }
0x31f: {  	s5 =	sshra.s32 s4, $0x2;
	[sflag:s0] =	ssyncset.done @!p1 $0x0  }
0x320: {  	s6 =	sadd.s32 $0x8D90, s5;
	[sflag:s0] =	ssyncadd.s32 @!p1 $0xFFFFC000  }
0x321: {  	[tilespmem:s23], [sflag:$0x3] =	stream.indirect.gather [hbm4b:s2+s20], $0x80, s6, s20, $0xb8;
	[tilespmem:$0x1CC90] =	vst v63  }
0x322: {  	s14 =	sadd.s32 $0x8DB0, s5;
	s7 =	rddreg [dreg:$0x4]  }
0x323: {  	[tilespmem:s7], [sflag:$0x3] =	stream.indirect.gather [hbm4b:s2+s20], $0x80, s14, s20, $0xb8;
	[tilespmem:$0x1CC90] =	vst v63  }
0x324: {  	s16 =	sadd.s32 $0x8DD0, s5;
	s15 =	rddreg [dreg:$0x5]  }
0x325: {  	[tilespmem:s15], [sflag:$0x3] =	stream.indirect.gather [hbm4b:s2+s20], $0x80, s16, s20, $0xb8;
	[tilespmem:$0x1CC90] =	vst v63  }
0x326: {  	s18 =	sadd.s32 $0x8DF0, s5;
	s17 =	rddreg [dreg:$0x6]  }
0x327: {  	[tilespmem:s17], [sflag:$0x3] =	stream.indirect.gather [hbm4b:s2+s20], $0x80, s18, s20, $0xb8;
	[tilespmem:$0x1CC90] =	vst v63  }
0x328: {  	_ =	swait.ge [sflag:s24], $0x1000  }
0x329: {  	[sflag:s24] =	ssyncset.done $0x0  }
0x32a: {  	[sflag:s24] =	ssyncadd.s32 $0xFFFFF000  }
0x32b: {  	_ =	swait.ge [sflag:s24], $0x1000  }
0x32c: {  	[sflag:s24] =	ssyncset.done $0x0  }
0x32d: {  	[sflag:s24] =	ssyncadd.s32 $0xFFFFF000  }
0x32e: {  	_ =	swait.ge [sflag:s24], $0x1000  }
0x32f: {  	[sflag:s24] =	ssyncset.done $0x0  }
0x330: {  	[sflag:s24] =	ssyncadd.s32 $0xFFFFF000  }
0x331: {  	_ =	swait.ge [sflag:s24], $0x1000  }
0x332: {  	[sflag:s24] =	ssyncset.done $0x0  }
0x333: {  	s0 =	simm.s32 @!p1 $0x8;
	[sflag:s24] =	ssyncadd.s32 $0xFFFFF000  }
0x334: {  	[hbm4b:s21+s3] =	stream.linear.scatter [tilespmem:s22], [sflag:$0x5], $0x4000, $0x38;
	[tilespmem:$0x1CC90] =	vst v63  }
0x335: {  	_ =	swait.ge @!p1 [sflag:s0], $0x4000  }
0x336: {  	[sflag:s0] =	ssyncset.done @!p1 $0x0  }
0x337: {  	s19 =	sadd.s32 $0x8E10, s5;
	[sflag:s0] =	ssyncadd.s32 @!p1 $0xFFFFC000  }
0x338: {  	[tilespmem:s25], [sflag:$0x4] =	stream.indirect.gather [hbm4b:s2+s20], $0x80, s19, s20, $0xb8;
	[tilespmem:$0x1CC90] =	vst v63  }
0x339: {  	s6 =	sadd.s32 $0x8E30, s5;
	s30 =	rddreg [dreg:$0x7]  }
0x33a: {  	[tilespmem:s30], [sflag:$0x4] =	stream.indirect.gather [hbm4b:s2+s20], $0x80, s6, s20, $0xb8;
	[tilespmem:$0x1CC90] =	vst v63  }
0x33b: {  	s14 =	sadd.s32 $0x8E50, s5;
	s13 =	rddreg [dreg:$0x8]  }
0x33c: {  	[tilespmem:s13], [sflag:$0x4] =	stream.indirect.gather [hbm4b:s2+s20], $0x80, s14, s20, $0xb8;
	[tilespmem:$0x1CC90] =	vst v63  }
0x33d: {  	s16 =	sadd.s32 $0x8E70, s5;
	s15 =	rddreg [dreg:$0x9]  }
0x33e: {  	[tilespmem:s15], [sflag:$0x4] =	stream.indirect.gather [hbm4b:s2+s20], $0x80, s16, s20, $0xb8;
	[tilespmem:$0x1CC90] =	vst v63  }
0x33f: {  	_ =	swait.ge [sflag:s26], $0x1000  }
0x340: {  	[sflag:s26] =	ssyncset.done $0x0  }
0x341: {  	[sflag:s26] =	ssyncadd.s32 $0xFFFFF000  }
0x342: {  	_ =	swait.ge [sflag:s26], $0x1000  }
0x343: {  	[sflag:s26] =	ssyncset.done $0x0  }
0x344: {  	[sflag:s26] =	ssyncadd.s32 $0xFFFFF000  }
0x345: {  	_ =	swait.ge [sflag:s26], $0x1000  }
0x346: {  	[sflag:s26] =	ssyncset.done $0x0  }
0x347: {  	[sflag:s26] =	ssyncadd.s32 $0xFFFFF000  }
0x348: {  	_ =	swait.ge [sflag:s26], $0x1000  }
0x349: {  	p0 =	seq.s32 s4, $0xF800;
	[sflag:s26] =	ssyncset.done $0x0  }
0x34a: {  	s5 =	simm.s32 @!p0 $0x5;
	s17 =	sadd.s32 $0x800, s21;
	[sflag:s26] =	ssyncadd.s32 $0xFFFFF000  }
0x34b: {  	[hbm4b:s17+s3] =	stream.linear.scatter [tilespmem:s31], [sflag:$0x6], $0x4000, $0x38;
	[tilespmem:$0x1CC90] =	vst v63  }
0x34c: {  	s0 =	sshra.s32 @!p0 s4, $0x2;
	_ =	swait.ge @!p0 [sflag:s5], $0x4000  }
0x34d: {  	s4 =	sadd.s32 @!p0 $0x8E90, s0;
	[sflag:s5] =	ssyncset.done @!p0 $0x0  }
0x34e: {  	s6 =	simm.s32 @!p0 $0x20;
	[sflag:s5] =	ssyncadd.s32 @!p0 $0xFFFFC000;
	s5 =	simm.s32 @!p0 $0xCC90  }
0x34f: {  	[tilespmem:s5], [sflag:$0x1] =	stream.indirect.gather @!p0 [hbm4b:s2+s6], $0x80, s4, s6, $0xb8;
	[tilespmem:$0x1CC90] =	vst v63  }
0x350: {  	s4 =	sadd.s32 @!p0 $0x8EB0, s0;
	s5 =	simm.s32 @!p0 $0xDC90  }
0x351: {  	[tilespmem:s5], [sflag:$0x1] =	stream.indirect.gather @!p0 [hbm4b:s2+s6], $0x80, s4, s6, $0xb8;
	[tilespmem:$0x1CC90] =	vst v63  }
0x352: {  	s4 =	sadd.s32 @!p0 $0x8ED0, s0;
	s5 =	simm.s32 @!p0 $0xEC90  }
0x353: {  	[tilespmem:s5], [sflag:$0x1] =	stream.indirect.gather @!p0 [hbm4b:s2+s6], $0x80, s4, s6, $0xb8;
	[tilespmem:$0x1CC90] =	vst v63  }
0x354: {  	s4 =	sadd.s32 @!p0 $0x8EF0, s0;
	s5 =	simm.s32 @!p0 $0xFC90  }
0x355: {  	[tilespmem:s5], [sflag:$0x1] =	stream.indirect.gather @!p0 [hbm4b:s2+s6], $0x80, s4, s6, $0xb8;
	[tilespmem:$0x1CC90] =	vst v63  }
0x356: {  	_ =	swait.ge [sflag:s28], $0x1000  }
0x357: {  	[sflag:s28] =	ssyncset.done $0x0  }
0x358: {  	[sflag:s28] =	ssyncadd.s32 $0xFFFFF000  }
0x359: {  	_ =	swait.ge [sflag:s28], $0x1000  }
0x35a: {  	[sflag:s28] =	ssyncset.done $0x0  }
0x35b: {  	[sflag:s28] =	ssyncadd.s32 $0xFFFFF000  }
0x35c: {  	_ =	swait.ge [sflag:s28], $0x1000  }
0x35d: {  	[sflag:s28] =	ssyncset.done $0x0  }
0x35e: {  	[sflag:s28] =	ssyncadd.s32 $0xFFFFF000  }
0x35f: {  	_ =	swait.ge [sflag:s28], $0x1000  }
0x360: {  	[sflag:s28] =	ssyncset.done $0x0  }
0x361: {  	s18 =	sadd.s32 $0x1000, s21;
	s5 =	simm.s32 @!p0 $0x6;
	[sflag:s28] =	ssyncadd.s32 $0xFFFFF000  }
0x362: {  	[hbm4b:s18+s3] =	stream.linear.scatter [tilespmem:s23], [sflag:$0x7], $0x4000, $0x38;
	[tilespmem:$0x1CC90] =	vst v63  }
0x363: {  	_ =	swait.ge @!p0 [sflag:s5], $0x4000  }
0x364: {  	[sflag:s5] =	ssyncset.done @!p0 $0x0  }
0x365: {  	s4 =	sadd.s32 @!p0 $0x8F10, s0;
	[sflag:s5] =	ssyncadd.s32 @!p0 $0xFFFFC000;
	s5 =	simm.s32 @!p0 $0x10C90  }
0x366: {  	[tilespmem:s5], [sflag:$0x2] =	stream.indirect.gather @!p0 [hbm4b:s2+s6], $0x80, s4, s6, $0xb8;
	[tilespmem:$0x1CC90] =	vst v63  }
0x367: {  	s4 =	sadd.s32 @!p0 $0x8F30, s0;
	s5 =	simm.s32 @!p0 $0x11C90  }
0x368: {  	[tilespmem:s5], [sflag:$0x2] =	stream.indirect.gather @!p0 [hbm4b:s2+s6], $0x80, s4, s6, $0xb8;
	[tilespmem:$0x1CC90] =	vst v63  }
0x369: {  	s4 =	sadd.s32 @!p0 $0x8F50, s0;
	s5 =	simm.s32 @!p0 $0x12C90  }
0x36a: {  	[tilespmem:s5], [sflag:$0x2] =	stream.indirect.gather @!p0 [hbm4b:s2+s6], $0x80, s4, s6, $0xb8;
	[tilespmem:$0x1CC90] =	vst v63  }
0x36b: {  	s0 =	sadd.s32 @!p0 $0x8F70, s0;
	s4 =	simm.s32 @!p0 $0x13C90  }
0x36c: {  	[tilespmem:s4], [sflag:$0x2] =	stream.indirect.gather @!p0 [hbm4b:s2+s6], $0x80, s0, s6, $0xb8;
	[tilespmem:$0x1CC90] =	vst v63  }
0x36d: {  	_ =	swait.ge [sflag:s29], $0x1000  }
0x36e: {  	[sflag:s29] =	ssyncset.done $0x0  }
0x36f: {  	[sflag:s29] =	ssyncadd.s32 $0xFFFFF000  }
0x370: {  	_ =	swait.ge [sflag:s29], $0x1000  }
0x371: {  	[sflag:s29] =	ssyncset.done $0x0  }
0x372: {  	[sflag:s29] =	ssyncadd.s32 $0xFFFFF000  }
0x373: {  	_ =	swait.ge [sflag:s29], $0x1000  }
0x374: {  	[sflag:s29] =	ssyncset.done $0x0  }
0x375: {  	[sflag:s29] =	ssyncadd.s32 $0xFFFFF000  }
0x376: {  	_ =	swait.ge [sflag:s29], $0x1000  }
0x377: {  	[sflag:s29] =	ssyncset.done $0x0  }
0x378: {  	s19 =	simm.s32 $0x5;
	[sflag:s29] =	ssyncadd.s32 $0xFFFFF000  }
0x379: {  	[hbm4b:s12+s3] =	stream.linear.scatter [tilespmem:s25], [sflag:$0x8], $0x4000, $0x38;
	[tilespmem:$0x1CC90] =	vst v63  }
0x37a: {  	_ =	swait.ge [sflag:s19], $0x4000  }
0x37b: {  	[sflag:s19] =	ssyncset.done $0x0  }
0x37c: {  	s21 =	simm.s32 $0x6;
	[sflag:s19] =	ssyncadd.s32 $0xFFFFC000  }
0x37d: {  	_ =	swait.ge [sflag:s21], $0x4000  }
0x37e: {  	[sflag:s21] =	ssyncset.done $0x0  }
0x37f: {  	[sflag:s21] =	ssyncadd.s32 $0xFFFFC000  }
0x380: {  	_ =	swait.ge [sflag:s1], $0x4000  }
0x381: {  	[sflag:s1] =	ssyncset.done $0x0  }
0x382: {  	[sflag:s1] =	ssyncadd.s32 $0xFFFFC000  }
0x383: {  	_ =	swait.ge [sflag:s9], $0x4000  }
0x384: {  	s11 =	sadd.s32 $0x1, s11;
	s30 =	rddreg [dreg:$0xd]  }
0x385: {  	p0 =	sne.s32 s11, s30  }
.Ltmp9:
0x386: {  	_ = 	snop;
	(pc) =	sbr.rel @p0 .LBB2_1-.Ltmp9, $3  }
0x387: {  	_ =	sdelay $0x1  }
0x388: {  	[sflag:s9] =	ssyncset.done $0x0  }
0x389: {  	[sflag:s9] =	ssyncadd.s32 $0xFFFFC000  }
0x38a: {  	_ =	sfence.sel $0x180000  }
0x38b: {  	[bflag:$0x0] =	sbarrier.arrive $0xFFFF  }
0x38c: {  	_ =	strace $0x90000047  }
0x38d: {  	s0 =	stileid.u32;
	[bflag:$0x2] =	sbarrier.arrive $0xFFFF  }
0x38e: {  	p0 =	sne.s32 s0, $0x0;
	s0 =	rddreg [dreg:$0x3]  }
0x38f: {  	s0 =	sadd.s32 @!p0 $0x100000, s0  }
0x390: {  	[sflag:s0] =	ssyncadd.tile.s32 @!p0 $0x1;
	_ =	shalt  }
.Lfunc_end2:
_tile_overlayer_lowered:
.L_overlay_start_2:
0x391: {  	(tag) =	ssettag $0x2  }
0x392: {  	s0 =	rddreg [dreg:$0x0];
	s2 =	stileid.u32  }
0x393: {  	s1 =	rddreg [dreg:$0x1];
	p0 =	sne.s32 s2, $0x0  }
0x394: {  	s3 =	rddreg [dreg:$0x2];
	[bflag:$0x3] =	sbarrier.arrive $0xFFFF;
	s2 =	simm.s32 @!p0 $0x1C09  }
0x395: {  	[timem:s3], [sflag:s2] =	dma.local @!p0 [hbm:s0], s1  }
0x396: {  	s0 =	simm.s32 @!p0 $0x9  }
0x397: {  	_ =	swait.ge @!p0 [sflag:s0], s1  }
0x398: {  	s1 =	ssub.s32 @!p0 $0x0, s1;
	[sflag:s0] =	ssyncset.done @!p0 $0x0  }
0x399: {  	[sflag:s0] =	ssyncadd.s32 @!p0 s1  }
0x39a: {  	[bflag:$0x3] =	sbarrier.arrive $0xFFFF  }
0x39b: {  	_ =	shalt  }

// kernel: sparse-core-data-format-call.cloned.1.call-start
scs
called_computation_lowered:
.L_overlay_start_0:
0x0: {  	s2 =	sld [smem:$0x3FD9]  }
0x1: {  	s3 =	sld [smem:$0x3FFE];
	_ =	sdelay $0x1  }
0x2: {  	s1 =	srdreg.scid  }
0x3: {  	s0 =	sand.u32 $0x1, s1  }
0x4: {  	s18 =	sshll.u32 s0, $0xA;
	s2 =	sadd.s32 s3, s2  }
0x5: {  	s2 =	sadd.s32 s2, s18  }
0x6: {  	[smem:$0x3FC5] =	sst s2  }
0x7: {  	_ = 	snop  }
0x8: {  	s2 =	sld [smem:$0x3FD0];
	(tm) =	ssettm $0x1  }
0x9: {  	s19 =	sld [smem:$0x3FFB];
	_ =	sdelay $0x3  }
0xa: {  	_ =	strace s19  }
0xb: {  	s3 =	sld [smem:$0x3FFC];
	_ =	sdelay $0x3  }
0xc: {  	_ =	strace s3  }
0xd: {  	s3 =	sld [smem:$0x3FFD];
	_ =	sdelay $0x3  }
0xe: {  	_ =	strace s3  }
0xf: {  	_ =	strace $0x8FFFFFFF  }
0x10: {  	s20 =	sld [smem:$0x3FDB];
	_ =	sdelay $0x1  }
0x11: {  	s4 =	simm.s32 $_scs_section_size  }
0x12: {  	s5 =	simm.s32 $_size__tile_overlayer_lowered;
	s6 =	simm.s32 $_tile_overlayer_lowered  }
0x13: {  	s23 =	simm.s32 $0x1BFF;
	s22 =	sshll.u32 s6, $0x1;
	s3 =	sadd.s32 s4, s20  }
0x14: {  	s7 =	simm.s32 $0x0;
	s21 =	sshll.u32 s5, $0x1;
	s5 =	sadd.s32 s22, s3  }
0x15: {  	[timem:s7], [sflag:s23] =	dma.local [hbm:s5], s21  }
0x16: {  	_ =	swait.ge [sflag:s23], s21  }
0x17: {  	s4 =	ssub.s32 $0x0, s21;
	[sflag:s23] =	ssyncset.done $0x0  }
0x18: {  	[sflag:s23] =	ssyncadd.s32 s4;
	_ =	sdelay $0x1  }
0x19: {  	s24 =	simm.s32 $0x1B8B  }
0x1a: {  	_ =	swait.ge [sflag:s24], $0x1  }
0x1b: {  	[sflag:s24] =	ssyncset.done $0x0  }
0x1c: {  	s26 =	simm.s32 $0x1B8E;
	s25 =	sld [smem:$0x3FFE];
	[sflag:s24] =	ssyncadd.s32 $0xFFFFFFFF  }
0x1d: {  	s27 =	simm.s32 $execute0_lowered;
	[smem:$0x3FD2] =	sst s26  }
0x1e: {  	s5 =	sshll.u32 s27, $0x1;
	_ =	strace $0x80000049;
	[dreg:$0x1] =	wrdreg $0xFFFFFFFF  }
0x1f: {  	s28 =	simm.s32 $_size_execute0_lowered;
	s3 =	sadd.s32 s3, s5;
	[dreg:$0x0] =	wrdreg $0x0  }
0x20: {  	s5 =	sshll.u32 s28, $0x1;
	[dreg:$0x2] =	wrdreg s3  }
0x21: {  	[dreg:$0x3] =	wrdreg s5  }
0x22: {  	[dreg:$0x4] =	wrdreg $0xC0  }
0x23: {  	_ =	task [dreg:s7], $0x5FFFF  }
0x24: {  	[dreg:$0x1] =	wrdreg $0xFFFFFFFF  }
0x25: {  	[dreg:$0x0] =	wrdreg $0x60  }
0x26: {  	[dreg:$0x2] =	wrdreg s25  }
0x27: {  	[dreg:$0x3] =	wrdreg s2  }
0x28: {  	[dreg:$0x4] =	wrdreg $0x9  }
0x29: {  	_ =	task.clear_ibuf [dreg:s7], $0x5FFFF;
	_ =	strace $0x90000049  }
0x2a: {  	s29 =	simm.s32 $0x9;
	_ =	strace $0x8000004B  }
0x2b: {  	_ =	swait.ge [sflag:s29], $0x1  }
0x2c: {  	[sflag:s29] =	ssyncadd.s32 $0xFFFFFFFF  }
0x2d: {  	_ =	strace $0x9000004B  }
0x2e: {  	_ =	sfence  }
0x2f: {  	s30 =	sld [smem:$0x0];
	_ =	sdelay $0x2  }
0x30: {  	s31 =	sshll.u32 s1, $0xD;
	s1 =	sshrl.u32 s1, $0x2  }
0x31: {  	s3 =	sand.u32 $0x4000, s31;
	s1 =	sadd.s32 s1, s30  }
0x32: {  	s0 =	sor.u32 s3, s0;
	s1 =	sshll.u32 s1, $0x11  }
0x33: {  	s0 =	sor.u32 s1, s0  }
0x34: {  	s0 =	sadd.s32 $0x8F2B, s0  }
0x35: {  	[sflag:s0] =	ssyncadd.remote.s32 $0x1  }
0x36: {  	_ =	sfence.sel $0xFFFF  }
0x37: {  	[dreg:$0x0] =	wrdreg $0xFFFFFFFF;
	(pc) =	sbr.abs _section_cstart, $3  }
0x38: {  	[dreg:$0x1] =	wrdreg $0xFFFFFFFF  }
0x39: {  	_ =	task.clear_ibuf [dreg:s7], $0x2FFFF;
	_ =	strace $0x9FFFFFFF  }
0x3a: {  	(tm) =	ssettm $0x7FFFFFFF  }
0x3b: {  	_ =	shalt  }
tec
execute0_lowered:
.L_overlay_start_1:
0x0: {  	(tag) =	ssettag $0x1  }
0x1: {  	s0 =	srdreg.scid  }
0x2: {  	s1 =	sshll.u32 s0, $0x4  }
0x3: {  	s0 =	stileid.u32;
	s1 =	sand.u32 $0x10, s1  }
0x4: {  	s1 =	sor.u32 s0, s1  }
0x5: {  	s6 =	rddreg [dreg:$0x0];
	s4 =	simm.s32 $0x1;
	s2 =	sshll.u32 s1, $0x7  }
0x6: {  	s7 =	simm.s32 $0x2;
	s12 =	simm.s32 $0x0;
	s1 =	ssub.s32 $0x4000, s2  }
0x7: {  	s8 =	simm.s32 $0x20000;
	s13 =	simm.s32 $0x0;
	s3 =	sand.u32 $0xF80, s1  }
0x8: {  	s9 =	simm.s32 $0x0;
	s5 =	sshrl.u32 s1, $0xC;
	p0 =	sne.s32 s3, $0x0  }
.Ltmp0:
0x9: {  	s1 =	rddreg [dreg:$0x2];
	s4 =	simm.s32 @!p0 $0x0;
	(pc) =	sbr.rel .LBB1_1-.Ltmp0, $4  }
0xa: {  	s11 =	simm.s32 $0x0;
	s3 =	rddreg [dreg:$0x1];
	s5 =	sadd.s32 s4, s5  }
0xb: {  	_ =	strace $0x8000004A;
	s4 =	simm.s32 $0x1;
	s5 =	smul.u32 $0x1F, s5  }
0xc: {  	s6 =	sadd.s32 $0xC00, s6;
	s10 =	smov.u32 s2;
	[sflag:s4] =	ssyncpa.u1 $0x0  }
0xd: {  	p0 =	por $0x0, $0x0;
	[sflag:s7] =	ssyncpa.u1 $0x0;
	s7 =	sadd.s32 $0x1, s5  }
.LBB1_4:
0xe: {  	s16 =	sshll.u32 s13, $0x3;
	s17 =	sand.u32 $0x78, s13  }
0xf: {  	s30 =	sand.u32 $0x1F800, s13;
	s12 =	sshll.u32 s12, $0x11;
	s16 =	sand.u32 $0x3C00, s16  }
0x10: {  	[tilespmem:s15+$0x810 ss:$0x81] =	vst.msk $0xffff, v2;
	s31 =	sand.u32 $0x7, s13;
	s16 =	sor.u32 s17, s16;
	s17 =	sadd.s32 s3, s30  }
0x11: {  	[tilespmem:s15+$0x1020 ss:$0x81] =	vst.msk $0xffff, v0;
	s13 =	sshll.u32 s31, $0x12;
	s12 =	sadd.s32 s12, s17;
	s16 =	sshrl.u32 s16, $0x3  }
0x12: {  	[tilespmem:s15+$0x0 ss:$0x81] =	vst.msk $0xffff, v1;
	s13 =	sor.u32 $0x400, s13;
	s12 =	sadd.s32 s16, s12  }
0x13: {  	[hbm4b:s12+s13] =	stream.strided.scatter [tilespmem:s14], [sflag:$0x2], $0x2000, s8, s13, $0x20;
	[tilespmem:$0x8080] =	vst v63  }
.LBB1_5:
0x14: {  	s14 =	sadd.s32 $0x1, s9  }
0x15: {  	s12 =	sadd.s32 $0x1000, s10;
	s16 =	smov.u32 s10;
	p2 =	sgt.s32 s14, $0x1E  }
0x16: {  	s16 =	smov.u32 @p2 s12  }
0x17: {  	s14 =	simm.s32 @p2 $0x0;
	p2 =	sgt.s32 s16, $0x3FFF  }
0x18: {  	s16 =	smov.u32 @p2 s2;
	p2 =	sne.s32 s11, s7  }
.Ltmp1:
0x19: {  	p1 =	slt.u32 s11, $0x2;
	(pc) =	sbr.rel @!p2 .LBB1_6-.Ltmp1, $4  }
0x1a: {  	s15 =	simm.s32 @!p1 $0x2  }
0x1b: {  	s13 =	smov.u32 s10;
	p0 =	por !p0, !p0;
	_ =	swait.ge @!p1 [sflag:s15], $0x2000  }
0x1c: {  	s12 =	smov.u32 s9;
	[sflag:s15] =	ssyncset.done @!p1 $0x0;
	s9 =	smov.u32 s14  }
0x1d: {  	s11 =	sadd.s32 $0x1, s11;
	[sflag:s15] =	ssyncadd.s32 @!p1 $0xFFFFE000;
	s10 =	smov.u32 s16  }
.LBB1_1:
0x1e: {  	p1 =	sge.u32 s11, s5  }
0x1f: {  	s31 =	sadd.s32 $0xFFFFFFFF, s11;
	s14 =	sxor.u32 @!p1 $0xFFFFFFFF, s11  }
0x20: {  	s15 =	sshll.u32 @!p1 s10, $0x9;
	s16 =	sshll.u32 @!p1 s9, $0x4;
	s17 =	simm.s32 @!p1 $0x1000  }
0x21: {  	s14 =	sshll.u32 @!p1 s14, $0xD;
	s16 =	sand.u32 @!p1 $0x1F0, s16;
	s15 =	sadd.s32 @!p1 s6, s15  }
0x22: {  	s14 =	sand.u32 @!p1 $0x2000, s14;
	s15 =	sadd.s32 @!p1 s16, s15;
	s16 =	simm.s32 @!p1 $0x40  }
0x23: {  	[tilespmem:s14], [sflag:$0x1] =	stream.strided.gather @!p1 [hbm4b:s15+s16], $0x2000, s17, s16, $0x38;
	[tilespmem:$0x8080] =	vst v63  }
0x24: {  	p1 =	sge.u32 s31, s5  }
.Ltmp2:
0x25: {  	_ = 	snop;
	(pc) =	sbr.rel @p1 .LBB1_5-.Ltmp2, $1  }
0x26: {  	_ =	sdelay $0x3  }
0x27: {  	s14 =	simm.s32 $0x1  }
0x28: {  	_ =	swait.ge [sflag:s4], $0x2000;
	s14 =	simm.s32 @!p0 $0x0  }
0x29: {  	[sflag:s4] =	ssyncset.done $0x0;
	s15 =	sshll.u32 s14, $0xD  }
0x2a: {  	[sflag:s4] =	ssyncadd.s32 $0xFFFFE000;
	s18 =	sor.u32 $0x20, s15  }
0x2b: {  	s14 =	smul.u32 $0x8100, s14;
	v3 =	vld [tilespmem:s18+$0x10]  }
0x2c: {  	s30 =	sand.u32 $0x1, s11;
	v2 =	vld [tilespmem:s18+$0xFFFFFFF0]  }
0x2d: {  	s15 =	smul.u32 $0x8100, s30;
	s14 =	sshrl.u32 s14, $0x2;
	v0 =	vld [tilespmem:s18+$0x0]  }
0x2e: {  	v1 =	vld [tilespmem:s18+$0xFFFFFFE0];
	s16 =	sor.u32 $0x4000, s14  }
0x2f: {  	s31 =	sshrl.u32 s15, $0x2;
	s15 =	sadd.s32 $0x0, s16  }
0x30: {  	s17 =	simm.s32 $0x4;
	s18 =	sadd.s32 $0x40, s18;
	s14 =	sor.u32 $0x4000, s31;
	[tilespmem:s15+$0x1830 ss:$0x81] =	vst.msk $0xffff, v3  }
.LBB1_3:
0x31: {  	v3 =	vld [tilespmem:s18+$0x10];
	p1 =	sne.s32 s17, $0x1FC;
	[tilespmem:s15+$0x810 ss:$0x81] =	vst.msk $0xffff, v2;
	s19 =	smov.u32 s17;
	s17 =	sadd.s32 $0x4, s17  }
.Ltmp3:
0x32: {  	v2 =	vld [tilespmem:s18+$0xFFFFFFF0];
	[tilespmem:s15+$0x1020 ss:$0x81] =	vst.msk $0xffff, v0;
	(pc) =	sbr.rel @p1 .LBB1_3-.Ltmp3, $4  }
0x33: {  	v0 =	vld [tilespmem:s18+$0x0];
	[tilespmem:s15+$0x0 ss:$0x81] =	vst.msk $0xffff, v1  }
0x34: {  	s15 =	sshra.s32 s19, $0x2;
	v1 =	vld [tilespmem:s18+$0xFFFFFFE0]  }
0x35: {  	s15 =	sadd.s32 s15, s16  }
0x36: {  	s18 =	sadd.s32 $0x40, s18;
	[tilespmem:s15+$0x1830 ss:$0x81] =	vst.msk $0xffff, v3  }
.Ltmp4:
0x37: {  	_ = 	snop;
	(pc) =	sbr.rel .LBB1_4-.Ltmp4, $1  }
0x38: {  	_ =	sdelay $0x3  }
.LBB1_6:
0x39: {  	_ =	sfence.sel $0x180000  }
0x3a: {  	s2 =	simm.s32 $0x1;
	[bflag:$0x0] =	sbarrier.arrive $0xFFFF  }
0x3b: {  	s31 =	simm.s32 $0x2;
	[sflag:s2] =	ssyncpa.u1 $0x1  }
0x3c: {  	[sflag:s31] =	ssyncpa.u1 $0x1  }
0x3d: {  	p0 =	sne.s32 s0, $0x0;
	_ =	strace $0x9000004A  }
0x3e: {  	s0 =	sadd.s32 @!p0 $0x100000, s1;
	[bflag:$0x2] =	sbarrier.arrive $0xFFFF  }
0x3f: {  	[sflag:s0] =	ssyncadd.tile.s32 @!p0 $0x1;
	_ =	shalt  }
.Lfunc_end1:
_tile_overlayer_lowered:
.L_overlay_start_2:
0x40: {  	(tag) =	ssettag $0x2  }
0x41: {  	s0 =	rddreg [dreg:$0x0];
	s2 =	stileid.u32  }
0x42: {  	s1 =	rddreg [dreg:$0x1];
	p0 =	sne.s32 s2, $0x0  }
0x43: {  	s3 =	rddreg [dreg:$0x2];
	[bflag:$0x3] =	sbarrier.arrive $0xFFFF;
	s2 =	simm.s32 @!p0 $0x1C01  }
0x44: {  	[timem:s3], [sflag:s2] =	dma.local @!p0 [hbm:s0], s1  }
0x45: {  	s0 =	simm.s32 @!p0 $0x1  }
0x46: {  	_ =	swait.ge @!p0 [sflag:s0], s1  }
0x47: {  	s1 =	ssub.s32 @!p0 $0x0, s1;
	[sflag:s0] =	ssyncset.done @!p0 $0x0  }
0x48: {  	[sflag:s0] =	ssyncadd.s32 @!p0 s1  }
0x49: {  	[bflag:$0x3] =	sbarrier.arrive $0xFFFF  }
0x4a: {  	_ =	shalt  }

</sc_bundles>
